<compile_context>
chip_gen: v7x
topology: tpu7x:2x2x1
jax: 0.10.2.dev20260603
libtpu: 0.0.44.dev20260713+nightly
codegen_flags: <defaults>
</compile_context>

<pallas_src>
import functools

import jax
import jax.numpy as jnp
from jax import lax
from jax.experimental import pallas as pl
from jax.experimental.pallas import tpu as pltpu
from jax.experimental.pallas import tpu_sc as plsc

_INFO = plsc.get_sparse_core_info()
_NC = _INFO.num_cores
_NS = _INFO.num_subcores
_LANES = _INFO.num_lanes
_NW = _NC * _NS

_B = 16384
_E = 16
_R = 1_000_000
_RP = 1_000_064
_BPW = _B // _NW

_DCH = 65536
_NBLK = -(-_R // _DCH)
_TAIL = _RP - (_NBLK - 1) * _DCH

_MESH = plsc.VectorSubcoreMesh(core_axis_name="c", subcore_axis_name="s")


def _detile_body(uT_ref, pT_ref, ubT_ref, pbT_ref, uflat_hbm, pflat_hbm,
                 ubflat_hbm, pbflat_hbm, sem):
    i = pl.program_id(0)

    def emit(src_ref, dst_hbm, width):
        cps = []
        for e in range(_E):
            cps.append(pltpu.make_async_copy(
                src_ref.at[e, pl.ds(0, width)],
                dst_hbm.at[pl.ds(e * _RP + i * _DCH, width)], sem))
        for c in cps:
            c.start()
        for c in cps:
            c.wait()

    def emit1(src_ref, dst_hbm, width):
        c = pltpu.make_async_copy(
            src_ref.at[0, pl.ds(0, width)],
            dst_hbm.at[pl.ds(i * _DCH, width)], sem)
        c.start()
        c.wait()

    @pl.when(i < _NBLK - 1)
    def _():
        emit(uT_ref, uflat_hbm, _DCH)
        emit(pT_ref, pflat_hbm, _DCH)
        emit1(ubT_ref, ubflat_hbm, _DCH)
        emit1(pbT_ref, pbflat_hbm, _DCH)

    @pl.when(i == _NBLK - 1)
    def _():
        emit(uT_ref, uflat_hbm, _TAIL)
        emit(pT_ref, pflat_hbm, _TAIL)
        emit1(ubT_ref, ubflat_hbm, _TAIL)
        emit1(pbT_ref, pbflat_hbm, _TAIL)


_detile = pl.pallas_call(
    _detile_body,
    grid=(_NBLK,),
    compiler_params=pltpu.CompilerParams(
        dimension_semantics=("parallel",)),
    in_specs=[
        pl.BlockSpec((_E, _DCH), lambda i: (0, i)),
        pl.BlockSpec((_E, _DCH), lambda i: (0, i)),
        pl.BlockSpec((1, _DCH), lambda i: (0, i)),
        pl.BlockSpec((1, _DCH), lambda i: (0, i)),
    ],
    out_specs=[
        pl.BlockSpec(memory_space=pl.ANY),
        pl.BlockSpec(memory_space=pl.ANY),
        pl.BlockSpec(memory_space=pl.ANY),
        pl.BlockSpec(memory_space=pl.ANY),
    ],
    out_shape=[
        jax.ShapeDtypeStruct((_E * _RP,), jnp.float32),
        jax.ShapeDtypeStruct((_E * _RP,), jnp.float32),
        jax.ShapeDtypeStruct((_RP,), jnp.float32),
        jax.ShapeDtypeStruct((_RP,), jnp.float32),
    ],
    scratch_shapes=[pltpu.SemaphoreType.DMA],
)


@functools.partial(
    pl.kernel,
    mesh=_MESH,
    compiler_params=pltpu.CompilerParams(use_tc_tiling_on_sc=False),
    out_type=[
        jax.ShapeDtypeStruct((_NW, _LANES), jnp.float32),
        jax.ShapeDtypeStruct((_B,), jnp.float32),
        jax.ShapeDtypeStruct((_B,), jnp.float32),
    ],
    scratch_types=[
        pltpu.VMEM((_BPW,), jnp.int32),
        pltpu.VMEM((_BPW,), jnp.int32),
        pltpu.VMEM((_E, _BPW), jnp.float32),
        pltpu.VMEM((_E, _BPW), jnp.float32),
        pltpu.VMEM((_BPW,), jnp.float32),
        pltpu.VMEM((_BPW,), jnp.float32),
        pltpu.VMEM((_LANES,), jnp.float32),
        pltpu.SemaphoreType.DMA,
    ],
)
def _sc_gather_dot(uidx_hbm, pidx_hbm, uflat_hbm, pflat_hbm, ubias_hbm,
                   pbias_hbm, partials_hbm, ub_out_hbm, pb_out_hbm,
                   uidx_v, pidx_v, urows_v, prows_v, ub_v, pb_v, acc_v, sem):
    wid = lax.axis_index("s") * _NC + lax.axis_index("c")
    base = wid * _BPW

    pltpu.sync_copy(uidx_hbm.at[pl.ds(base, _BPW)], uidx_v)
    pltpu.sync_copy(pidx_hbm.at[pl.ds(base, _BPW)], pidx_v)

    copies = []
    for e in range(_E):
        copies.append(pltpu.async_copy(
            uflat_hbm.at[pl.ds(e * _RP, _R)].at[uidx_v], urows_v.at[e], sem))
        copies.append(pltpu.async_copy(
            pflat_hbm.at[pl.ds(e * _RP, _R)].at[pidx_v], prows_v.at[e], sem))
    copies.append(pltpu.async_copy(
        ubias_hbm.at[pl.ds(0, _R)].at[uidx_v], ub_v, sem))
    copies.append(pltpu.async_copy(
        pbias_hbm.at[pl.ds(0, _R)].at[pidx_v], pb_v, sem))
    for c in copies:
        c.wait()

    nch = _BPW // _LANES

    def body(i, acc):
        return acc + (urows_v[i // nch, pl.ds((i % nch) * _LANES, _LANES)] *
                      prows_v[i // nch, pl.ds((i % nch) * _LANES, _LANES)])

    acc = lax.fori_loop(0, _E * nch, body,
                        jnp.zeros((_LANES,), jnp.float32), unroll=8)
    acc_v[...] = acc

    pltpu.sync_copy(acc_v, partials_hbm.at[wid])
    pltpu.sync_copy(ub_v, ub_out_hbm.at[pl.ds(base, _BPW)])
    pltpu.sync_copy(pb_v, pb_out_hbm.at[pl.ds(base, _BPW)])


def _tc_combine_body(partials_ref, ub_ref, pb_ref, out_ref):
    s = jnp.sum(partials_ref[...])
    out_ref[...] = jax.nn.sigmoid(ub_ref[...] + pb_ref[...] + s)


def kernel(inputs, user_embedding, user_bias, place_embedding, place_bias):
    uidx = inputs[:, 0].astype(jnp.int32)
    pidx = inputs[:, 1].astype(jnp.int32)
    uflat, pflat, ubflat, pbflat = _detile(
        user_embedding.T, place_embedding.T, user_bias.T, place_bias.T)
    partials, ubg, pbg = _sc_gather_dot(
        uidx, pidx, uflat, pflat, ubflat, pbflat)
    out = pl.pallas_call(
        _tc_combine_body,
        out_shape=jax.ShapeDtypeStruct((128, 128), jnp.float32),
    )(partials.reshape(4, 128), ubg.reshape(128, 128), pbg.reshape(128, 128))
    return out.reshape(_B, 1)

# --- scband reference (transcript-rebuilt; emitter-appended) ---
"""Pipeline reference for scband-recommender-net-78812649882272 (READ-ONLY COPY).

The authoritative reference and input builder live on the scoring server;
editing this copy changes nothing except your own understanding.
"""

import jax, jax.numpy as jnp
import numpy as np

NUM_USERS = 1000000
NUM_PLACE = 1000000
EMBED = 16
BATCH = 16384

def setup_inputs(seed: int = 0) -> dict:
    key = jax.random.key(seed)
    k1, k2, k3, k4, k5 = jax.random.split(key, 5)
    inputs = jax.random.randint(k1, (BATCH, 2), 0, NUM_USERS, dtype=jnp.int64 if jax.config.jax_enable_x64 else jnp.int32)
    # he_normal init: stddev = sqrt(2 / fan_in)
    he_std = float(np.sqrt(2.0 / EMBED))
    user_embedding = jax.random.normal(k2, (NUM_USERS, EMBED), dtype=jnp.float32) * he_std
    place_embedding = jax.random.normal(k3, (NUM_PLACE, EMBED), dtype=jnp.float32) * he_std
    # keras Embedding default init is uniform(-0.05, 0.05)
    user_bias = jax.random.uniform(k4, (NUM_USERS, 1), dtype=jnp.float32, minval=-0.05, maxval=0.05)
    place_bias = jax.random.uniform(k5, (NUM_PLACE, 1), dtype=jnp.float32, minval=-0.05, maxval=0.05)
    return {
        "inputs": inputs,
        "user_embedding": user_embedding,
        "user_bias": user_bias,
        "place_embedding": place_embedding,
        "place_bias": place_bias,
    }

def reference(inputs, user_embedding, user_bias, place_embedding, place_bias):
    user_idx = inputs[:, 0]
    place_idx = inputs[:, 1]
    user_vector = jnp.take(user_embedding, user_idx, axis=0)      # [B, E]
    # dropout rate = 0 -> identity
    u_bias = jnp.take(user_bias, user_idx, axis=0)                # [B, 1]
    place_vector = jnp.take(place_embedding, place_idx, axis=0)  # [B, E]
    p_bias = jnp.take(place_bias, place_idx, axis=0)              # [B, 1]
    # tf.tensordot(a, b, 2) fully contracts both axes -> scalar (faithful to original)
    dot_user_place = jnp.tensordot(user_vector, place_vector, 2)  # scalar
    x = dot_user_place + u_bias + p_bias                          # [B, 1]
    return jax.nn.sigmoid(x)

if False:  # reference __main__ guard neutralized (emitter)
    out = reference(**setup_inputs())
    print(out.shape, out.dtype)

if __name__ == "__main__":
    import jax
    _d = setup_inputs()
    print(jax.jit(kernel)(*tuple(_d.values())))

</pallas_src>

<mosaic_0001>
#map = affine_map<(d0, d1) -> (0)>
#map1 = affine_map<(d0, d1) -> (0, 0)>
module attributes {stable_mosaic.version = 14 : i64} {
  func.func @_sc_gather_dot(%arg0: i32, %arg1: i32, %arg2: memref<16384xi32, #tpu.memory_space<hbm>>, %arg3: memref<16384xi32, #tpu.memory_space<hbm>>, %arg4: memref<16001024xf32, #tpu.memory_space<hbm>>, %arg5: memref<16001024xf32, #tpu.memory_space<hbm>>, %arg6: memref<1000064xf32, #tpu.memory_space<hbm>>, %arg7: memref<1000064xf32, #tpu.memory_space<hbm>>, %arg8: memref<32x16xf32, #tpu.memory_space<hbm>>, %arg9: memref<16384xf32, #tpu.memory_space<hbm>>, %arg10: memref<16384xf32, #tpu.memory_space<hbm>>, %arg11: memref<512xi32, #tpu.memory_space<vmem>>, %arg12: memref<512xi32, #tpu.memory_space<vmem>>, %arg13: memref<16x512xf32, #tpu.memory_space<vmem>>, %arg14: memref<16x512xf32, #tpu.memory_space<vmem>>, %arg15: memref<512xf32, #tpu.memory_space<vmem>>, %arg16: memref<512xf32, #tpu.memory_space<vmem>>, %arg17: memref<16xf32, #tpu.memory_space<vmem>>, %arg18: memref<!tpu.dma_semaphore, #tpu.memory_space<semaphore_mem>>) attributes {dimension_semantics = [#tpu.dimension_semantics<core_parallel>, #tpu.dimension_semantics<subcore_parallel>], iteration_bounds = array<i64: 2, 16>, scalar_prefetch = 0 : i64, scratch_operands = 8 : i64, tpu.core_type = #tpu.core_type<sc_vector_subcore>, window_params = [{transform_indices = #map}, {transform_indices = #map}, {transform_indices = #map}, {transform_indices = #map}, {transform_indices = #map}, {transform_indices = #map}, {transform_indices = #map1}, {transform_indices = #map}, {transform_indices = #map}]} {
    %mul3A = arith.constant 2 : i32
    %mul3A_0 = arith.muli %arg1, %mul3A : i32
    %add3A = arith.addi %mul3A_0, %arg0 : i32
    %mul3A_1 = arith.constant 512 : i32
    %mul3A_2 = arith.muli %add3A, %mul3A_1 : i32
    "tpu.region"() ({
      %run_scoped3A = tpu.sem_alloc : memref<!tpu.dma_semaphore, #tpu.memory_space<semaphore_mem>>
      %dma_start3A_538 = tpu.memref_slice %arg2[%mul3A_2] : memref<16384xi32, #tpu.memory_space<hbm>> -> memref<512xi32, #tpu.memory_space<hbm>>
      %dma_start3A_539 = tpu.memref_slice %arg2[%mul3A_2] : memref<16384xi32, #tpu.memory_space<hbm>> -> memref<512xi32, #tpu.memory_space<hbm>>
      tpu.enqueue_dma source(%dma_start3A_539 : memref<512xi32, #tpu.memory_space<hbm>>) target(%arg11 : memref<512xi32, #tpu.memory_space<vmem>>) target_semaphore(%run_scoped3A : memref<!tpu.dma_semaphore, #tpu.memory_space<semaphore_mem>>)
      %dma_wait3A_540 = tpu.memref_slice %arg2[%mul3A_2] : memref<16384xi32, #tpu.memory_space<hbm>> -> memref<512xi32, #tpu.memory_space<hbm>>
      %dma_wait3A_541 = tpu.memref_slice %arg2[%mul3A_2] : memref<16384xi32, #tpu.memory_space<hbm>> -> memref<512xi32, #tpu.memory_space<hbm>>
      tpu.wait_dma2 semaphore(%run_scoped3A : memref<!tpu.dma_semaphore, #tpu.memory_space<semaphore_mem>>) src(%dma_wait3A_541 : memref<512xi32, #tpu.memory_space<hbm>>) dst(%arg11 : memref<512xi32, #tpu.memory_space<vmem>>)
      tpu.yield
    }) : () -> ()
    "tpu.region"() ({
      %run_scoped3A = tpu.sem_alloc : memref<!tpu.dma_semaphore, #tpu.memory_space<semaphore_mem>>
      %dma_start3A_538 = tpu.memref_slice %arg3[%mul3A_2] : memref<16384xi32, #tpu.memory_space<hbm>> -> memref<512xi32, #tpu.memory_space<hbm>>
      %dma_start3A_539 = tpu.memref_slice %arg3[%mul3A_2] : memref<16384xi32, #tpu.memory_space<hbm>> -> memref<512xi32, #tpu.memory_space<hbm>>
      tpu.enqueue_dma source(%dma_start3A_539 : memref<512xi32, #tpu.memory_space<hbm>>) target(%arg12 : memref<512xi32, #tpu.memory_space<vmem>>) target_semaphore(%run_scoped3A : memref<!tpu.dma_semaphore, #tpu.memory_space<semaphore_mem>>)
      %dma_wait3A_540 = tpu.memref_slice %arg3[%mul3A_2] : memref<16384xi32, #tpu.memory_space<hbm>> -> memref<512xi32, #tpu.memory_space<hbm>>
      %dma_wait3A_541 = tpu.memref_slice %arg3[%mul3A_2] : memref<16384xi32, #tpu.memory_space<hbm>> -> memref<512xi32, #tpu.memory_space<hbm>>
      tpu.wait_dma2 semaphore(%run_scoped3A : memref<!tpu.dma_semaphore, #tpu.memory_space<semaphore_mem>>) src(%dma_wait3A_541 : memref<512xi32, #tpu.memory_space<hbm>>) dst(%arg12 : memref<512xi32, #tpu.memory_space<vmem>>)
      tpu.yield
    }) : () -> ()
    %dma_start3A = arith.constant 0 : i32
    %dma_start3A_3 = arith.constant 0 : i32
    %dma_start3A_4 = tpu.memref_slice %arg13[%dma_start3A, %dma_start3A_3] : memref<16x512xf32, #tpu.memory_space<vmem>> -> memref<1x512xf32, #tpu.memory_space<vmem>>
    %dma_start3A_5 = tpu.memref_squeeze %dma_start3A_4 : memref<1x512xf32, #tpu.memory_space<vmem>> -> memref<512xf32, #tpu.memory_space<vmem>>
    %dma_start3A_6 = arith.constant 0 : i32
    %dma_start3A_7 = tpu.memref_slice %arg4[%dma_start3A_6] : memref<16001024xf32, #tpu.memory_space<hbm>> -> memref<1000000xf32, #tpu.memory_space<hbm>>
    %dma_start3A_8 = arith.constant 0 : i32
    %dma_start3A_9 = tpu.memref_slice %dma_start3A_7[%dma_start3A_8] : memref<1000000xf32, #tpu.memory_space<hbm>> -> memref<1000000xf32, #tpu.memory_space<hbm>>
    tpu.enqueue_indirect_dma source(%dma_start3A_9 : memref<1000000xf32, #tpu.memory_space<hbm>>) target(%dma_start3A_5 : memref<512xf32, #tpu.memory_space<vmem>>) offsets(%arg11 : memref<512xi32, #tpu.memory_space<vmem>>) semaphore(%arg18 : memref<!tpu.dma_semaphore, #tpu.memory_space<semaphore_mem>>)
    %dma_start3A_10 = arith.constant 0 : i32
    %dma_start3A_11 = arith.constant 0 : i32
    %dma_start3A_12 = tpu.memref_slice %arg14[%dma_start3A_10, %dma_start3A_11] : memref<16x512xf32, #tpu.memory_space<vmem>> -> memref<1x512xf32, #tpu.memory_space<vmem>>
    %dma_start3A_13 = tpu.memref_squeeze %dma_start3A_12 : memref<1x512xf32, #tpu.memory_space<vmem>> -> memref<512xf32, #tpu.memory_space<vmem>>
    %dma_start3A_14 = arith.constant 0 : i32
    %dma_start3A_15 = tpu.memref_slice %arg5[%dma_start3A_14] : memref<16001024xf32, #tpu.memory_space<hbm>> -> memref<1000000xf32, #tpu.memory_space<hbm>>
    %dma_start3A_16 = arith.constant 0 : i32
    %dma_start3A_17 = tpu.memref_slice %dma_start3A_15[%dma_start3A_16] : memref<1000000xf32, #tpu.memory_space<hbm>> -> memref<1000000xf32, #tpu.memory_space<hbm>>
    tpu.enqueue_indirect_dma source(%dma_start3A_17 : memref<1000000xf32, #tpu.memory_space<hbm>>) target(%dma_start3A_13 : memref<512xf32, #tpu.memory_space<vmem>>) offsets(%arg12 : memref<512xi32, #tpu.memory_space<vmem>>) semaphore(%arg18 : memref<!tpu.dma_semaphore, #tpu.memory_space<semaphore_mem>>)
    %dma_start3A_18 = arith.constant 1 : i32
    %dma_start3A_19 = arith.constant 0 : i32
    %dma_start3A_20 = tpu.memref_slice %arg13[%dma_start3A_18, %dma_start3A_19] : memref<16x512xf32, #tpu.memory_space<vmem>> -> memref<1x512xf32, #tpu.memory_space<vmem>>
    %dma_start3A_21 = tpu.memref_squeeze %dma_start3A_20 : memref<1x512xf32, #tpu.memory_space<vmem>> -> memref<512xf32, #tpu.memory_space<vmem>>
    %dma_start3A_22 = arith.constant 1000064 : i32
    %dma_start3A_23 = tpu.memref_slice %arg4[%dma_start3A_22] : memref<16001024xf32, #tpu.memory_space<hbm>> -> memref<1000000xf32, #tpu.memory_space<hbm>>
    %dma_start3A_24 = arith.constant 0 : i32
    %dma_start3A_25 = tpu.memref_slice %dma_start3A_23[%dma_start3A_24] : memref<1000000xf32, #tpu.memory_space<hbm>> -> memref<1000000xf32, #tpu.memory_space<hbm>>
    tpu.enqueue_indirect_dma source(%dma_start3A_25 : memref<1000000xf32, #tpu.memory_space<hbm>>) target(%dma_start3A_21 : memref<512xf32, #tpu.memory_space<vmem>>) offsets(%arg11 : memref<512xi32, #tpu.memory_space<vmem>>) semaphore(%arg18 : memref<!tpu.dma_semaphore, #tpu.memory_space<semaphore_mem>>)
    %dma_start3A_26 = arith.constant 1 : i32
    %dma_start3A_27 = arith.constant 0 : i32
    %dma_start3A_28 = tpu.memref_slice %arg14[%dma_start3A_26, %dma_start3A_27] : memref<16x512xf32, #tpu.memory_space<vmem>> -> memref<1x512xf32, #tpu.memory_space<vmem>>
    %dma_start3A_29 = tpu.memref_squeeze %dma_start3A_28 : memref<1x512xf32, #tpu.memory_space<vmem>> -> memref<512xf32, #tpu.memory_space<vmem>>
    %dma_start3A_30 = arith.constant 1000064 : i32
    %dma_start3A_31 = tpu.memref_slice %arg5[%dma_start3A_30] : memref<16001024xf32, #tpu.memory_space<hbm>> -> memref<1000000xf32, #tpu.memory_space<hbm>>
    %dma_start3A_32 = arith.constant 0 : i32
    %dma_start3A_33 = tpu.memref_slice %dma_start3A_31[%dma_start3A_32] : memref<1000000xf32, #tpu.memory_space<hbm>> -> memref<1000000xf32, #tpu.memory_space<hbm>>
    tpu.enqueue_indirect_dma source(%dma_start3A_33 : memref<1000000xf32, #tpu.memory_space<hbm>>) target(%dma_start3A_29 : memref<512xf32, #tpu.memory_space<vmem>>) offsets(%arg12 : memref<512xi32, #tpu.memory_space<vmem>>) semaphore(%arg18 : memref<!tpu.dma_semaphore, #tpu.memory_space<semaphore_mem>>)
    %dma_start3A_34 = arith.constant 2 : i32
    %dma_start3A_35 = arith.constant 0 : i32
    %dma_start3A_36 = tpu.memref_slice %arg13[%dma_start3A_34, %dma_start3A_35] : memref<16x512xf32, #tpu.memory_space<vmem>> -> memref<1x512xf32, #tpu.memory_space<vmem>>
    %dma_start3A_37 = tpu.memref_squeeze %dma_start3A_36 : memref<1x512xf32, #tpu.memory_space<vmem>> -> memref<512xf32, #tpu.memory_space<vmem>>
    %dma_start3A_38 = arith.constant 2000128 : i32
    %dma_start3A_39 = tpu.memref_slice %arg4[%dma_start3A_38] : memref<16001024xf32, #tpu.memory_space<hbm>> -> memref<1000000xf32, #tpu.memory_space<hbm>>
    %dma_start3A_40 = arith.constant 0 : i32
    %dma_start3A_41 = tpu.memref_slice %dma_start3A_39[%dma_start3A_40] : memref<1000000xf32, #tpu.memory_space<hbm>> -> memref<1000000xf32, #tpu.memory_space<hbm>>
    tpu.enqueue_indirect_dma source(%dma_start3A_41 : memref<1000000xf32, #tpu.memory_space<hbm>>) target(%dma_start3A_37 : memref<512xf32, #tpu.memory_space<vmem>>) offsets(%arg11 : memref<512xi32, #tpu.memory_space<vmem>>) semaphore(%arg18 : memref<!tpu.dma_semaphore, #tpu.memory_space<semaphore_mem>>)
    %dma_start3A_42 = arith.constant 2 : i32
    %dma_start3A_43 = arith.constant 0 : i32
    %dma_start3A_44 = tpu.memref_slice %arg14[%dma_start3A_42, %dma_start3A_43] : memref<16x512xf32, #tpu.memory_space<vmem>> -> memref<1x512xf32, #tpu.memory_space<vmem>>
    %dma_start3A_45 = tpu.memref_squeeze %dma_start3A_44 : memref<1x512xf32, #tpu.memory_space<vmem>> -> memref<512xf32, #tpu.memory_space<vmem>>
    %dma_start3A_46 = arith.constant 2000128 : i32
    %dma_start3A_47 = tpu.memref_slice %arg5[%dma_start3A_46] : memref<16001024xf32, #tpu.memory_space<hbm>> -> memref<1000000xf32, #tpu.memory_space<hbm>>
    %dma_start3A_48 = arith.constant 0 : i32
    %dma_start3A_49 = tpu.memref_slice %dma_start3A_47[%dma_start3A_48] : memref<1000000xf32, #tpu.memory_space<hbm>> -> memref<1000000xf32, #tpu.memory_space<hbm>>
    tpu.enqueue_indirect_dma source(%dma_start3A_49 : memref<1000000xf32, #tpu.memory_space<hbm>>) target(%dma_start3A_45 : memref<512xf32, #tpu.memory_space<vmem>>) offsets(%arg12 : memref<512xi32, #tpu.memory_space<vmem>>) semaphore(%arg18 : memref<!tpu.dma_semaphore, #tpu.memory_space<semaphore_mem>>)
    %dma_start3A_50 = arith.constant 3 : i32
    %dma_start3A_51 = arith.constant 0 : i32
    %dma_start3A_52 = tpu.memref_slice %arg13[%dma_start3A_50, %dma_start3A_51] : memref<16x512xf32, #tpu.memory_space<vmem>> -> memref<1x512xf32, #tpu.memory_space<vmem>>
    %dma_start3A_53 = tpu.memref_squeeze %dma_start3A_52 : memref<1x512xf32, #tpu.memory_space<vmem>> -> memref<512xf32, #tpu.memory_space<vmem>>
    %dma_start3A_54 = arith.constant 3000192 : i32
    %dma_start3A_55 = tpu.memref_slice %arg4[%dma_start3A_54] : memref<16001024xf32, #tpu.memory_space<hbm>> -> memref<1000000xf32, #tpu.memory_space<hbm>>
    %dma_start3A_56 = arith.constant 0 : i32
    %dma_start3A_57 = tpu.memref_slice %dma_start3A_55[%dma_start3A_56] : memref<1000000xf32, #tpu.memory_space<hbm>> -> memref<1000000xf32, #tpu.memory_space<hbm>>
    tpu.enqueue_indirect_dma source(%dma_start3A_57 : memref<1000000xf32, #tpu.memory_space<hbm>>) target(%dma_start3A_53 : memref<512xf32, #tpu.memory_space<vmem>>) offsets(%arg11 : memref<512xi32, #tpu.memory_space<vmem>>) semaphore(%arg18 : memref<!tpu.dma_semaphore, #tpu.memory_space<semaphore_mem>>)
    %dma_start3A_58 = arith.constant 3 : i32
    %dma_start3A_59 = arith.constant 0 : i32
    %dma_start3A_60 = tpu.memref_slice %arg14[%dma_start3A_58, %dma_start3A_59] : memref<16x512xf32, #tpu.memory_space<vmem>> -> memref<1x512xf32, #tpu.memory_space<vmem>>
    %dma_start3A_61 = tpu.memref_squeeze %dma_start3A_60 : memref<1x512xf32, #tpu.memory_space<vmem>> -> memref<512xf32, #tpu.memory_space<vmem>>
    %dma_start3A_62 = arith.constant 3000192 : i32
    %dma_start3A_63 = tpu.memref_slice %arg5[%dma_start3A_62] : memref<16001024xf32, #tpu.memory_space<hbm>> -> memref<1000000xf32, #tpu.memory_space<hbm>>
    %dma_start3A_64 = arith.constant 0 : i32
    %dma_start3A_65 = tpu.memref_slice %dma_start3A_63[%dma_start3A_64] : memref<1000000xf32, #tpu.memory_space<hbm>> -> memref<1000000xf32, #tpu.memory_space<hbm>>
    tpu.enqueue_indirect_dma source(%dma_start3A_65 : memref<1000000xf32, #tpu.memory_space<hbm>>) target(%dma_start3A_61 : memref<512xf32, #tpu.memory_space<vmem>>) offsets(%arg12 : memref<512xi32, #tpu.memory_space<vmem>>) semaphore(%arg18 : memref<!tpu.dma_semaphore, #tpu.memory_space<semaphore_mem>>)
    %dma_start3A_66 = arith.constant 4 : i32
    %dma_start3A_67 = arith.constant 0 : i32
    %dma_start3A_68 = tpu.memref_slice %arg13[%dma_start3A_66, %dma_start3A_67] : memref<16x512xf32, #tpu.memory_space<vmem>> -> memref<1x512xf32, #tpu.memory_space<vmem>>
    %dma_start3A_69 = tpu.memref_squeeze %dma_start3A_68 : memref<1x512xf32, #tpu.memory_space<vmem>> -> memref<512xf32, #tpu.memory_space<vmem>>
    %dma_start3A_70 = arith.constant 4000256 : i32
    %dma_start3A_71 = tpu.memref_slice %arg4[%dma_start3A_70] : memref<16001024xf32, #tpu.memory_space<hbm>> -> memref<1000000xf32, #tpu.memory_space<hbm>>
    %dma_start3A_72 = arith.constant 0 : i32
    %dma_start3A_73 = tpu.memref_slice %dma_start3A_71[%dma_start3A_72] : memref<1000000xf32, #tpu.memory_space<hbm>> -> memref<1000000xf32, #tpu.memory_space<hbm>>
    tpu.enqueue_indirect_dma source(%dma_start3A_73 : memref<1000000xf32, #tpu.memory_space<hbm>>) target(%dma_start3A_69 : memref<512xf32, #tpu.memory_space<vmem>>) offsets(%arg11 : memref<512xi32, #tpu.memory_space<vmem>>) semaphore(%arg18 : memref<!tpu.dma_semaphore, #tpu.memory_space<semaphore_mem>>)
    %dma_start3A_74 = arith.constant 4 : i32
    %dma_start3A_75 = arith.constant 0 : i32
    %dma_start3A_76 = tpu.memref_slice %arg14[%dma_start3A_74, %dma_start3A_75] : memref<16x512xf32, #tpu.memory_space<vmem>> -> memref<1x512xf32, #tpu.memory_space<vmem>>
    %dma_start3A_77 = tpu.memref_squeeze %dma_start3A_76 : memref<1x512xf32, #tpu.memory_space<vmem>> -> memref<512xf32, #tpu.memory_space<vmem>>
    %dma_start3A_78 = arith.constant 4000256 : i32
    %dma_start3A_79 = tpu.memref_slice %arg5[%dma_start3A_78] : memref<16001024xf32, #tpu.memory_space<hbm>> -> memref<1000000xf32, #tpu.memory_space<hbm>>
    %dma_start3A_80 = arith.constant 0 : i32
    %dma_start3A_81 = tpu.memref_slice %dma_start3A_79[%dma_start3A_80] : memref<1000000xf32, #tpu.memory_space<hbm>> -> memref<1000000xf32, #tpu.memory_space<hbm>>
    tpu.enqueue_indirect_dma source(%dma_start3A_81 : memref<1000000xf32, #tpu.memory_space<hbm>>) target(%dma_start3A_77 : memref<512xf32, #tpu.memory_space<vmem>>) offsets(%arg12 : memref<512xi32, #tpu.memory_space<vmem>>) semaphore(%arg18 : memref<!tpu.dma_semaphore, #tpu.memory_space<semaphore_mem>>)
    %dma_start3A_82 = arith.constant 5 : i32
    %dma_start3A_83 = arith.constant 0 : i32
    %dma_start3A_84 = tpu.memref_slice %arg13[%dma_start3A_82, %dma_start3A_83] : memref<16x512xf32, #tpu.memory_space<vmem>> -> memref<1x512xf32, #tpu.memory_space<vmem>>
    %dma_start3A_85 = tpu.memref_squeeze %dma_start3A_84 : memref<1x512xf32, #tpu.memory_space<vmem>> -> memref<512xf32, #tpu.memory_space<vmem>>
    %dma_start3A_86 = arith.constant 5000320 : i32
    %dma_start3A_87 = tpu.memref_slice %arg4[%dma_start3A_86] : memref<16001024xf32, #tpu.memory_space<hbm>> -> memref<1000000xf32, #tpu.memory_space<hbm>>
    %dma_start3A_88 = arith.constant 0 : i32
    %dma_start3A_89 = tpu.memref_slice %dma_start3A_87[%dma_start3A_88] : memref<1000000xf32, #tpu.memory_space<hbm>> -> memref<1000000xf32, #tpu.memory_space<hbm>>
    tpu.enqueue_indirect_dma source(%dma_start3A_89 : memref<1000000xf32, #tpu.memory_space<hbm>>) target(%dma_start3A_85 : memref<512xf32, #tpu.memory_space<vmem>>) offsets(%arg11 : memref<512xi32, #tpu.memory_space<vmem>>) semaphore(%arg18 : memref<!tpu.dma_semaphore, #tpu.memory_space<semaphore_mem>>)
    %dma_start3A_90 = arith.constant 5 : i32
    %dma_start3A_91 = arith.constant 0 : i32
    %dma_start3A_92 = tpu.memref_slice %arg14[%dma_start3A_90, %dma_start3A_91] : memref<16x512xf32, #tpu.memory_space<vmem>> -> memref<1x512xf32, #tpu.memory_space<vmem>>
    %dma_start3A_93 = tpu.memref_squeeze %dma_start3A_92 : memref<1x512xf32, #tpu.memory_space<vmem>> -> memref<512xf32, #tpu.memory_space<vmem>>
    %dma_start3A_94 = arith.constant 5000320 : i32
    %dma_start3A_95 = tpu.memref_slice %arg5[%dma_start3A_94] : memref<16001024xf32, #tpu.memory_space<hbm>> -> memref<1000000xf32, #tpu.memory_space<hbm>>
    %dma_start3A_96 = arith.constant 0 : i32
    %dma_start3A_97 = tpu.memref_slice %dma_start3A_95[%dma_start3A_96] : memref<1000000xf32, #tpu.memory_space<hbm>> -> memref<1000000xf32, #tpu.memory_space<hbm>>
    tpu.enqueue_indirect_dma source(%dma_start3A_97 : memref<1000000xf32, #tpu.memory_space<hbm>>) target(%dma_start3A_93 : memref<512xf32, #tpu.memory_space<vmem>>) offsets(%arg12 : memref<512xi32, #tpu.memory_space<vmem>>) semaphore(%arg18 : memref<!tpu.dma_semaphore, #tpu.memory_space<semaphore_mem>>)
    %dma_start3A_98 = arith.constant 6 : i32
    %dma_start3A_99 = arith.constant 0 : i32
    %dma_start3A_100 = tpu.memref_slice %arg13[%dma_start3A_98, %dma_start3A_99] : memref<16x512xf32, #tpu.memory_space<vmem>> -> memref<1x512xf32, #tpu.memory_space<vmem>>
    %dma_start3A_101 = tpu.memref_squeeze %dma_start3A_100 : memref<1x512xf32, #tpu.memory_space<vmem>> -> memref<512xf32, #tpu.memory_space<vmem>>
    %dma_start3A_102 = arith.constant 6000384 : i32
    %dma_start3A_103 = tpu.memref_slice %arg4[%dma_start3A_102] : memref<16001024xf32, #tpu.memory_space<hbm>> -> memref<1000000xf32, #tpu.memory_space<hbm>>
    %dma_start3A_104 = arith.constant 0 : i32
    %dma_start3A_105 = tpu.memref_slice %dma_start3A_103[%dma_start3A_104] : memref<1000000xf32, #tpu.memory_space<hbm>> -> memref<1000000xf32, #tpu.memory_space<hbm>>
    tpu.enqueue_indirect_dma source(%dma_start3A_105 : memref<1000000xf32, #tpu.memory_space<hbm>>) target(%dma_start3A_101 : memref<512xf32, #tpu.memory_space<vmem>>) offsets(%arg11 : memref<512xi32, #tpu.memory_space<vmem>>) semaphore(%arg18 : memref<!tpu.dma_semaphore, #tpu.memory_space<semaphore_mem>>)
    %dma_start3A_106 = arith.constant 6 : i32
    %dma_start3A_107 = arith.constant 0 : i32
    %dma_start3A_108 = tpu.memref_slice %arg14[%dma_start3A_106, %dma_start3A_107] : memref<16x512xf32, #tpu.memory_space<vmem>> -> memref<1x512xf32, #tpu.memory_space<vmem>>
    %dma_start3A_109 = tpu.memref_squeeze %dma_start3A_108 : memref<1x512xf32, #tpu.memory_space<vmem>> -> memref<512xf32, #tpu.memory_space<vmem>>
    %dma_start3A_110 = arith.constant 6000384 : i32
    %dma_start3A_111 = tpu.memref_slice %arg5[%dma_start3A_110] : memref<16001024xf32, #tpu.memory_space<hbm>> -> memref<1000000xf32, #tpu.memory_space<hbm>>
    %dma_start3A_112 = arith.constant 0 : i32
    %dma_start3A_113 = tpu.memref_slice %dma_start3A_111[%dma_start3A_112] : memref<1000000xf32, #tpu.memory_space<hbm>> -> memref<1000000xf32, #tpu.memory_space<hbm>>
    tpu.enqueue_indirect_dma source(%dma_start3A_113 : memref<1000000xf32, #tpu.memory_space<hbm>>) target(%dma_start3A_109 : memref<512xf32, #tpu.memory_space<vmem>>) offsets(%arg12 : memref<512xi32, #tpu.memory_space<vmem>>) semaphore(%arg18 : memref<!tpu.dma_semaphore, #tpu.memory_space<semaphore_mem>>)
    %dma_start3A_114 = arith.constant 7 : i32
    %dma_start3A_115 = arith.constant 0 : i32
    %dma_start3A_116 = tpu.memref_slice %arg13[%dma_start3A_114, %dma_start3A_115] : memref<16x512xf32, #tpu.memory_space<vmem>> -> memref<1x512xf32, #tpu.memory_space<vmem>>
    %dma_start3A_117 = tpu.memref_squeeze %dma_start3A_116 : memref<1x512xf32, #tpu.memory_space<vmem>> -> memref<512xf32, #tpu.memory_space<vmem>>
    %dma_start3A_118 = arith.constant 7000448 : i32
    %dma_start3A_119 = tpu.memref_slice %arg4[%dma_start3A_118] : memref<16001024xf32, #tpu.memory_space<hbm>> -> memref<1000000xf32, #tpu.memory_space<hbm>>
    %dma_start3A_120 = arith.constant 0 : i32
    %dma_start3A_121 = tpu.memref_slice %dma_start3A_119[%dma_start3A_120] : memref<1000000xf32, #tpu.memory_space<hbm>> -> memref<1000000xf32, #tpu.memory_space<hbm>>
    tpu.enqueue_indirect_dma source(%dma_start3A_121 : memref<1000000xf32, #tpu.memory_space<hbm>>) target(%dma_start3A_117 : memref<512xf32, #tpu.memory_space<vmem>>) offsets(%arg11 : memref<512xi32, #tpu.memory_space<vmem>>) semaphore(%arg18 : memref<!tpu.dma_semaphore, #tpu.memory_space<semaphore_mem>>)
    %dma_start3A_122 = arith.constant 7 : i32
    %dma_start3A_123 = arith.constant 0 : i32
    %dma_start3A_124 = tpu.memref_slice %arg14[%dma_start3A_122, %dma_start3A_123] : memref<16x512xf32, #tpu.memory_space<vmem>> -> memref<1x512xf32, #tpu.memory_space<vmem>>
    %dma_start3A_125 = tpu.memref_squeeze %dma_start3A_124 : memref<1x512xf32, #tpu.memory_space<vmem>> -> memref<512xf32, #tpu.memory_space<vmem>>
    %dma_start3A_126 = arith.constant 7000448 : i32
    %dma_start3A_127 = tpu.memref_slice %arg5[%dma_start3A_126] : memref<16001024xf32, #tpu.memory_space<hbm>> -> memref<1000000xf32, #tpu.memory_space<hbm>>
    %dma_start3A_128 = arith.constant 0 : i32
    %dma_start3A_129 = tpu.memref_slice %dma_start3A_127[%dma_start3A_128] : memref<1000000xf32, #tpu.memory_space<hbm>> -> memref<1000000xf32, #tpu.memory_space<hbm>>
    tpu.enqueue_indirect_dma source(%dma_start3A_129 : memref<1000000xf32, #tpu.memory_space<hbm>>) target(%dma_start3A_125 : memref<512xf32, #tpu.memory_space<vmem>>) offsets(%arg12 : memref<512xi32, #tpu.memory_space<vmem>>) semaphore(%arg18 : memref<!tpu.dma_semaphore, #tpu.memory_space<semaphore_mem>>)
    %dma_start3A_130 = arith.constant 8 : i32
    %dma_start3A_131 = arith.constant 0 : i32
    %dma_start3A_132 = tpu.memref_slice %arg13[%dma_start3A_130, %dma_start3A_131] : memref<16x512xf32, #tpu.memory_space<vmem>> -> memref<1x512xf32, #tpu.memory_space<vmem>>
    %dma_start3A_133 = tpu.memref_squeeze %dma_start3A_132 : memref<1x512xf32, #tpu.memory_space<vmem>> -> memref<512xf32, #tpu.memory_space<vmem>>
    %dma_start3A_134 = arith.constant 8000512 : i32
    %dma_start3A_135 = tpu.memref_slice %arg4[%dma_start3A_134] : memref<16001024xf32, #tpu.memory_space<hbm>> -> memref<1000000xf32, #tpu.memory_space<hbm>>
    %dma_start3A_136 = arith.constant 0 : i32
    %dma_start3A_137 = tpu.memref_slice %dma_start3A_135[%dma_start3A_136] : memref<1000000xf32, #tpu.memory_space<hbm>> -> memref<1000000xf32, #tpu.memory_space<hbm>>
    tpu.enqueue_indirect_dma source(%dma_start3A_137 : memref<1000000xf32, #tpu.memory_space<hbm>>) target(%dma_start3A_133 : memref<512xf32, #tpu.memory_space<vmem>>) offsets(%arg11 : memref<512xi32, #tpu.memory_space<vmem>>) semaphore(%arg18 : memref<!tpu.dma_semaphore, #tpu.memory_space<semaphore_mem>>)
    %dma_start3A_138 = arith.constant 8 : i32
    %dma_start3A_139 = arith.constant 0 : i32
    %dma_start3A_140 = tpu.memref_slice %arg14[%dma_start3A_138, %dma_start3A_139] : memref<16x512xf32, #tpu.memory_space<vmem>> -> memref<1x512xf32, #tpu.memory_space<vmem>>
    %dma_start3A_141 = tpu.memref_squeeze %dma_start3A_140 : memref<1x512xf32, #tpu.memory_space<vmem>> -> memref<512xf32, #tpu.memory_space<vmem>>
    %dma_start3A_142 = arith.constant 8000512 : i32
    %dma_start3A_143 = tpu.memref_slice %arg5[%dma_start3A_142] : memref<16001024xf32, #tpu.memory_space<hbm>> -> memref<1000000xf32, #tpu.memory_space<hbm>>
    %dma_start3A_144 = arith.constant 0 : i32
    %dma_start3A_145 = tpu.memref_slice %dma_start3A_143[%dma_start3A_144] : memref<1000000xf32, #tpu.memory_space<hbm>> -> memref<1000000xf32, #tpu.memory_space<hbm>>
    tpu.enqueue_indirect_dma source(%dma_start3A_145 : memref<1000000xf32, #tpu.memory_space<hbm>>) target(%dma_start3A_141 : memref<512xf32, #tpu.memory_space<vmem>>) offsets(%arg12 : memref<512xi32, #tpu.memory_space<vmem>>) semaphore(%arg18 : memref<!tpu.dma_semaphore, #tpu.memory_space<semaphore_mem>>)
    %dma_start3A_146 = arith.constant 9 : i32
    %dma_start3A_147 = arith.constant 0 : i32
    %dma_start3A_148 = tpu.memref_slice %arg13[%dma_start3A_146, %dma_start3A_147] : memref<16x512xf32, #tpu.memory_space<vmem>> -> memref<1x512xf32, #tpu.memory_space<vmem>>
    %dma_start3A_149 = tpu.memref_squeeze %dma_start3A_148 : memref<1x512xf32, #tpu.memory_space<vmem>> -> memref<512xf32, #tpu.memory_space<vmem>>
    %dma_start3A_150 = arith.constant 9000576 : i32
    %dma_start3A_151 = tpu.memref_slice %arg4[%dma_start3A_150] : memref<16001024xf32, #tpu.memory_space<hbm>> -> memref<1000000xf32, #tpu.memory_space<hbm>>
    %dma_start3A_152 = arith.constant 0 : i32
    %dma_start3A_153 = tpu.memref_slice %dma_start3A_151[%dma_start3A_152] : memref<1000000xf32, #tpu.memory_space<hbm>> -> memref<1000000xf32, #tpu.memory_space<hbm>>
    tpu.enqueue_indirect_dma source(%dma_start3A_153 : memref<1000000xf32, #tpu.memory_space<hbm>>) target(%dma_start3A_149 : memref<512xf32, #tpu.memory_space<vmem>>) offsets(%arg11 : memref<512xi32, #tpu.memory_space<vmem>>) semaphore(%arg18 : memref<!tpu.dma_semaphore, #tpu.memory_space<semaphore_mem>>)
    %dma_start3A_154 = arith.constant 9 : i32
    %dma_start3A_155 = arith.constant 0 : i32
    %dma_start3A_156 = tpu.memref_slice %arg14[%dma_start3A_154, %dma_start3A_155] : memref<16x512xf32, #tpu.memory_space<vmem>> -> memref<1x512xf32, #tpu.memory_space<vmem>>
    %dma_start3A_157 = tpu.memref_squeeze %dma_start3A_156 : memref<1x512xf32, #tpu.memory_space<vmem>> -> memref<512xf32, #tpu.memory_space<vmem>>
    %dma_start3A_158 = arith.constant 9000576 : i32
    %dma_start3A_159 = tpu.memref_slice %arg5[%dma_start3A_158] : memref<16001024xf32, #tpu.memory_space<hbm>> -> memref<1000000xf32, #tpu.memory_space<hbm>>
    %dma_start3A_160 = arith.constant 0 : i32
    %dma_start3A_161 = tpu.memref_slice %dma_start3A_159[%dma_start3A_160] : memref<1000000xf32, #tpu.memory_space<hbm>> -> memref<1000000xf32, #tpu.memory_space<hbm>>
    tpu.enqueue_indirect_dma source(%dma_start3A_161 : memref<1000000xf32, #tpu.memory_space<hbm>>) target(%dma_start3A_157 : memref<512xf32, #tpu.memory_space<vmem>>) offsets(%arg12 : memref<512xi32, #tpu.memory_space<vmem>>) semaphore(%arg18 : memref<!tpu.dma_semaphore, #tpu.memory_space<semaphore_mem>>)
    %dma_start3A_162 = arith.constant 10 : i32
    %dma_start3A_163 = arith.constant 0 : i32
    %dma_start3A_164 = tpu.memref_slice %arg13[%dma_start3A_162, %dma_start3A_163] : memref<16x512xf32, #tpu.memory_space<vmem>> -> memref<1x512xf32, #tpu.memory_space<vmem>>
    %dma_start3A_165 = tpu.memref_squeeze %dma_start3A_164 : memref<1x512xf32, #tpu.memory_space<vmem>> -> memref<512xf32, #tpu.memory_space<vmem>>
    %dma_start3A_166 = arith.constant 10000640 : i32
    %dma_start3A_167 = tpu.memref_slice %arg4[%dma_start3A_166] : memref<16001024xf32, #tpu.memory_space<hbm>> -> memref<1000000xf32, #tpu.memory_space<hbm>>
    %dma_start3A_168 = arith.constant 0 : i32
    %dma_start3A_169 = tpu.memref_slice %dma_start3A_167[%dma_start3A_168] : memref<1000000xf32, #tpu.memory_space<hbm>> -> memref<1000000xf32, #tpu.memory_space<hbm>>
    tpu.enqueue_indirect_dma source(%dma_start3A_169 : memref<1000000xf32, #tpu.memory_space<hbm>>) target(%dma_start3A_165 : memref<512xf32, #tpu.memory_space<vmem>>) offsets(%arg11 : memref<512xi32, #tpu.memory_space<vmem>>) semaphore(%arg18 : memref<!tpu.dma_semaphore, #tpu.memory_space<semaphore_mem>>)
    %dma_start3A_170 = arith.constant 10 : i32
    %dma_start3A_171 = arith.constant 0 : i32
    %dma_start3A_172 = tpu.memref_slice %arg14[%dma_start3A_170, %dma_start3A_171] : memref<16x512xf32, #tpu.memory_space<vmem>> -> memref<1x512xf32, #tpu.memory_space<vmem>>
    %dma_start3A_173 = tpu.memref_squeeze %dma_start3A_172 : memref<1x512xf32, #tpu.memory_space<vmem>> -> memref<512xf32, #tpu.memory_space<vmem>>
    %dma_start3A_174 = arith.constant 10000640 : i32
    %dma_start3A_175 = tpu.memref_slice %arg5[%dma_start3A_174] : memref<16001024xf32, #tpu.memory_space<hbm>> -> memref<1000000xf32, #tpu.memory_space<hbm>>
    %dma_start3A_176 = arith.constant 0 : i32
    %dma_start3A_177 = tpu.memref_slice %dma_start3A_175[%dma_start3A_176] : memref<1000000xf32, #tpu.memory_space<hbm>> -> memref<1000000xf32, #tpu.memory_space<hbm>>
    tpu.enqueue_indirect_dma source(%dma_start3A_177 : memref<1000000xf32, #tpu.memory_space<hbm>>) target(%dma_start3A_173 : memref<512xf32, #tpu.memory_space<vmem>>) offsets(%arg12 : memref<512xi32, #tpu.memory_space<vmem>>) semaphore(%arg18 : memref<!tpu.dma_semaphore, #tpu.memory_space<semaphore_mem>>)
    %dma_start3A_178 = arith.constant 11 : i32
    %dma_start3A_179 = arith.constant 0 : i32
    %dma_start3A_180 = tpu.memref_slice %arg13[%dma_start3A_178, %dma_start3A_179] : memref<16x512xf32, #tpu.memory_space<vmem>> -> memref<1x512xf32, #tpu.memory_space<vmem>>
    %dma_start3A_181 = tpu.memref_squeeze %dma_start3A_180 : memref<1x512xf32, #tpu.memory_space<vmem>> -> memref<512xf32, #tpu.memory_space<vmem>>
    %dma_start3A_182 = arith.constant 11000704 : i32
    %dma_start3A_183 = tpu.memref_slice %arg4[%dma_start3A_182] : memref<16001024xf32, #tpu.memory_space<hbm>> -> memref<1000000xf32, #tpu.memory_space<hbm>>
    %dma_start3A_184 = arith.constant 0 : i32
    %dma_start3A_185 = tpu.memref_slice %dma_start3A_183[%dma_start3A_184] : memref<1000000xf32, #tpu.memory_space<hbm>> -> memref<1000000xf32, #tpu.memory_space<hbm>>
    tpu.enqueue_indirect_dma source(%dma_start3A_185 : memref<1000000xf32, #tpu.memory_space<hbm>>) target(%dma_start3A_181 : memref<512xf32, #tpu.memory_space<vmem>>) offsets(%arg11 : memref<512xi32, #tpu.memory_space<vmem>>) semaphore(%arg18 : memref<!tpu.dma_semaphore, #tpu.memory_space<semaphore_mem>>)
    %dma_start3A_186 = arith.constant 11 : i32
    %dma_start3A_187 = arith.constant 0 : i32
    %dma_start3A_188 = tpu.memref_slice %arg14[%dma_start3A_186, %dma_start3A_187] : memref<16x512xf32, #tpu.memory_space<vmem>> -> memref<1x512xf32, #tpu.memory_space<vmem>>
    %dma_start3A_189 = tpu.memref_squeeze %dma_start3A_188 : memref<1x512xf32, #tpu.memory_space<vmem>> -> memref<512xf32, #tpu.memory_space<vmem>>
    %dma_start3A_190 = arith.constant 11000704 : i32
    %dma_start3A_191 = tpu.memref_slice %arg5[%dma_start3A_190] : memref<16001024xf32, #tpu.memory_space<hbm>> -> memref<1000000xf32, #tpu.memory_space<hbm>>
    %dma_start3A_192 = arith.constant 0 : i32
    %dma_start3A_193 = tpu.memref_slice %dma_start3A_191[%dma_start3A_192] : memref<1000000xf32, #tpu.memory_space<hbm>> -> memref<1000000xf32, #tpu.memory_space<hbm>>
    tpu.enqueue_indirect_dma source(%dma_start3A_193 : memref<1000000xf32, #tpu.memory_space<hbm>>) target(%dma_start3A_189 : memref<512xf32, #tpu.memory_space<vmem>>) offsets(%arg12 : memref<512xi32, #tpu.memory_space<vmem>>) semaphore(%arg18 : memref<!tpu.dma_semaphore, #tpu.memory_space<semaphore_mem>>)
    %dma_start3A_194 = arith.constant 12 : i32
    %dma_start3A_195 = arith.constant 0 : i32
    %dma_start3A_196 = tpu.memref_slice %arg13[%dma_start3A_194, %dma_start3A_195] : memref<16x512xf32, #tpu.memory_space<vmem>> -> memref<1x512xf32, #tpu.memory_space<vmem>>
    %dma_start3A_197 = tpu.memref_squeeze %dma_start3A_196 : memref<1x512xf32, #tpu.memory_space<vmem>> -> memref<512xf32, #tpu.memory_space<vmem>>
    %dma_start3A_198 = arith.constant 12000768 : i32
    %dma_start3A_199 = tpu.memref_slice %arg4[%dma_start3A_198] : memref<16001024xf32, #tpu.memory_space<hbm>> -> memref<1000000xf32, #tpu.memory_space<hbm>>
    %dma_start3A_200 = arith.constant 0 : i32
    %dma_start3A_201 = tpu.memref_slice %dma_start3A_199[%dma_start3A_200] : memref<1000000xf32, #tpu.memory_space<hbm>> -> memref<1000000xf32, #tpu.memory_space<hbm>>
    tpu.enqueue_indirect_dma source(%dma_start3A_201 : memref<1000000xf32, #tpu.memory_space<hbm>>) target(%dma_start3A_197 : memref<512xf32, #tpu.memory_space<vmem>>) offsets(%arg11 : memref<512xi32, #tpu.memory_space<vmem>>) semaphore(%arg18 : memref<!tpu.dma_semaphore, #tpu.memory_space<semaphore_mem>>)
    %dma_start3A_202 = arith.constant 12 : i32
    %dma_start3A_203 = arith.constant 0 : i32
    %dma_start3A_204 = tpu.memref_slice %arg14[%dma_start3A_202, %dma_start3A_203] : memref<16x512xf32, #tpu.memory_space<vmem>> -> memref<1x512xf32, #tpu.memory_space<vmem>>
    %dma_start3A_205 = tpu.memref_squeeze %dma_start3A_204 : memref<1x512xf32, #tpu.memory_space<vmem>> -> memref<512xf32, #tpu.memory_space<vmem>>
    %dma_start3A_206 = arith.constant 12000768 : i32
    %dma_start3A_207 = tpu.memref_slice %arg5[%dma_start3A_206] : memref<16001024xf32, #tpu.memory_space<hbm>> -> memref<1000000xf32, #tpu.memory_space<hbm>>
    %dma_start3A_208 = arith.constant 0 : i32
    %dma_start3A_209 = tpu.memref_slice %dma_start3A_207[%dma_start3A_208] : memref<1000000xf32, #tpu.memory_space<hbm>> -> memref<1000000xf32, #tpu.memory_space<hbm>>
    tpu.enqueue_indirect_dma source(%dma_start3A_209 : memref<1000000xf32, #tpu.memory_space<hbm>>) target(%dma_start3A_205 : memref<512xf32, #tpu.memory_space<vmem>>) offsets(%arg12 : memref<512xi32, #tpu.memory_space<vmem>>) semaphore(%arg18 : memref<!tpu.dma_semaphore, #tpu.memory_space<semaphore_mem>>)
    %dma_start3A_210 = arith.constant 13 : i32
    %dma_start3A_211 = arith.constant 0 : i32
    %dma_start3A_212 = tpu.memref_slice %arg13[%dma_start3A_210, %dma_start3A_211] : memref<16x512xf32, #tpu.memory_space<vmem>> -> memref<1x512xf32, #tpu.memory_space<vmem>>
    %dma_start3A_213 = tpu.memref_squeeze %dma_start3A_212 : memref<1x512xf32, #tpu.memory_space<vmem>> -> memref<512xf32, #tpu.memory_space<vmem>>
    %dma_start3A_214 = arith.constant 13000832 : i32
    %dma_start3A_215 = tpu.memref_slice %arg4[%dma_start3A_214] : memref<16001024xf32, #tpu.memory_space<hbm>> -> memref<1000000xf32, #tpu.memory_space<hbm>>
    %dma_start3A_216 = arith.constant 0 : i32
    %dma_start3A_217 = tpu.memref_slice %dma_start3A_215[%dma_start3A_216] : memref<1000000xf32, #tpu.memory_space<hbm>> -> memref<1000000xf32, #tpu.memory_space<hbm>>
    tpu.enqueue_indirect_dma source(%dma_start3A_217 : memref<1000000xf32, #tpu.memory_space<hbm>>) target(%dma_start3A_213 : memref<512xf32, #tpu.memory_space<vmem>>) offsets(%arg11 : memref<512xi32, #tpu.memory_space<vmem>>) semaphore(%arg18 : memref<!tpu.dma_semaphore, #tpu.memory_space<semaphore_mem>>)
    %dma_start3A_218 = arith.constant 13 : i32
    %dma_start3A_219 = arith.constant 0 : i32
    %dma_start3A_220 = tpu.memref_slice %arg14[%dma_start3A_218, %dma_start3A_219] : memref<16x512xf32, #tpu.memory_space<vmem>> -> memref<1x512xf32, #tpu.memory_space<vmem>>
    %dma_start3A_221 = tpu.memref_squeeze %dma_start3A_220 : memref<1x512xf32, #tpu.memory_space<vmem>> -> memref<512xf32, #tpu.memory_space<vmem>>
    %dma_start3A_222 = arith.constant 13000832 : i32
    %dma_start3A_223 = tpu.memref_slice %arg5[%dma_start3A_222] : memref<16001024xf32, #tpu.memory_space<hbm>> -> memref<1000000xf32, #tpu.memory_space<hbm>>
    %dma_start3A_224 = arith.constant 0 : i32
    %dma_start3A_225 = tpu.memref_slice %dma_start3A_223[%dma_start3A_224] : memref<1000000xf32, #tpu.memory_space<hbm>> -> memref<1000000xf32, #tpu.memory_space<hbm>>
    tpu.enqueue_indirect_dma source(%dma_start3A_225 : memref<1000000xf32, #tpu.memory_space<hbm>>) target(%dma_start3A_221 : memref<512xf32, #tpu.memory_space<vmem>>) offsets(%arg12 : memref<512xi32, #tpu.memory_space<vmem>>) semaphore(%arg18 : memref<!tpu.dma_semaphore, #tpu.memory_space<semaphore_mem>>)
    %dma_start3A_226 = arith.constant 14 : i32
    %dma_start3A_227 = arith.constant 0 : i32
    %dma_start3A_228 = tpu.memref_slice %arg13[%dma_start3A_226, %dma_start3A_227] : memref<16x512xf32, #tpu.memory_space<vmem>> -> memref<1x512xf32, #tpu.memory_space<vmem>>
    %dma_start3A_229 = tpu.memref_squeeze %dma_start3A_228 : memref<1x512xf32, #tpu.memory_space<vmem>> -> memref<512xf32, #tpu.memory_space<vmem>>
    %dma_start3A_230 = arith.constant 14000896 : i32
    %dma_start3A_231 = tpu.memref_slice %arg4[%dma_start3A_230] : memref<16001024xf32, #tpu.memory_space<hbm>> -> memref<1000000xf32, #tpu.memory_space<hbm>>
    %dma_start3A_232 = arith.constant 0 : i32
    %dma_start3A_233 = tpu.memref_slice %dma_start3A_231[%dma_start3A_232] : memref<1000000xf32, #tpu.memory_space<hbm>> -> memref<1000000xf32, #tpu.memory_space<hbm>>
    tpu.enqueue_indirect_dma source(%dma_start3A_233 : memref<1000000xf32, #tpu.memory_space<hbm>>) target(%dma_start3A_229 : memref<512xf32, #tpu.memory_space<vmem>>) offsets(%arg11 : memref<512xi32, #tpu.memory_space<vmem>>) semaphore(%arg18 : memref<!tpu.dma_semaphore, #tpu.memory_space<semaphore_mem>>)
    %dma_start3A_234 = arith.constant 14 : i32
    %dma_start3A_235 = arith.constant 0 : i32
    %dma_start3A_236 = tpu.memref_slice %arg14[%dma_start3A_234, %dma_start3A_235] : memref<16x512xf32, #tpu.memory_space<vmem>> -> memref<1x512xf32, #tpu.memory_space<vmem>>
    %dma_start3A_237 = tpu.memref_squeeze %dma_start3A_236 : memref<1x512xf32, #tpu.memory_space<vmem>> -> memref<512xf32, #tpu.memory_space<vmem>>
    %dma_start3A_238 = arith.constant 14000896 : i32
    %dma_start3A_239 = tpu.memref_slice %arg5[%dma_start3A_238] : memref<16001024xf32, #tpu.memory_space<hbm>> -> memref<1000000xf32, #tpu.memory_space<hbm>>
    %dma_start3A_240 = arith.constant 0 : i32
    %dma_start3A_241 = tpu.memref_slice %dma_start3A_239[%dma_start3A_240] : memref<1000000xf32, #tpu.memory_space<hbm>> -> memref<1000000xf32, #tpu.memory_space<hbm>>
    tpu.enqueue_indirect_dma source(%dma_start3A_241 : memref<1000000xf32, #tpu.memory_space<hbm>>) target(%dma_start3A_237 : memref<512xf32, #tpu.memory_space<vmem>>) offsets(%arg12 : memref<512xi32, #tpu.memory_space<vmem>>) semaphore(%arg18 : memref<!tpu.dma_semaphore, #tpu.memory_space<semaphore_mem>>)
    %dma_start3A_242 = arith.constant 15 : i32
    %dma_start3A_243 = arith.constant 0 : i32
    %dma_start3A_244 = tpu.memref_slice %arg13[%dma_start3A_242, %dma_start3A_243] : memref<16x512xf32, #tpu.memory_space<vmem>> -> memref<1x512xf32, #tpu.memory_space<vmem>>
    %dma_start3A_245 = tpu.memref_squeeze %dma_start3A_244 : memref<1x512xf32, #tpu.memory_space<vmem>> -> memref<512xf32, #tpu.memory_space<vmem>>
    %dma_start3A_246 = arith.constant 15000960 : i32
    %dma_start3A_247 = tpu.memref_slice %arg4[%dma_start3A_246] : memref<16001024xf32, #tpu.memory_space<hbm>> -> memref<1000000xf32, #tpu.memory_space<hbm>>
    %dma_start3A_248 = arith.constant 0 : i32
    %dma_start3A_249 = tpu.memref_slice %dma_start3A_247[%dma_start3A_248] : memref<1000000xf32, #tpu.memory_space<hbm>> -> memref<1000000xf32, #tpu.memory_space<hbm>>
    tpu.enqueue_indirect_dma source(%dma_start3A_249 : memref<1000000xf32, #tpu.memory_space<hbm>>) target(%dma_start3A_245 : memref<512xf32, #tpu.memory_space<vmem>>) offsets(%arg11 : memref<512xi32, #tpu.memory_space<vmem>>) semaphore(%arg18 : memref<!tpu.dma_semaphore, #tpu.memory_space<semaphore_mem>>)
    %dma_start3A_250 = arith.constant 15 : i32
    %dma_start3A_251 = arith.constant 0 : i32
    %dma_start3A_252 = tpu.memref_slice %arg14[%dma_start3A_250, %dma_start3A_251] : memref<16x512xf32, #tpu.memory_space<vmem>> -> memref<1x512xf32, #tpu.memory_space<vmem>>
    %dma_start3A_253 = tpu.memref_squeeze %dma_start3A_252 : memref<1x512xf32, #tpu.memory_space<vmem>> -> memref<512xf32, #tpu.memory_space<vmem>>
    %dma_start3A_254 = arith.constant 15000960 : i32
    %dma_start3A_255 = tpu.memref_slice %arg5[%dma_start3A_254] : memref<16001024xf32, #tpu.memory_space<hbm>> -> memref<1000000xf32, #tpu.memory_space<hbm>>
    %dma_start3A_256 = arith.constant 0 : i32
    %dma_start3A_257 = tpu.memref_slice %dma_start3A_255[%dma_start3A_256] : memref<1000000xf32, #tpu.memory_space<hbm>> -> memref<1000000xf32, #tpu.memory_space<hbm>>
    tpu.enqueue_indirect_dma source(%dma_start3A_257 : memref<1000000xf32, #tpu.memory_space<hbm>>) target(%dma_start3A_253 : memref<512xf32, #tpu.memory_space<vmem>>) offsets(%arg12 : memref<512xi32, #tpu.memory_space<vmem>>) semaphore(%arg18 : memref<!tpu.dma_semaphore, #tpu.memory_space<semaphore_mem>>)
    %dma_start3A_258 = arith.constant 0 : i32
    %dma_start3A_259 = tpu.memref_slice %arg6[%dma_start3A_258] : memref<1000064xf32, #tpu.memory_space<hbm>> -> memref<1000000xf32, #tpu.memory_space<hbm>>
    %dma_start3A_260 = arith.constant 0 : i32
    %dma_start3A_261 = tpu.memref_slice %dma_start3A_259[%dma_start3A_260] : memref<1000000xf32, #tpu.memory_space<hbm>> -> memref<1000000xf32, #tpu.memory_space<hbm>>
    tpu.enqueue_indirect_dma source(%dma_start3A_261 : memref<1000000xf32, #tpu.memory_space<hbm>>) target(%arg15 : memref<512xf32, #tpu.memory_space<vmem>>) offsets(%arg11 : memref<512xi32, #tpu.memory_space<vmem>>) semaphore(%arg18 : memref<!tpu.dma_semaphore, #tpu.memory_space<semaphore_mem>>)
    %dma_start3A_262 = arith.constant 0 : i32
    %dma_start3A_263 = tpu.memref_slice %arg7[%dma_start3A_262] : memref<1000064xf32, #tpu.memory_space<hbm>> -> memref<1000000xf32, #tpu.memory_space<hbm>>
    %dma_start3A_264 = arith.constant 0 : i32
    %dma_start3A_265 = tpu.memref_slice %dma_start3A_263[%dma_start3A_264] : memref<1000000xf32, #tpu.memory_space<hbm>> -> memref<1000000xf32, #tpu.memory_space<hbm>>
    tpu.enqueue_indirect_dma source(%dma_start3A_265 : memref<1000000xf32, #tpu.memory_space<hbm>>) target(%arg16 : memref<512xf32, #tpu.memory_space<vmem>>) offsets(%arg12 : memref<512xi32, #tpu.memory_space<vmem>>) semaphore(%arg18 : memref<!tpu.dma_semaphore, #tpu.memory_space<semaphore_mem>>)
    %dma_wait3A = arith.constant 0 : i32
    %dma_wait3A_266 = arith.constant 0 : i32
    %dma_wait3A_267 = tpu.memref_slice %arg13[%dma_wait3A, %dma_wait3A_266] : memref<16x512xf32, #tpu.memory_space<vmem>> -> memref<1x512xf32, #tpu.memory_space<vmem>>
    %dma_wait3A_268 = tpu.memref_squeeze %dma_wait3A_267 : memref<1x512xf32, #tpu.memory_space<vmem>> -> memref<512xf32, #tpu.memory_space<vmem>>
    %dma_wait3A_269 = arith.constant 0 : i32
    %dma_wait3A_270 = tpu.memref_slice %arg4[%dma_wait3A_269] : memref<16001024xf32, #tpu.memory_space<hbm>> -> memref<1000000xf32, #tpu.memory_space<hbm>>
    %dma_wait3A_271 = arith.constant 0 : i32
    %dma_wait3A_272 = tpu.memref_slice %dma_wait3A_270[%dma_wait3A_271] : memref<1000000xf32, #tpu.memory_space<hbm>> -> memref<1000000xf32, #tpu.memory_space<hbm>>
    tpu.wait_indirect_dma semaphore(%arg18 : memref<!tpu.dma_semaphore, #tpu.memory_space<semaphore_mem>>) src(%dma_wait3A_272 : memref<1000000xf32, #tpu.memory_space<hbm>>) dst(%dma_wait3A_268 : memref<512xf32, #tpu.memory_space<vmem>>)
    %dma_wait3A_273 = arith.constant 0 : i32
    %dma_wait3A_274 = arith.constant 0 : i32
    %dma_wait3A_275 = tpu.memref_slice %arg14[%dma_wait3A_273, %dma_wait3A_274] : memref<16x512xf32, #tpu.memory_space<vmem>> -> memref<1x512xf32, #tpu.memory_space<vmem>>
    %dma_wait3A_276 = tpu.memref_squeeze %dma_wait3A_275 : memref<1x512xf32, #tpu.memory_space<vmem>> -> memref<512xf32, #tpu.memory_space<vmem>>
    %dma_wait3A_277 = arith.constant 0 : i32
    %dma_wait3A_278 = tpu.memref_slice %arg5[%dma_wait3A_277] : memref<16001024xf32, #tpu.memory_space<hbm>> -> memref<1000000xf32, #tpu.memory_space<hbm>>
    %dma_wait3A_279 = arith.constant 0 : i32
    %dma_wait3A_280 = tpu.memref_slice %dma_wait3A_278[%dma_wait3A_279] : memref<1000000xf32, #tpu.memory_space<hbm>> -> memref<1000000xf32, #tpu.memory_space<hbm>>
    tpu.wait_indirect_dma semaphore(%arg18 : memref<!tpu.dma_semaphore, #tpu.memory_space<semaphore_mem>>) src(%dma_wait3A_280 : memref<1000000xf32, #tpu.memory_space<hbm>>) dst(%dma_wait3A_276 : memref<512xf32, #tpu.memory_space<vmem>>)
    %dma_wait3A_281 = arith.constant 1 : i32
    %dma_wait3A_282 = arith.constant 0 : i32
    %dma_wait3A_283 = tpu.memref_slice %arg13[%dma_wait3A_281, %dma_wait3A_282] : memref<16x512xf32, #tpu.memory_space<vmem>> -> memref<1x512xf32, #tpu.memory_space<vmem>>
    %dma_wait3A_284 = tpu.memref_squeeze %dma_wait3A_283 : memref<1x512xf32, #tpu.memory_space<vmem>> -> memref<512xf32, #tpu.memory_space<vmem>>
    %dma_wait3A_285 = arith.constant 1000064 : i32
    %dma_wait3A_286 = tpu.memref_slice %arg4[%dma_wait3A_285] : memref<16001024xf32, #tpu.memory_space<hbm>> -> memref<1000000xf32, #tpu.memory_space<hbm>>
    %dma_wait3A_287 = arith.constant 0 : i32
    %dma_wait3A_288 = tpu.memref_slice %dma_wait3A_286[%dma_wait3A_287] : memref<1000000xf32, #tpu.memory_space<hbm>> -> memref<1000000xf32, #tpu.memory_space<hbm>>
    tpu.wait_indirect_dma semaphore(%arg18 : memref<!tpu.dma_semaphore, #tpu.memory_space<semaphore_mem>>) src(%dma_wait3A_288 : memref<1000000xf32, #tpu.memory_space<hbm>>) dst(%dma_wait3A_284 : memref<512xf32, #tpu.memory_space<vmem>>)
    %dma_wait3A_289 = arith.constant 1 : i32
    %dma_wait3A_290 = arith.constant 0 : i32
    %dma_wait3A_291 = tpu.memref_slice %arg14[%dma_wait3A_289, %dma_wait3A_290] : memref<16x512xf32, #tpu.memory_space<vmem>> -> memref<1x512xf32, #tpu.memory_space<vmem>>
    %dma_wait3A_292 = tpu.memref_squeeze %dma_wait3A_291 : memref<1x512xf32, #tpu.memory_space<vmem>> -> memref<512xf32, #tpu.memory_space<vmem>>
    %dma_wait3A_293 = arith.constant 1000064 : i32
    %dma_wait3A_294 = tpu.memref_slice %arg5[%dma_wait3A_293] : memref<16001024xf32, #tpu.memory_space<hbm>> -> memref<1000000xf32, #tpu.memory_space<hbm>>
    %dma_wait3A_295 = arith.constant 0 : i32
    %dma_wait3A_296 = tpu.memref_slice %dma_wait3A_294[%dma_wait3A_295] : memref<1000000xf32, #tpu.memory_space<hbm>> -> memref<1000000xf32, #tpu.memory_space<hbm>>
    tpu.wait_indirect_dma semaphore(%arg18 : memref<!tpu.dma_semaphore, #tpu.memory_space<semaphore_mem>>) src(%dma_wait3A_296 : memref<1000000xf32, #tpu.memory_space<hbm>>) dst(%dma_wait3A_292 : memref<512xf32, #tpu.memory_space<vmem>>)
    %dma_wait3A_297 = arith.constant 2 : i32
    %dma_wait3A_298 = arith.constant 0 : i32
    %dma_wait3A_299 = tpu.memref_slice %arg13[%dma_wait3A_297, %dma_wait3A_298] : memref<16x512xf32, #tpu.memory_space<vmem>> -> memref<1x512xf32, #tpu.memory_space<vmem>>
    %dma_wait3A_300 = tpu.memref_squeeze %dma_wait3A_299 : memref<1x512xf32, #tpu.memory_space<vmem>> -> memref<512xf32, #tpu.memory_space<vmem>>
    %dma_wait3A_301 = arith.constant 2000128 : i32
    %dma_wait3A_302 = tpu.memref_slice %arg4[%dma_wait3A_301] : memref<16001024xf32, #tpu.memory_space<hbm>> -> memref<1000000xf32, #tpu.memory_space<hbm>>
    %dma_wait3A_303 = arith.constant 0 : i32
    %dma_wait3A_304 = tpu.memref_slice %dma_wait3A_302[%dma_wait3A_303] : memref<1000000xf32, #tpu.memory_space<hbm>> -> memref<1000000xf32, #tpu.memory_space<hbm>>
    tpu.wait_indirect_dma semaphore(%arg18 : memref<!tpu.dma_semaphore, #tpu.memory_space<semaphore_mem>>) src(%dma_wait3A_304 : memref<1000000xf32, #tpu.memory_space<hbm>>) dst(%dma_wait3A_300 : memref<512xf32, #tpu.memory_space<vmem>>)
    %dma_wait3A_305 = arith.constant 2 : i32
    %dma_wait3A_306 = arith.constant 0 : i32
    %dma_wait3A_307 = tpu.memref_slice %arg14[%dma_wait3A_305, %dma_wait3A_306] : memref<16x512xf32, #tpu.memory_space<vmem>> -> memref<1x512xf32, #tpu.memory_space<vmem>>
    %dma_wait3A_308 = tpu.memref_squeeze %dma_wait3A_307 : memref<1x512xf32, #tpu.memory_space<vmem>> -> memref<512xf32, #tpu.memory_space<vmem>>
    %dma_wait3A_309 = arith.constant 2000128 : i32
    %dma_wait3A_310 = tpu.memref_slice %arg5[%dma_wait3A_309] : memref<16001024xf32, #tpu.memory_space<hbm>> -> memref<1000000xf32, #tpu.memory_space<hbm>>
    %dma_wait3A_311 = arith.constant 0 : i32
    %dma_wait3A_312 = tpu.memref_slice %dma_wait3A_310[%dma_wait3A_311] : memref<1000000xf32, #tpu.memory_space<hbm>> -> memref<1000000xf32, #tpu.memory_space<hbm>>
    tpu.wait_indirect_dma semaphore(%arg18 : memref<!tpu.dma_semaphore, #tpu.memory_space<semaphore_mem>>) src(%dma_wait3A_312 : memref<1000000xf32, #tpu.memory_space<hbm>>) dst(%dma_wait3A_308 : memref<512xf32, #tpu.memory_space<vmem>>)
    %dma_wait3A_313 = arith.constant 3 : i32
    %dma_wait3A_314 = arith.constant 0 : i32
    %dma_wait3A_315 = tpu.memref_slice %arg13[%dma_wait3A_313, %dma_wait3A_314] : memref<16x512xf32, #tpu.memory_space<vmem>> -> memref<1x512xf32, #tpu.memory_space<vmem>>
    %dma_wait3A_316 = tpu.memref_squeeze %dma_wait3A_315 : memref<1x512xf32, #tpu.memory_space<vmem>> -> memref<512xf32, #tpu.memory_space<vmem>>
    %dma_wait3A_317 = arith.constant 3000192 : i32
    %dma_wait3A_318 = tpu.memref_slice %arg4[%dma_wait3A_317] : memref<16001024xf32, #tpu.memory_space<hbm>> -> memref<1000000xf32, #tpu.memory_space<hbm>>
    %dma_wait3A_319 = arith.constant 0 : i32
    %dma_wait3A_320 = tpu.memref_slice %dma_wait3A_318[%dma_wait3A_319] : memref<1000000xf32, #tpu.memory_space<hbm>> -> memref<1000000xf32, #tpu.memory_space<hbm>>
    tpu.wait_indirect_dma semaphore(%arg18 : memref<!tpu.dma_semaphore, #tpu.memory_space<semaphore_mem>>) src(%dma_wait3A_320 : memref<1000000xf32, #tpu.memory_space<hbm>>) dst(%dma_wait3A_316 : memref<512xf32, #tpu.memory_space<vmem>>)
    %dma_wait3A_321 = arith.constant 3 : i32
    %dma_wait3A_322 = arith.constant 0 : i32
    %dma_wait3A_323 = tpu.memref_slice %arg14[%dma_wait3A_321, %dma_wait3A_322] : memref<16x512xf32, #tpu.memory_space<vmem>> -> memref<1x512xf32, #tpu.memory_space<vmem>>
    %dma_wait3A_324 = tpu.memref_squeeze %dma_wait3A_323 : memref<1x512xf32, #tpu.memory_space<vmem>> -> memref<512xf32, #tpu.memory_space<vmem>>
    %dma_wait3A_325 = arith.constant 3000192 : i32
    %dma_wait3A_326 = tpu.memref_slice %arg5[%dma_wait3A_325] : memref<16001024xf32, #tpu.memory_space<hbm>> -> memref<1000000xf32, #tpu.memory_space<hbm>>
    %dma_wait3A_327 = arith.constant 0 : i32
    %dma_wait3A_328 = tpu.memref_slice %dma_wait3A_326[%dma_wait3A_327] : memref<1000000xf32, #tpu.memory_space<hbm>> -> memref<1000000xf32, #tpu.memory_space<hbm>>
    tpu.wait_indirect_dma semaphore(%arg18 : memref<!tpu.dma_semaphore, #tpu.memory_space<semaphore_mem>>) src(%dma_wait3A_328 : memref<1000000xf32, #tpu.memory_space<hbm>>) dst(%dma_wait3A_324 : memref<512xf32, #tpu.memory_space<vmem>>)
    %dma_wait3A_329 = arith.constant 4 : i32
    %dma_wait3A_330 = arith.constant 0 : i32
    %dma_wait3A_331 = tpu.memref_slice %arg13[%dma_wait3A_329, %dma_wait3A_330] : memref<16x512xf32, #tpu.memory_space<vmem>> -> memref<1x512xf32, #tpu.memory_space<vmem>>
    %dma_wait3A_332 = tpu.memref_squeeze %dma_wait3A_331 : memref<1x512xf32, #tpu.memory_space<vmem>> -> memref<512xf32, #tpu.memory_space<vmem>>
    %dma_wait3A_333 = arith.constant 4000256 : i32
    %dma_wait3A_334 = tpu.memref_slice %arg4[%dma_wait3A_333] : memref<16001024xf32, #tpu.memory_space<hbm>> -> memref<1000000xf32, #tpu.memory_space<hbm>>
    %dma_wait3A_335 = arith.constant 0 : i32
    %dma_wait3A_336 = tpu.memref_slice %dma_wait3A_334[%dma_wait3A_335] : memref<1000000xf32, #tpu.memory_space<hbm>> -> memref<1000000xf32, #tpu.memory_space<hbm>>
    tpu.wait_indirect_dma semaphore(%arg18 : memref<!tpu.dma_semaphore, #tpu.memory_space<semaphore_mem>>) src(%dma_wait3A_336 : memref<1000000xf32, #tpu.memory_space<hbm>>) dst(%dma_wait3A_332 : memref<512xf32, #tpu.memory_space<vmem>>)
    %dma_wait3A_337 = arith.constant 4 : i32
    %dma_wait3A_338 = arith.constant 0 : i32
    %dma_wait3A_339 = tpu.memref_slice %arg14[%dma_wait3A_337, %dma_wait3A_338] : memref<16x512xf32, #tpu.memory_space<vmem>> -> memref<1x512xf32, #tpu.memory_space<vmem>>
    %dma_wait3A_340 = tpu.memref_squeeze %dma_wait3A_339 : memref<1x512xf32, #tpu.memory_space<vmem>> -> memref<512xf32, #tpu.memory_space<vmem>>
    %dma_wait3A_341 = arith.constant 4000256 : i32
    %dma_wait3A_342 = tpu.memref_slice %arg5[%dma_wait3A_341] : memref<16001024xf32, #tpu.memory_space<hbm>> -> memref<1000000xf32, #tpu.memory_space<hbm>>
    %dma_wait3A_343 = arith.constant 0 : i32
    %dma_wait3A_344 = tpu.memref_slice %dma_wait3A_342[%dma_wait3A_343] : memref<1000000xf32, #tpu.memory_space<hbm>> -> memref<1000000xf32, #tpu.memory_space<hbm>>
    tpu.wait_indirect_dma semaphore(%arg18 : memref<!tpu.dma_semaphore, #tpu.memory_space<semaphore_mem>>) src(%dma_wait3A_344 : memref<1000000xf32, #tpu.memory_space<hbm>>) dst(%dma_wait3A_340 : memref<512xf32, #tpu.memory_space<vmem>>)
    %dma_wait3A_345 = arith.constant 5 : i32
    %dma_wait3A_346 = arith.constant 0 : i32
    %dma_wait3A_347 = tpu.memref_slice %arg13[%dma_wait3A_345, %dma_wait3A_346] : memref<16x512xf32, #tpu.memory_space<vmem>> -> memref<1x512xf32, #tpu.memory_space<vmem>>
    %dma_wait3A_348 = tpu.memref_squeeze %dma_wait3A_347 : memref<1x512xf32, #tpu.memory_space<vmem>> -> memref<512xf32, #tpu.memory_space<vmem>>
    %dma_wait3A_349 = arith.constant 5000320 : i32
    %dma_wait3A_350 = tpu.memref_slice %arg4[%dma_wait3A_349] : memref<16001024xf32, #tpu.memory_space<hbm>> -> memref<1000000xf32, #tpu.memory_space<hbm>>
    %dma_wait3A_351 = arith.constant 0 : i32
    %dma_wait3A_352 = tpu.memref_slice %dma_wait3A_350[%dma_wait3A_351] : memref<1000000xf32, #tpu.memory_space<hbm>> -> memref<1000000xf32, #tpu.memory_space<hbm>>
    tpu.wait_indirect_dma semaphore(%arg18 : memref<!tpu.dma_semaphore, #tpu.memory_space<semaphore_mem>>) src(%dma_wait3A_352 : memref<1000000xf32, #tpu.memory_space<hbm>>) dst(%dma_wait3A_348 : memref<512xf32, #tpu.memory_space<vmem>>)
    %dma_wait3A_353 = arith.constant 5 : i32
    %dma_wait3A_354 = arith.constant 0 : i32
    %dma_wait3A_355 = tpu.memref_slice %arg14[%dma_wait3A_353, %dma_wait3A_354] : memref<16x512xf32, #tpu.memory_space<vmem>> -> memref<1x512xf32, #tpu.memory_space<vmem>>
    %dma_wait3A_356 = tpu.memref_squeeze %dma_wait3A_355 : memref<1x512xf32, #tpu.memory_space<vmem>> -> memref<512xf32, #tpu.memory_space<vmem>>
    %dma_wait3A_357 = arith.constant 5000320 : i32
    %dma_wait3A_358 = tpu.memref_slice %arg5[%dma_wait3A_357] : memref<16001024xf32, #tpu.memory_space<hbm>> -> memref<1000000xf32, #tpu.memory_space<hbm>>
    %dma_wait3A_359 = arith.constant 0 : i32
    %dma_wait3A_360 = tpu.memref_slice %dma_wait3A_358[%dma_wait3A_359] : memref<1000000xf32, #tpu.memory_space<hbm>> -> memref<1000000xf32, #tpu.memory_space<hbm>>
    tpu.wait_indirect_dma semaphore(%arg18 : memref<!tpu.dma_semaphore, #tpu.memory_space<semaphore_mem>>) src(%dma_wait3A_360 : memref<1000000xf32, #tpu.memory_space<hbm>>) dst(%dma_wait3A_356 : memref<512xf32, #tpu.memory_space<vmem>>)
    %dma_wait3A_361 = arith.constant 6 : i32
    %dma_wait3A_362 = arith.constant 0 : i32
    %dma_wait3A_363 = tpu.memref_slice %arg13[%dma_wait3A_361, %dma_wait3A_362] : memref<16x512xf32, #tpu.memory_space<vmem>> -> memref<1x512xf32, #tpu.memory_space<vmem>>
    %dma_wait3A_364 = tpu.memref_squeeze %dma_wait3A_363 : memref<1x512xf32, #tpu.memory_space<vmem>> -> memref<512xf32, #tpu.memory_space<vmem>>
    %dma_wait3A_365 = arith.constant 6000384 : i32
    %dma_wait3A_366 = tpu.memref_slice %arg4[%dma_wait3A_365] : memref<16001024xf32, #tpu.memory_space<hbm>> -> memref<1000000xf32, #tpu.memory_space<hbm>>
    %dma_wait3A_367 = arith.constant 0 : i32
    %dma_wait3A_368 = tpu.memref_slice %dma_wait3A_366[%dma_wait3A_367] : memref<1000000xf32, #tpu.memory_space<hbm>> -> memref<1000000xf32, #tpu.memory_space<hbm>>
    tpu.wait_indirect_dma semaphore(%arg18 : memref<!tpu.dma_semaphore, #tpu.memory_space<semaphore_mem>>) src(%dma_wait3A_368 : memref<1000000xf32, #tpu.memory_space<hbm>>) dst(%dma_wait3A_364 : memref<512xf32, #tpu.memory_space<vmem>>)
    %dma_wait3A_369 = arith.constant 6 : i32
    %dma_wait3A_370 = arith.constant 0 : i32
    %dma_wait3A_371 = tpu.memref_slice %arg14[%dma_wait3A_369, %dma_wait3A_370] : memref<16x512xf32, #tpu.memory_space<vmem>> -> memref<1x512xf32, #tpu.memory_space<vmem>>
    %dma_wait3A_372 = tpu.memref_squeeze %dma_wait3A_371 : memref<1x512xf32, #tpu.memory_space<vmem>> -> memref<512xf32, #tpu.memory_space<vmem>>
    %dma_wait3A_373 = arith.constant 6000384 : i32
    %dma_wait3A_374 = tpu.memref_slice %arg5[%dma_wait3A_373] : memref<16001024xf32, #tpu.memory_space<hbm>> -> memref<1000000xf32, #tpu.memory_space<hbm>>
    %dma_wait3A_375 = arith.constant 0 : i32
    %dma_wait3A_376 = tpu.memref_slice %dma_wait3A_374[%dma_wait3A_375] : memref<1000000xf32, #tpu.memory_space<hbm>> -> memref<1000000xf32, #tpu.memory_space<hbm>>
    tpu.wait_indirect_dma semaphore(%arg18 : memref<!tpu.dma_semaphore, #tpu.memory_space<semaphore_mem>>) src(%dma_wait3A_376 : memref<1000000xf32, #tpu.memory_space<hbm>>) dst(%dma_wait3A_372 : memref<512xf32, #tpu.memory_space<vmem>>)
    %dma_wait3A_377 = arith.constant 7 : i32
    %dma_wait3A_378 = arith.constant 0 : i32
    %dma_wait3A_379 = tpu.memref_slice %arg13[%dma_wait3A_377, %dma_wait3A_378] : memref<16x512xf32, #tpu.memory_space<vmem>> -> memref<1x512xf32, #tpu.memory_space<vmem>>
    %dma_wait3A_380 = tpu.memref_squeeze %dma_wait3A_379 : memref<1x512xf32, #tpu.memory_space<vmem>> -> memref<512xf32, #tpu.memory_space<vmem>>
    %dma_wait3A_381 = arith.constant 7000448 : i32
    %dma_wait3A_382 = tpu.memref_slice %arg4[%dma_wait3A_381] : memref<16001024xf32, #tpu.memory_space<hbm>> -> memref<1000000xf32, #tpu.memory_space<hbm>>
    %dma_wait3A_383 = arith.constant 0 : i32
    %dma_wait3A_384 = tpu.memref_slice %dma_wait3A_382[%dma_wait3A_383] : memref<1000000xf32, #tpu.memory_space<hbm>> -> memref<1000000xf32, #tpu.memory_space<hbm>>
    tpu.wait_indirect_dma semaphore(%arg18 : memref<!tpu.dma_semaphore, #tpu.memory_space<semaphore_mem>>) src(%dma_wait3A_384 : memref<1000000xf32, #tpu.memory_space<hbm>>) dst(%dma_wait3A_380 : memref<512xf32, #tpu.memory_space<vmem>>)
    %dma_wait3A_385 = arith.constant 7 : i32
    %dma_wait3A_386 = arith.constant 0 : i32
    %dma_wait3A_387 = tpu.memref_slice %arg14[%dma_wait3A_385, %dma_wait3A_386] : memref<16x512xf32, #tpu.memory_space<vmem>> -> memref<1x512xf32, #tpu.memory_space<vmem>>
    %dma_wait3A_388 = tpu.memref_squeeze %dma_wait3A_387 : memref<1x512xf32, #tpu.memory_space<vmem>> -> memref<512xf32, #tpu.memory_space<vmem>>
    %dma_wait3A_389 = arith.constant 7000448 : i32
    %dma_wait3A_390 = tpu.memref_slice %arg5[%dma_wait3A_389] : memref<16001024xf32, #tpu.memory_space<hbm>> -> memref<1000000xf32, #tpu.memory_space<hbm>>
    %dma_wait3A_391 = arith.constant 0 : i32
    %dma_wait3A_392 = tpu.memref_slice %dma_wait3A_390[%dma_wait3A_391] : memref<1000000xf32, #tpu.memory_space<hbm>> -> memref<1000000xf32, #tpu.memory_space<hbm>>
    tpu.wait_indirect_dma semaphore(%arg18 : memref<!tpu.dma_semaphore, #tpu.memory_space<semaphore_mem>>) src(%dma_wait3A_392 : memref<1000000xf32, #tpu.memory_space<hbm>>) dst(%dma_wait3A_388 : memref<512xf32, #tpu.memory_space<vmem>>)
    %dma_wait3A_393 = arith.constant 8 : i32
    %dma_wait3A_394 = arith.constant 0 : i32
    %dma_wait3A_395 = tpu.memref_slice %arg13[%dma_wait3A_393, %dma_wait3A_394] : memref<16x512xf32, #tpu.memory_space<vmem>> -> memref<1x512xf32, #tpu.memory_space<vmem>>
    %dma_wait3A_396 = tpu.memref_squeeze %dma_wait3A_395 : memref<1x512xf32, #tpu.memory_space<vmem>> -> memref<512xf32, #tpu.memory_space<vmem>>
    %dma_wait3A_397 = arith.constant 8000512 : i32
    %dma_wait3A_398 = tpu.memref_slice %arg4[%dma_wait3A_397] : memref<16001024xf32, #tpu.memory_space<hbm>> -> memref<1000000xf32, #tpu.memory_space<hbm>>
    %dma_wait3A_399 = arith.constant 0 : i32
    %dma_wait3A_400 = tpu.memref_slice %dma_wait3A_398[%dma_wait3A_399] : memref<1000000xf32, #tpu.memory_space<hbm>> -> memref<1000000xf32, #tpu.memory_space<hbm>>
    tpu.wait_indirect_dma semaphore(%arg18 : memref<!tpu.dma_semaphore, #tpu.memory_space<semaphore_mem>>) src(%dma_wait3A_400 : memref<1000000xf32, #tpu.memory_space<hbm>>) dst(%dma_wait3A_396 : memref<512xf32, #tpu.memory_space<vmem>>)
    %dma_wait3A_401 = arith.constant 8 : i32
    %dma_wait3A_402 = arith.constant 0 : i32
    %dma_wait3A_403 = tpu.memref_slice %arg14[%dma_wait3A_401, %dma_wait3A_402] : memref<16x512xf32, #tpu.memory_space<vmem>> -> memref<1x512xf32, #tpu.memory_space<vmem>>
    %dma_wait3A_404 = tpu.memref_squeeze %dma_wait3A_403 : memref<1x512xf32, #tpu.memory_space<vmem>> -> memref<512xf32, #tpu.memory_space<vmem>>
    %dma_wait3A_405 = arith.constant 8000512 : i32
    %dma_wait3A_406 = tpu.memref_slice %arg5[%dma_wait3A_405] : memref<16001024xf32, #tpu.memory_space<hbm>> -> memref<1000000xf32, #tpu.memory_space<hbm>>
    %dma_wait3A_407 = arith.constant 0 : i32
    %dma_wait3A_408 = tpu.memref_slice %dma_wait3A_406[%dma_wait3A_407] : memref<1000000xf32, #tpu.memory_space<hbm>> -> memref<1000000xf32, #tpu.memory_space<hbm>>
    tpu.wait_indirect_dma semaphore(%arg18 : memref<!tpu.dma_semaphore, #tpu.memory_space<semaphore_mem>>) src(%dma_wait3A_408 : memref<1000000xf32, #tpu.memory_space<hbm>>) dst(%dma_wait3A_404 : memref<512xf32, #tpu.memory_space<vmem>>)
    %dma_wait3A_409 = arith.constant 9 : i32
    %dma_wait3A_410 = arith.constant 0 : i32
    %dma_wait3A_411 = tpu.memref_slice %arg13[%dma_wait3A_409, %dma_wait3A_410] : memref<16x512xf32, #tpu.memory_space<vmem>> -> memref<1x512xf32, #tpu.memory_space<vmem>>
    %dma_wait3A_412 = tpu.memref_squeeze %dma_wait3A_411 : memref<1x512xf32, #tpu.memory_space<vmem>> -> memref<512xf32, #tpu.memory_space<vmem>>
    %dma_wait3A_413 = arith.constant 9000576 : i32
    %dma_wait3A_414 = tpu.memref_slice %arg4[%dma_wait3A_413] : memref<16001024xf32, #tpu.memory_space<hbm>> -> memref<1000000xf32, #tpu.memory_space<hbm>>
    %dma_wait3A_415 = arith.constant 0 : i32
    %dma_wait3A_416 = tpu.memref_slice %dma_wait3A_414[%dma_wait3A_415] : memref<1000000xf32, #tpu.memory_space<hbm>> -> memref<1000000xf32, #tpu.memory_space<hbm>>
    tpu.wait_indirect_dma semaphore(%arg18 : memref<!tpu.dma_semaphore, #tpu.memory_space<semaphore_mem>>) src(%dma_wait3A_416 : memref<1000000xf32, #tpu.memory_space<hbm>>) dst(%dma_wait3A_412 : memref<512xf32, #tpu.memory_space<vmem>>)
    %dma_wait3A_417 = arith.constant 9 : i32
    %dma_wait3A_418 = arith.constant 0 : i32
    %dma_wait3A_419 = tpu.memref_slice %arg14[%dma_wait3A_417, %dma_wait3A_418] : memref<16x512xf32, #tpu.memory_space<vmem>> -> memref<1x512xf32, #tpu.memory_space<vmem>>
    %dma_wait3A_420 = tpu.memref_squeeze %dma_wait3A_419 : memref<1x512xf32, #tpu.memory_space<vmem>> -> memref<512xf32, #tpu.memory_space<vmem>>
    %dma_wait3A_421 = arith.constant 9000576 : i32
    %dma_wait3A_422 = tpu.memref_slice %arg5[%dma_wait3A_421] : memref<16001024xf32, #tpu.memory_space<hbm>> -> memref<1000000xf32, #tpu.memory_space<hbm>>
    %dma_wait3A_423 = arith.constant 0 : i32
    %dma_wait3A_424 = tpu.memref_slice %dma_wait3A_422[%dma_wait3A_423] : memref<1000000xf32, #tpu.memory_space<hbm>> -> memref<1000000xf32, #tpu.memory_space<hbm>>
    tpu.wait_indirect_dma semaphore(%arg18 : memref<!tpu.dma_semaphore, #tpu.memory_space<semaphore_mem>>) src(%dma_wait3A_424 : memref<1000000xf32, #tpu.memory_space<hbm>>) dst(%dma_wait3A_420 : memref<512xf32, #tpu.memory_space<vmem>>)
    %dma_wait3A_425 = arith.constant 10 : i32
    %dma_wait3A_426 = arith.constant 0 : i32
    %dma_wait3A_427 = tpu.memref_slice %arg13[%dma_wait3A_425, %dma_wait3A_426] : memref<16x512xf32, #tpu.memory_space<vmem>> -> memref<1x512xf32, #tpu.memory_space<vmem>>
    %dma_wait3A_428 = tpu.memref_squeeze %dma_wait3A_427 : memref<1x512xf32, #tpu.memory_space<vmem>> -> memref<512xf32, #tpu.memory_space<vmem>>
    %dma_wait3A_429 = arith.constant 10000640 : i32
    %dma_wait3A_430 = tpu.memref_slice %arg4[%dma_wait3A_429] : memref<16001024xf32, #tpu.memory_space<hbm>> -> memref<1000000xf32, #tpu.memory_space<hbm>>
    %dma_wait3A_431 = arith.constant 0 : i32
    %dma_wait3A_432 = tpu.memref_slice %dma_wait3A_430[%dma_wait3A_431] : memref<1000000xf32, #tpu.memory_space<hbm>> -> memref<1000000xf32, #tpu.memory_space<hbm>>
    tpu.wait_indirect_dma semaphore(%arg18 : memref<!tpu.dma_semaphore, #tpu.memory_space<semaphore_mem>>) src(%dma_wait3A_432 : memref<1000000xf32, #tpu.memory_space<hbm>>) dst(%dma_wait3A_428 : memref<512xf32, #tpu.memory_space<vmem>>)
    %dma_wait3A_433 = arith.constant 10 : i32
    %dma_wait3A_434 = arith.constant 0 : i32
    %dma_wait3A_435 = tpu.memref_slice %arg14[%dma_wait3A_433, %dma_wait3A_434] : memref<16x512xf32, #tpu.memory_space<vmem>> -> memref<1x512xf32, #tpu.memory_space<vmem>>
    %dma_wait3A_436 = tpu.memref_squeeze %dma_wait3A_435 : memref<1x512xf32, #tpu.memory_space<vmem>> -> memref<512xf32, #tpu.memory_space<vmem>>
    %dma_wait3A_437 = arith.constant 10000640 : i32
    %dma_wait3A_438 = tpu.memref_slice %arg5[%dma_wait3A_437] : memref<16001024xf32, #tpu.memory_space<hbm>> -> memref<1000000xf32, #tpu.memory_space<hbm>>
    %dma_wait3A_439 = arith.constant 0 : i32
    %dma_wait3A_440 = tpu.memref_slice %dma_wait3A_438[%dma_wait3A_439] : memref<1000000xf32, #tpu.memory_space<hbm>> -> memref<1000000xf32, #tpu.memory_space<hbm>>
    tpu.wait_indirect_dma semaphore(%arg18 : memref<!tpu.dma_semaphore, #tpu.memory_space<semaphore_mem>>) src(%dma_wait3A_440 : memref<1000000xf32, #tpu.memory_space<hbm>>) dst(%dma_wait3A_436 : memref<512xf32, #tpu.memory_space<vmem>>)
    %dma_wait3A_441 = arith.constant 11 : i32
    %dma_wait3A_442 = arith.constant 0 : i32
    %dma_wait3A_443 = tpu.memref_slice %arg13[%dma_wait3A_441, %dma_wait3A_442] : memref<16x512xf32, #tpu.memory_space<vmem>> -> memref<1x512xf32, #tpu.memory_space<vmem>>
    %dma_wait3A_444 = tpu.memref_squeeze %dma_wait3A_443 : memref<1x512xf32, #tpu.memory_space<vmem>> -> memref<512xf32, #tpu.memory_space<vmem>>
    %dma_wait3A_445 = arith.constant 11000704 : i32
    %dma_wait3A_446 = tpu.memref_slice %arg4[%dma_wait3A_445] : memref<16001024xf32, #tpu.memory_space<hbm>> -> memref<1000000xf32, #tpu.memory_space<hbm>>
    %dma_wait3A_447 = arith.constant 0 : i32
    %dma_wait3A_448 = tpu.memref_slice %dma_wait3A_446[%dma_wait3A_447] : memref<1000000xf32, #tpu.memory_space<hbm>> -> memref<1000000xf32, #tpu.memory_space<hbm>>
    tpu.wait_indirect_dma semaphore(%arg18 : memref<!tpu.dma_semaphore, #tpu.memory_space<semaphore_mem>>) src(%dma_wait3A_448 : memref<1000000xf32, #tpu.memory_space<hbm>>) dst(%dma_wait3A_444 : memref<512xf32, #tpu.memory_space<vmem>>)
    %dma_wait3A_449 = arith.constant 11 : i32
    %dma_wait3A_450 = arith.constant 0 : i32
    %dma_wait3A_451 = tpu.memref_slice %arg14[%dma_wait3A_449, %dma_wait3A_450] : memref<16x512xf32, #tpu.memory_space<vmem>> -> memref<1x512xf32, #tpu.memory_space<vmem>>
    %dma_wait3A_452 = tpu.memref_squeeze %dma_wait3A_451 : memref<1x512xf32, #tpu.memory_space<vmem>> -> memref<512xf32, #tpu.memory_space<vmem>>
    %dma_wait3A_453 = arith.constant 11000704 : i32
    %dma_wait3A_454 = tpu.memref_slice %arg5[%dma_wait3A_453] : memref<16001024xf32, #tpu.memory_space<hbm>> -> memref<1000000xf32, #tpu.memory_space<hbm>>
    %dma_wait3A_455 = arith.constant 0 : i32
    %dma_wait3A_456 = tpu.memref_slice %dma_wait3A_454[%dma_wait3A_455] : memref<1000000xf32, #tpu.memory_space<hbm>> -> memref<1000000xf32, #tpu.memory_space<hbm>>
    tpu.wait_indirect_dma semaphore(%arg18 : memref<!tpu.dma_semaphore, #tpu.memory_space<semaphore_mem>>) src(%dma_wait3A_456 : memref<1000000xf32, #tpu.memory_space<hbm>>) dst(%dma_wait3A_452 : memref<512xf32, #tpu.memory_space<vmem>>)
    %dma_wait3A_457 = arith.constant 12 : i32
    %dma_wait3A_458 = arith.constant 0 : i32
    %dma_wait3A_459 = tpu.memref_slice %arg13[%dma_wait3A_457, %dma_wait3A_458] : memref<16x512xf32, #tpu.memory_space<vmem>> -> memref<1x512xf32, #tpu.memory_space<vmem>>
    %dma_wait3A_460 = tpu.memref_squeeze %dma_wait3A_459 : memref<1x512xf32, #tpu.memory_space<vmem>> -> memref<512xf32, #tpu.memory_space<vmem>>
    %dma_wait3A_461 = arith.constant 12000768 : i32
    %dma_wait3A_462 = tpu.memref_slice %arg4[%dma_wait3A_461] : memref<16001024xf32, #tpu.memory_space<hbm>> -> memref<1000000xf32, #tpu.memory_space<hbm>>
    %dma_wait3A_463 = arith.constant 0 : i32
    %dma_wait3A_464 = tpu.memref_slice %dma_wait3A_462[%dma_wait3A_463] : memref<1000000xf32, #tpu.memory_space<hbm>> -> memref<1000000xf32, #tpu.memory_space<hbm>>
    tpu.wait_indirect_dma semaphore(%arg18 : memref<!tpu.dma_semaphore, #tpu.memory_space<semaphore_mem>>) src(%dma_wait3A_464 : memref<1000000xf32, #tpu.memory_space<hbm>>) dst(%dma_wait3A_460 : memref<512xf32, #tpu.memory_space<vmem>>)
    %dma_wait3A_465 = arith.constant 12 : i32
    %dma_wait3A_466 = arith.constant 0 : i32
    %dma_wait3A_467 = tpu.memref_slice %arg14[%dma_wait3A_465, %dma_wait3A_466] : memref<16x512xf32, #tpu.memory_space<vmem>> -> memref<1x512xf32, #tpu.memory_space<vmem>>
    %dma_wait3A_468 = tpu.memref_squeeze %dma_wait3A_467 : memref<1x512xf32, #tpu.memory_space<vmem>> -> memref<512xf32, #tpu.memory_space<vmem>>
    %dma_wait3A_469 = arith.constant 12000768 : i32
    %dma_wait3A_470 = tpu.memref_slice %arg5[%dma_wait3A_469] : memref<16001024xf32, #tpu.memory_space<hbm>> -> memref<1000000xf32, #tpu.memory_space<hbm>>
    %dma_wait3A_471 = arith.constant 0 : i32
    %dma_wait3A_472 = tpu.memref_slice %dma_wait3A_470[%dma_wait3A_471] : memref<1000000xf32, #tpu.memory_space<hbm>> -> memref<1000000xf32, #tpu.memory_space<hbm>>
    tpu.wait_indirect_dma semaphore(%arg18 : memref<!tpu.dma_semaphore, #tpu.memory_space<semaphore_mem>>) src(%dma_wait3A_472 : memref<1000000xf32, #tpu.memory_space<hbm>>) dst(%dma_wait3A_468 : memref<512xf32, #tpu.memory_space<vmem>>)
    %dma_wait3A_473 = arith.constant 13 : i32
    %dma_wait3A_474 = arith.constant 0 : i32
    %dma_wait3A_475 = tpu.memref_slice %arg13[%dma_wait3A_473, %dma_wait3A_474] : memref<16x512xf32, #tpu.memory_space<vmem>> -> memref<1x512xf32, #tpu.memory_space<vmem>>
    %dma_wait3A_476 = tpu.memref_squeeze %dma_wait3A_475 : memref<1x512xf32, #tpu.memory_space<vmem>> -> memref<512xf32, #tpu.memory_space<vmem>>
    %dma_wait3A_477 = arith.constant 13000832 : i32
    %dma_wait3A_478 = tpu.memref_slice %arg4[%dma_wait3A_477] : memref<16001024xf32, #tpu.memory_space<hbm>> -> memref<1000000xf32, #tpu.memory_space<hbm>>
    %dma_wait3A_479 = arith.constant 0 : i32
    %dma_wait3A_480 = tpu.memref_slice %dma_wait3A_478[%dma_wait3A_479] : memref<1000000xf32, #tpu.memory_space<hbm>> -> memref<1000000xf32, #tpu.memory_space<hbm>>
    tpu.wait_indirect_dma semaphore(%arg18 : memref<!tpu.dma_semaphore, #tpu.memory_space<semaphore_mem>>) src(%dma_wait3A_480 : memref<1000000xf32, #tpu.memory_space<hbm>>) dst(%dma_wait3A_476 : memref<512xf32, #tpu.memory_space<vmem>>)
    %dma_wait3A_481 = arith.constant 13 : i32
    %dma_wait3A_482 = arith.constant 0 : i32
    %dma_wait3A_483 = tpu.memref_slice %arg14[%dma_wait3A_481, %dma_wait3A_482] : memref<16x512xf32, #tpu.memory_space<vmem>> -> memref<1x512xf32, #tpu.memory_space<vmem>>
    %dma_wait3A_484 = tpu.memref_squeeze %dma_wait3A_483 : memref<1x512xf32, #tpu.memory_space<vmem>> -> memref<512xf32, #tpu.memory_space<vmem>>
    %dma_wait3A_485 = arith.constant 13000832 : i32
    %dma_wait3A_486 = tpu.memref_slice %arg5[%dma_wait3A_485] : memref<16001024xf32, #tpu.memory_space<hbm>> -> memref<1000000xf32, #tpu.memory_space<hbm>>
    %dma_wait3A_487 = arith.constant 0 : i32
    %dma_wait3A_488 = tpu.memref_slice %dma_wait3A_486[%dma_wait3A_487] : memref<1000000xf32, #tpu.memory_space<hbm>> -> memref<1000000xf32, #tpu.memory_space<hbm>>
    tpu.wait_indirect_dma semaphore(%arg18 : memref<!tpu.dma_semaphore, #tpu.memory_space<semaphore_mem>>) src(%dma_wait3A_488 : memref<1000000xf32, #tpu.memory_space<hbm>>) dst(%dma_wait3A_484 : memref<512xf32, #tpu.memory_space<vmem>>)
    %dma_wait3A_489 = arith.constant 14 : i32
    %dma_wait3A_490 = arith.constant 0 : i32
    %dma_wait3A_491 = tpu.memref_slice %arg13[%dma_wait3A_489, %dma_wait3A_490] : memref<16x512xf32, #tpu.memory_space<vmem>> -> memref<1x512xf32, #tpu.memory_space<vmem>>
    %dma_wait3A_492 = tpu.memref_squeeze %dma_wait3A_491 : memref<1x512xf32, #tpu.memory_space<vmem>> -> memref<512xf32, #tpu.memory_space<vmem>>
    %dma_wait3A_493 = arith.constant 14000896 : i32
    %dma_wait3A_494 = tpu.memref_slice %arg4[%dma_wait3A_493] : memref<16001024xf32, #tpu.memory_space<hbm>> -> memref<1000000xf32, #tpu.memory_space<hbm>>
    %dma_wait3A_495 = arith.constant 0 : i32
    %dma_wait3A_496 = tpu.memref_slice %dma_wait3A_494[%dma_wait3A_495] : memref<1000000xf32, #tpu.memory_space<hbm>> -> memref<1000000xf32, #tpu.memory_space<hbm>>
    tpu.wait_indirect_dma semaphore(%arg18 : memref<!tpu.dma_semaphore, #tpu.memory_space<semaphore_mem>>) src(%dma_wait3A_496 : memref<1000000xf32, #tpu.memory_space<hbm>>) dst(%dma_wait3A_492 : memref<512xf32, #tpu.memory_space<vmem>>)
    %dma_wait3A_497 = arith.constant 14 : i32
    %dma_wait3A_498 = arith.constant 0 : i32
    %dma_wait3A_499 = tpu.memref_slice %arg14[%dma_wait3A_497, %dma_wait3A_498] : memref<16x512xf32, #tpu.memory_space<vmem>> -> memref<1x512xf32, #tpu.memory_space<vmem>>
    %dma_wait3A_500 = tpu.memref_squeeze %dma_wait3A_499 : memref<1x512xf32, #tpu.memory_space<vmem>> -> memref<512xf32, #tpu.memory_space<vmem>>
    %dma_wait3A_501 = arith.constant 14000896 : i32
    %dma_wait3A_502 = tpu.memref_slice %arg5[%dma_wait3A_501] : memref<16001024xf32, #tpu.memory_space<hbm>> -> memref<1000000xf32, #tpu.memory_space<hbm>>
    %dma_wait3A_503 = arith.constant 0 : i32
    %dma_wait3A_504 = tpu.memref_slice %dma_wait3A_502[%dma_wait3A_503] : memref<1000000xf32, #tpu.memory_space<hbm>> -> memref<1000000xf32, #tpu.memory_space<hbm>>
    tpu.wait_indirect_dma semaphore(%arg18 : memref<!tpu.dma_semaphore, #tpu.memory_space<semaphore_mem>>) src(%dma_wait3A_504 : memref<1000000xf32, #tpu.memory_space<hbm>>) dst(%dma_wait3A_500 : memref<512xf32, #tpu.memory_space<vmem>>)
    %dma_wait3A_505 = arith.constant 15 : i32
    %dma_wait3A_506 = arith.constant 0 : i32
    %dma_wait3A_507 = tpu.memref_slice %arg13[%dma_wait3A_505, %dma_wait3A_506] : memref<16x512xf32, #tpu.memory_space<vmem>> -> memref<1x512xf32, #tpu.memory_space<vmem>>
    %dma_wait3A_508 = tpu.memref_squeeze %dma_wait3A_507 : memref<1x512xf32, #tpu.memory_space<vmem>> -> memref<512xf32, #tpu.memory_space<vmem>>
    %dma_wait3A_509 = arith.constant 15000960 : i32
    %dma_wait3A_510 = tpu.memref_slice %arg4[%dma_wait3A_509] : memref<16001024xf32, #tpu.memory_space<hbm>> -> memref<1000000xf32, #tpu.memory_space<hbm>>
    %dma_wait3A_511 = arith.constant 0 : i32
    %dma_wait3A_512 = tpu.memref_slice %dma_wait3A_510[%dma_wait3A_511] : memref<1000000xf32, #tpu.memory_space<hbm>> -> memref<1000000xf32, #tpu.memory_space<hbm>>
    tpu.wait_indirect_dma semaphore(%arg18 : memref<!tpu.dma_semaphore, #tpu.memory_space<semaphore_mem>>) src(%dma_wait3A_512 : memref<1000000xf32, #tpu.memory_space<hbm>>) dst(%dma_wait3A_508 : memref<512xf32, #tpu.memory_space<vmem>>)
    %dma_wait3A_513 = arith.constant 15 : i32
    %dma_wait3A_514 = arith.constant 0 : i32
    %dma_wait3A_515 = tpu.memref_slice %arg14[%dma_wait3A_513, %dma_wait3A_514] : memref<16x512xf32, #tpu.memory_space<vmem>> -> memref<1x512xf32, #tpu.memory_space<vmem>>
    %dma_wait3A_516 = tpu.memref_squeeze %dma_wait3A_515 : memref<1x512xf32, #tpu.memory_space<vmem>> -> memref<512xf32, #tpu.memory_space<vmem>>
    %dma_wait3A_517 = arith.constant 15000960 : i32
    %dma_wait3A_518 = tpu.memref_slice %arg5[%dma_wait3A_517] : memref<16001024xf32, #tpu.memory_space<hbm>> -> memref<1000000xf32, #tpu.memory_space<hbm>>
    %dma_wait3A_519 = arith.constant 0 : i32
    %dma_wait3A_520 = tpu.memref_slice %dma_wait3A_518[%dma_wait3A_519] : memref<1000000xf32, #tpu.memory_space<hbm>> -> memref<1000000xf32, #tpu.memory_space<hbm>>
    tpu.wait_indirect_dma semaphore(%arg18 : memref<!tpu.dma_semaphore, #tpu.memory_space<semaphore_mem>>) src(%dma_wait3A_520 : memref<1000000xf32, #tpu.memory_space<hbm>>) dst(%dma_wait3A_516 : memref<512xf32, #tpu.memory_space<vmem>>)
    %dma_wait3A_521 = arith.constant 0 : i32
    %dma_wait3A_522 = tpu.memref_slice %arg6[%dma_wait3A_521] : memref<1000064xf32, #tpu.memory_space<hbm>> -> memref<1000000xf32, #tpu.memory_space<hbm>>
    %dma_wait3A_523 = arith.constant 0 : i32
    %dma_wait3A_524 = tpu.memref_slice %dma_wait3A_522[%dma_wait3A_523] : memref<1000000xf32, #tpu.memory_space<hbm>> -> memref<1000000xf32, #tpu.memory_space<hbm>>
    tpu.wait_indirect_dma semaphore(%arg18 : memref<!tpu.dma_semaphore, #tpu.memory_space<semaphore_mem>>) src(%dma_wait3A_524 : memref<1000000xf32, #tpu.memory_space<hbm>>) dst(%arg15 : memref<512xf32, #tpu.memory_space<vmem>>)
    %dma_wait3A_525 = arith.constant 0 : i32
    %dma_wait3A_526 = tpu.memref_slice %arg7[%dma_wait3A_525] : memref<1000064xf32, #tpu.memory_space<hbm>> -> memref<1000000xf32, #tpu.memory_space<hbm>>
    %dma_wait3A_527 = arith.constant 0 : i32
    %dma_wait3A_528 = tpu.memref_slice %dma_wait3A_526[%dma_wait3A_527] : memref<1000000xf32, #tpu.memory_space<hbm>> -> memref<1000000xf32, #tpu.memory_space<hbm>>
    tpu.wait_indirect_dma semaphore(%arg18 : memref<!tpu.dma_semaphore, #tpu.memory_space<semaphore_mem>>) src(%dma_wait3A_528 : memref<1000000xf32, #tpu.memory_space<hbm>>) dst(%arg16 : memref<512xf32, #tpu.memory_space<vmem>>)
    %broadcast_in_dim3A = arith.constant 0.000000e+00 : f32
    %broadcast_in_dim3A_529 = vector.broadcast %broadcast_in_dim3A : f32 to vector<16xf32>
    %scan3A = arith.constant 0 : i32
    %scan3A_530 = arith.constant 512 : i32
    %scan3A_531 = arith.addi %scan3A, %scan3A_530 : i32
    %scan3A_532 = arith.constant 8 : i32
    %scan3A_533 = scf.for %scan3A_538 = %scan3A to %scan3A_531 step %scan3A_532 iter_args(%scan3A_539 = %broadcast_in_dim3A_529) -> (vector<16xf32>)  : i32 {
      %jit3A = arith.constant 32 : i32
      %div3A = arith.divsi %scan3A_538, %jit3A : i32
      %sign3A = arith.constant 0 : i32
      %sign3A_540 = arith.cmpi sgt, %scan3A_538, %sign3A : i32
      %sign3A_541 = arith.extui %sign3A_540 : i1 to i32
      %sign3A_542 = arith.constant 0 : i32
      %sign3A_543 = arith.cmpi slt, %scan3A_538, %sign3A_542 : i32
      %sign3A_544 = arith.extui %sign3A_543 : i1 to i32
      %sign3A_545 = arith.subi %sign3A_541, %sign3A_544 : i32
      %sign3A_546 = arith.constant 0 : i32
      %sign3A_547 = arith.cmpi sgt, %jit3A, %sign3A_546 : i32
      %sign3A_548 = arith.extui %sign3A_547 : i1 to i32
      %sign3A_549 = arith.constant 0 : i32
      %sign3A_550 = arith.cmpi slt, %jit3A, %sign3A_549 : i32
      %sign3A_551 = arith.extui %sign3A_550 : i1 to i32
      %sign3A_552 = arith.subi %sign3A_548, %sign3A_551 : i32
      %ne3A = arith.cmpi ne, %sign3A_545, %sign3A_552 : i32
      %rem3A = arith.remsi %scan3A_538, %jit3A : i32
      %ne3A_553 = arith.constant 0 : i32
      %ne3A_554 = arith.cmpi ne, %rem3A, %ne3A_553 : i32
      %and3A = arith.andi %ne3A, %ne3A_554 : i1
      %sub3A = arith.constant 1 : i32
      %sub3A_555 = arith.subi %div3A, %sub3A : i32
      %select_n3A = arith.select %and3A, %sub3A_555, %div3A : i32
      %jit3A_556 = arith.constant 32 : i32
      %eq3A = arith.constant 0 : i32
      %eq3A_557 = arith.cmpi eq, %jit3A_556, %eq3A : i32
      %jit3A_558 = arith.constant 1 : i32
      %select_n3A_559 = arith.select %eq3A_557, %jit3A_558, %jit3A_556 : i32
      %rem3A_560 = arith.remsi %scan3A_538, %select_n3A_559 : i32
      %ne3A_561 = arith.constant 0 : i32
      %ne3A_562 = arith.cmpi ne, %rem3A_560, %ne3A_561 : i32
      %lt3A = arith.constant 0 : i32
      %lt3A_563 = arith.cmpi slt, %rem3A_560, %lt3A : i32
      %lt3A_564 = arith.constant 0 : i32
      %lt3A_565 = arith.cmpi slt, %select_n3A_559, %lt3A_564 : i32
      %ne3A_566 = arith.xori %lt3A_563, %lt3A_565 : i1
      %and3A_567 = arith.andi %ne3A_566, %ne3A_562 : i1
      %add3A_568 = arith.addi %rem3A_560, %select_n3A_559 : i32
      %select_n3A_569 = arith.select %and3A_567, %add3A_568, %rem3A_560 : i32
      %mul3A_570 = arith.constant 16 : i32
      %mul3A_571 = arith.muli %select_n3A_569, %mul3A_570 : i32
      %get3A = arith.index_cast %select_n3A : i32 to index
      %get3A_572 = arith.index_cast %mul3A_571 : i32 to index
      %get3A_573 = tpu.vector_load %arg13[%get3A, %get3A_572] {strides = array<i32>} : memref<16x512xf32, #tpu.memory_space<vmem>>, vector<1x16xf32>,
      %get3A_574 = vector.shape_cast %get3A_573 : vector<1x16xf32> to vector<16xf32>
      %jit3A_575 = arith.constant 32 : i32
      %div3A_576 = arith.divsi %scan3A_538, %jit3A_575 : i32
      %sign3A_577 = arith.constant 0 : i32
      %sign3A_578 = arith.cmpi sgt, %scan3A_538, %sign3A_577 : i32
      %sign3A_579 = arith.extui %sign3A_578 : i1 to i32
      %sign3A_580 = arith.constant 0 : i32
      %sign3A_581 = arith.cmpi slt, %scan3A_538, %sign3A_580 : i32
      %sign3A_582 = arith.extui %sign3A_581 : i1 to i32
      %sign3A_583 = arith.subi %sign3A_579, %sign3A_582 : i32
      %sign3A_584 = arith.constant 0 : i32
      %sign3A_585 = arith.cmpi sgt, %jit3A_575, %sign3A_584 : i32
      %sign3A_586 = arith.extui %sign3A_585 : i1 to i32
      %sign3A_587 = arith.constant 0 : i32
      %sign3A_588 = arith.cmpi slt, %jit3A_575, %sign3A_587 : i32
      %sign3A_589 = arith.extui %sign3A_588 : i1 to i32
      %sign3A_590 = arith.subi %sign3A_586, %sign3A_589 : i32
      %ne3A_591 = arith.cmpi ne, %sign3A_583, %sign3A_590 : i32
      %rem3A_592 = arith.remsi %scan3A_538, %jit3A_575 : i32
      %ne3A_593 = arith.constant 0 : i32
      %ne3A_594 = arith.cmpi ne, %rem3A_592, %ne3A_593 : i32
      %and3A_595 = arith.andi %ne3A_591, %ne3A_594 : i1
      %sub3A_596 = arith.constant 1 : i32
      %sub3A_597 = arith.subi %div3A_576, %sub3A_596 : i32
      %select_n3A_598 = arith.select %and3A_595, %sub3A_597, %div3A_576 : i32
      %jit3A_599 = arith.constant 32 : i32
      %eq3A_600 = arith.constant 0 : i32
      %eq3A_601 = arith.cmpi eq, %jit3A_599, %eq3A_600 : i32
      %jit3A_602 = arith.constant 1 : i32
      %select_n3A_603 = arith.select %eq3A_601, %jit3A_602, %jit3A_599 : i32
      %rem3A_604 = arith.remsi %scan3A_538, %select_n3A_603 : i32
      %ne3A_605 = arith.constant 0 : i32
      %ne3A_606 = arith.cmpi ne, %rem3A_604, %ne3A_605 : i32
      %lt3A_607 = arith.constant 0 : i32
      %lt3A_608 = arith.cmpi slt, %rem3A_604, %lt3A_607 : i32
      %lt3A_609 = arith.constant 0 : i32
      %lt3A_610 = arith.cmpi slt, %select_n3A_603, %lt3A_609 : i32
      %ne3A_611 = arith.xori %lt3A_608, %lt3A_610 : i1
      %and3A_612 = arith.andi %ne3A_611, %ne3A_606 : i1
      %add3A_613 = arith.addi %rem3A_604, %select_n3A_603 : i32
      %select_n3A_614 = arith.select %and3A_612, %add3A_613, %rem3A_604 : i32
      %mul3A_615 = arith.constant 16 : i32
      %mul3A_616 = arith.muli %select_n3A_614, %mul3A_615 : i32
      %get3A_617 = arith.index_cast %select_n3A_598 : i32 to index
      %get3A_618 = arith.index_cast %mul3A_616 : i32 to index
      %get3A_619 = tpu.vector_load %arg14[%get3A_617, %get3A_618] {strides = array<i32>} : memref<16x512xf32, #tpu.memory_space<vmem>>, vector<1x16xf32>,
      %get3A_620 = vector.shape_cast %get3A_619 : vector<1x16xf32> to vector<16xf32>
      %mul3A_621 = arith.mulf %get3A_574, %get3A_620 : vector<16xf32>
      %add3A_622 = arith.addf %scan3A_539, %mul3A_621 : vector<16xf32>
      %scan3A_623 = arith.constant 1 : i32
      %scan3A_624 = arith.addi %scan3A_538, %scan3A_623 : i32
      %jit3A_625 = arith.constant 32 : i32
      %div3A_626 = arith.divsi %scan3A_624, %jit3A_625 : i32
      %sign3A_627 = arith.constant 0 : i32
      %sign3A_628 = arith.cmpi sgt, %scan3A_624, %sign3A_627 : i32
      %sign3A_629 = arith.extui %sign3A_628 : i1 to i32
      %sign3A_630 = arith.constant 0 : i32
      %sign3A_631 = arith.cmpi slt, %scan3A_624, %sign3A_630 : i32
      %sign3A_632 = arith.extui %sign3A_631 : i1 to i32
      %sign3A_633 = arith.subi %sign3A_629, %sign3A_632 : i32
      %sign3A_634 = arith.constant 0 : i32
      %sign3A_635 = arith.cmpi sgt, %jit3A_625, %sign3A_634 : i32
      %sign3A_636 = arith.extui %sign3A_635 : i1 to i32
      %sign3A_637 = arith.constant 0 : i32
      %sign3A_638 = arith.cmpi slt, %jit3A_625, %sign3A_637 : i32
      %sign3A_639 = arith.extui %sign3A_638 : i1 to i32
      %sign3A_640 = arith.subi %sign3A_636, %sign3A_639 : i32
      %ne3A_641 = arith.cmpi ne, %sign3A_633, %sign3A_640 : i32
      %rem3A_642 = arith.remsi %scan3A_624, %jit3A_625 : i32
      %ne3A_643 = arith.constant 0 : i32
      %ne3A_644 = arith.cmpi ne, %rem3A_642, %ne3A_643 : i32
      %and3A_645 = arith.andi %ne3A_641, %ne3A_644 : i1
      %sub3A_646 = arith.constant 1 : i32
      %sub3A_647 = arith.subi %div3A_626, %sub3A_646 : i32
      %select_n3A_648 = arith.select %and3A_645, %sub3A_647, %div3A_626 : i32
      %jit3A_649 = arith.constant 32 : i32
      %eq3A_650 = arith.constant 0 : i32
      %eq3A_651 = arith.cmpi eq, %jit3A_649, %eq3A_650 : i32
      %jit3A_652 = arith.constant 1 : i32
      %select_n3A_653 = arith.select %eq3A_651, %jit3A_652, %jit3A_649 : i32
      %rem3A_654 = arith.remsi %scan3A_624, %select_n3A_653 : i32
      %ne3A_655 = arith.constant 0 : i32
      %ne3A_656 = arith.cmpi ne, %rem3A_654, %ne3A_655 : i32
      %lt3A_657 = arith.constant 0 : i32
      %lt3A_658 = arith.cmpi slt, %rem3A_654, %lt3A_657 : i32
      %lt3A_659 = arith.constant 0 : i32
      %lt3A_660 = arith.cmpi slt, %select_n3A_653, %lt3A_659 : i32
      %ne3A_661 = arith.xori %lt3A_658, %lt3A_660 : i1
      %and3A_662 = arith.andi %ne3A_661, %ne3A_656 : i1
      %add3A_663 = arith.addi %rem3A_654, %select_n3A_653 : i32
      %select_n3A_664 = arith.select %and3A_662, %add3A_663, %rem3A_654 : i32
      %mul3A_665 = arith.constant 16 : i32
      %mul3A_666 = arith.muli %select_n3A_664, %mul3A_665 : i32
      %get3A_667 = arith.index_cast %select_n3A_648 : i32 to index
      %get3A_668 = arith.index_cast %mul3A_666 : i32 to index
      %get3A_669 = tpu.vector_load %arg13[%get3A_667, %get3A_668] {strides = array<i32>} : memref<16x512xf32, #tpu.memory_space<vmem>>, vector<1x16xf32>,
      %get3A_670 = vector.shape_cast %get3A_669 : vector<1x16xf32> to vector<16xf32>
      %jit3A_671 = arith.constant 32 : i32
      %div3A_672 = arith.divsi %scan3A_624, %jit3A_671 : i32
      %sign3A_673 = arith.constant 0 : i32
      %sign3A_674 = arith.cmpi sgt, %scan3A_624, %sign3A_673 : i32
      %sign3A_675 = arith.extui %sign3A_674 : i1 to i32
      %sign3A_676 = arith.constant 0 : i32
      %sign3A_677 = arith.cmpi slt, %scan3A_624, %sign3A_676 : i32
      %sign3A_678 = arith.extui %sign3A_677 : i1 to i32
      %sign3A_679 = arith.subi %sign3A_675, %sign3A_678 : i32
      %sign3A_680 = arith.constant 0 : i32
      %sign3A_681 = arith.cmpi sgt, %jit3A_671, %sign3A_680 : i32
      %sign3A_682 = arith.extui %sign3A_681 : i1 to i32
      %sign3A_683 = arith.constant 0 : i32
      %sign3A_684 = arith.cmpi slt, %jit3A_671, %sign3A_683 : i32
      %sign3A_685 = arith.extui %sign3A_684 : i1 to i32
      %sign3A_686 = arith.subi %sign3A_682, %sign3A_685 : i32
      %ne3A_687 = arith.cmpi ne, %sign3A_679, %sign3A_686 : i32
      %rem3A_688 = arith.remsi %scan3A_624, %jit3A_671 : i32
      %ne3A_689 = arith.constant 0 : i32
      %ne3A_690 = arith.cmpi ne, %rem3A_688, %ne3A_689 : i32
      %and3A_691 = arith.andi %ne3A_687, %ne3A_690 : i1
      %sub3A_692 = arith.constant 1 : i32
      %sub3A_693 = arith.subi %div3A_672, %sub3A_692 : i32
      %select_n3A_694 = arith.select %and3A_691, %sub3A_693, %div3A_672 : i32
      %jit3A_695 = arith.constant 32 : i32
      %eq3A_696 = arith.constant 0 : i32
      %eq3A_697 = arith.cmpi eq, %jit3A_695, %eq3A_696 : i32
      %jit3A_698 = arith.constant 1 : i32
      %select_n3A_699 = arith.select %eq3A_697, %jit3A_698, %jit3A_695 : i32
      %rem3A_700 = arith.remsi %scan3A_624, %select_n3A_699 : i32
      %ne3A_701 = arith.constant 0 : i32
      %ne3A_702 = arith.cmpi ne, %rem3A_700, %ne3A_701 : i32
      %lt3A_703 = arith.constant 0 : i32
      %lt3A_704 = arith.cmpi slt, %rem3A_700, %lt3A_703 : i32
      %lt3A_705 = arith.constant 0 : i32
      %lt3A_706 = arith.cmpi slt, %select_n3A_699, %lt3A_705 : i32
      %ne3A_707 = arith.xori %lt3A_704, %lt3A_706 : i1
      %and3A_708 = arith.andi %ne3A_707, %ne3A_702 : i1
      %add3A_709 = arith.addi %rem3A_700, %select_n3A_699 : i32
      %select_n3A_710 = arith.select %and3A_708, %add3A_709, %rem3A_700 : i32
      %mul3A_711 = arith.constant 16 : i32
      %mul3A_712 = arith.muli %select_n3A_710, %mul3A_711 : i32
      %get3A_713 = arith.index_cast %select_n3A_694 : i32 to index
      %get3A_714 = arith.index_cast %mul3A_712 : i32 to index
      %get3A_715 = tpu.vector_load %arg14[%get3A_713, %get3A_714] {strides = array<i32>} : memref<16x512xf32, #tpu.memory_space<vmem>>, vector<1x16xf32>,
      %get3A_716 = vector.shape_cast %get3A_715 : vector<1x16xf32> to vector<16xf32>
      %mul3A_717 = arith.mulf %get3A_670, %get3A_716 : vector<16xf32>
      %add3A_718 = arith.addf %add3A_622, %mul3A_717 : vector<16xf32>
      %scan3A_719 = arith.constant 2 : i32
      %scan3A_720 = arith.addi %scan3A_538, %scan3A_719 : i32
      %jit3A_721 = arith.constant 32 : i32
      %div3A_722 = arith.divsi %scan3A_720, %jit3A_721 : i32
      %sign3A_723 = arith.constant 0 : i32
      %sign3A_724 = arith.cmpi sgt, %scan3A_720, %sign3A_723 : i32
      %sign3A_725 = arith.extui %sign3A_724 : i1 to i32
      %sign3A_726 = arith.constant 0 : i32
      %sign3A_727 = arith.cmpi slt, %scan3A_720, %sign3A_726 : i32
      %sign3A_728 = arith.extui %sign3A_727 : i1 to i32
      %sign3A_729 = arith.subi %sign3A_725, %sign3A_728 : i32
      %sign3A_730 = arith.constant 0 : i32
      %sign3A_731 = arith.cmpi sgt, %jit3A_721, %sign3A_730 : i32
      %sign3A_732 = arith.extui %sign3A_731 : i1 to i32
      %sign3A_733 = arith.constant 0 : i32
      %sign3A_734 = arith.cmpi slt, %jit3A_721, %sign3A_733 : i32
      %sign3A_735 = arith.extui %sign3A_734 : i1 to i32
      %sign3A_736 = arith.subi %sign3A_732, %sign3A_735 : i32
      %ne3A_737 = arith.cmpi ne, %sign3A_729, %sign3A_736 : i32
      %rem3A_738 = arith.remsi %scan3A_720, %jit3A_721 : i32
      %ne3A_739 = arith.constant 0 : i32
      %ne3A_740 = arith.cmpi ne, %rem3A_738, %ne3A_739 : i32
      %and3A_741 = arith.andi %ne3A_737, %ne3A_740 : i1
      %sub3A_742 = arith.constant 1 : i32
      %sub3A_743 = arith.subi %div3A_722, %sub3A_742 : i32
      %select_n3A_744 = arith.select %and3A_741, %sub3A_743, %div3A_722 : i32
      %jit3A_745 = arith.constant 32 : i32
      %eq3A_746 = arith.constant 0 : i32
      %eq3A_747 = arith.cmpi eq, %jit3A_745, %eq3A_746 : i32
      %jit3A_748 = arith.constant 1 : i32
      %select_n3A_749 = arith.select %eq3A_747, %jit3A_748, %jit3A_745 : i32
      %rem3A_750 = arith.remsi %scan3A_720, %select_n3A_749 : i32
      %ne3A_751 = arith.constant 0 : i32
      %ne3A_752 = arith.cmpi ne, %rem3A_750, %ne3A_751 : i32
      %lt3A_753 = arith.constant 0 : i32
      %lt3A_754 = arith.cmpi slt, %rem3A_750, %lt3A_753 : i32
      %lt3A_755 = arith.constant 0 : i32
      %lt3A_756 = arith.cmpi slt, %select_n3A_749, %lt3A_755 : i32
      %ne3A_757 = arith.xori %lt3A_754, %lt3A_756 : i1
      %and3A_758 = arith.andi %ne3A_757, %ne3A_752 : i1
      %add3A_759 = arith.addi %rem3A_750, %select_n3A_749 : i32
      %select_n3A_760 = arith.select %and3A_758, %add3A_759, %rem3A_750 : i32
      %mul3A_761 = arith.constant 16 : i32
      %mul3A_762 = arith.muli %select_n3A_760, %mul3A_761 : i32
      %get3A_763 = arith.index_cast %select_n3A_744 : i32 to index
      %get3A_764 = arith.index_cast %mul3A_762 : i32 to index
      %get3A_765 = tpu.vector_load %arg13[%get3A_763, %get3A_764] {strides = array<i32>} : memref<16x512xf32, #tpu.memory_space<vmem>>, vector<1x16xf32>,
      %get3A_766 = vector.shape_cast %get3A_765 : vector<1x16xf32> to vector<16xf32>
      %jit3A_767 = arith.constant 32 : i32
      %div3A_768 = arith.divsi %scan3A_720, %jit3A_767 : i32
      %sign3A_769 = arith.constant 0 : i32
      %sign3A_770 = arith.cmpi sgt, %scan3A_720, %sign3A_769 : i32
      %sign3A_771 = arith.extui %sign3A_770 : i1 to i32
      %sign3A_772 = arith.constant 0 : i32
      %sign3A_773 = arith.cmpi slt, %scan3A_720, %sign3A_772 : i32
      %sign3A_774 = arith.extui %sign3A_773 : i1 to i32
      %sign3A_775 = arith.subi %sign3A_771, %sign3A_774 : i32
      %sign3A_776 = arith.constant 0 : i32
      %sign3A_777 = arith.cmpi sgt, %jit3A_767, %sign3A_776 : i32
      %sign3A_778 = arith.extui %sign3A_777 : i1 to i32
      %sign3A_779 = arith.constant 0 : i32
      %sign3A_780 = arith.cmpi slt, %jit3A_767, %sign3A_779 : i32
      %sign3A_781 = arith.extui %sign3A_780 : i1 to i32
      %sign3A_782 = arith.subi %sign3A_778, %sign3A_781 : i32
      %ne3A_783 = arith.cmpi ne, %sign3A_775, %sign3A_782 : i32
      %rem3A_784 = arith.remsi %scan3A_720, %jit3A_767 : i32
      %ne3A_785 = arith.constant 0 : i32
      %ne3A_786 = arith.cmpi ne, %rem3A_784, %ne3A_785 : i32
      %and3A_787 = arith.andi %ne3A_783, %ne3A_786 : i1
      %sub3A_788 = arith.constant 1 : i32
      %sub3A_789 = arith.subi %div3A_768, %sub3A_788 : i32
      %select_n3A_790 = arith.select %and3A_787, %sub3A_789, %div3A_768 : i32
      %jit3A_791 = arith.constant 32 : i32
      %eq3A_792 = arith.constant 0 : i32
      %eq3A_793 = arith.cmpi eq, %jit3A_791, %eq3A_792 : i32
      %jit3A_794 = arith.constant 1 : i32
      %select_n3A_795 = arith.select %eq3A_793, %jit3A_794, %jit3A_791 : i32
      %rem3A_796 = arith.remsi %scan3A_720, %select_n3A_795 : i32
      %ne3A_797 = arith.constant 0 : i32
      %ne3A_798 = arith.cmpi ne, %rem3A_796, %ne3A_797 : i32
      %lt3A_799 = arith.constant 0 : i32
      %lt3A_800 = arith.cmpi slt, %rem3A_796, %lt3A_799 : i32
      %lt3A_801 = arith.constant 0 : i32
      %lt3A_802 = arith.cmpi slt, %select_n3A_795, %lt3A_801 : i32
      %ne3A_803 = arith.xori %lt3A_800, %lt3A_802 : i1
      %and3A_804 = arith.andi %ne3A_803, %ne3A_798 : i1
      %add3A_805 = arith.addi %rem3A_796, %select_n3A_795 : i32
      %select_n3A_806 = arith.select %and3A_804, %add3A_805, %rem3A_796 : i32
      %mul3A_807 = arith.constant 16 : i32
      %mul3A_808 = arith.muli %select_n3A_806, %mul3A_807 : i32
      %get3A_809 = arith.index_cast %select_n3A_790 : i32 to index
      %get3A_810 = arith.index_cast %mul3A_808 : i32 to index
      %get3A_811 = tpu.vector_load %arg14[%get3A_809, %get3A_810] {strides = array<i32>} : memref<16x512xf32, #tpu.memory_space<vmem>>, vector<1x16xf32>,
      %get3A_812 = vector.shape_cast %get3A_811 : vector<1x16xf32> to vector<16xf32>
      %mul3A_813 = arith.mulf %get3A_766, %get3A_812 : vector<16xf32>
      %add3A_814 = arith.addf %add3A_718, %mul3A_813 : vector<16xf32>
      %scan3A_815 = arith.constant 3 : i32
      %scan3A_816 = arith.addi %scan3A_538, %scan3A_815 : i32
      %jit3A_817 = arith.constant 32 : i32
      %div3A_818 = arith.divsi %scan3A_816, %jit3A_817 : i32
      %sign3A_819 = arith.constant 0 : i32
      %sign3A_820 = arith.cmpi sgt, %scan3A_816, %sign3A_819 : i32
      %sign3A_821 = arith.extui %sign3A_820 : i1 to i32
      %sign3A_822 = arith.constant 0 : i32
      %sign3A_823 = arith.cmpi slt, %scan3A_816, %sign3A_822 : i32
      %sign3A_824 = arith.extui %sign3A_823 : i1 to i32
      %sign3A_825 = arith.subi %sign3A_821, %sign3A_824 : i32
      %sign3A_826 = arith.constant 0 : i32
      %sign3A_827 = arith.cmpi sgt, %jit3A_817, %sign3A_826 : i32
      %sign3A_828 = arith.extui %sign3A_827 : i1 to i32
      %sign3A_829 = arith.constant 0 : i32
      %sign3A_830 = arith.cmpi slt, %jit3A_817, %sign3A_829 : i32
      %sign3A_831 = arith.extui %sign3A_830 : i1 to i32
      %sign3A_832 = arith.subi %sign3A_828, %sign3A_831 : i32
      %ne3A_833 = arith.cmpi ne, %sign3A_825, %sign3A_832 : i32
      %rem3A_834 = arith.remsi %scan3A_816, %jit3A_817 : i32
      %ne3A_835 = arith.constant 0 : i32
      %ne3A_836 = arith.cmpi ne, %rem3A_834, %ne3A_835 : i32
      %and3A_837 = arith.andi %ne3A_833, %ne3A_836 : i1
      %sub3A_838 = arith.constant 1 : i32
      %sub3A_839 = arith.subi %div3A_818, %sub3A_838 : i32
      %select_n3A_840 = arith.select %and3A_837, %sub3A_839, %div3A_818 : i32
      %jit3A_841 = arith.constant 32 : i32
      %eq3A_842 = arith.constant 0 : i32
      %eq3A_843 = arith.cmpi eq, %jit3A_841, %eq3A_842 : i32
      %jit3A_844 = arith.constant 1 : i32
      %select_n3A_845 = arith.select %eq3A_843, %jit3A_844, %jit3A_841 : i32
      %rem3A_846 = arith.remsi %scan3A_816, %select_n3A_845 : i32
      %ne3A_847 = arith.constant 0 : i32
      %ne3A_848 = arith.cmpi ne, %rem3A_846, %ne3A_847 : i32
      %lt3A_849 = arith.constant 0 : i32
      %lt3A_850 = arith.cmpi slt, %rem3A_846, %lt3A_849 : i32
      %lt3A_851 = arith.constant 0 : i32
      %lt3A_852 = arith.cmpi slt, %select_n3A_845, %lt3A_851 : i32
      %ne3A_853 = arith.xori %lt3A_850, %lt3A_852 : i1
      %and3A_854 = arith.andi %ne3A_853, %ne3A_848 : i1
      %add3A_855 = arith.addi %rem3A_846, %select_n3A_845 : i32
      %select_n3A_856 = arith.select %and3A_854, %add3A_855, %rem3A_846 : i32
      %mul3A_857 = arith.constant 16 : i32
      %mul3A_858 = arith.muli %select_n3A_856, %mul3A_857 : i32
      %get3A_859 = arith.index_cast %select_n3A_840 : i32 to index
      %get3A_860 = arith.index_cast %mul3A_858 : i32 to index
      %get3A_861 = tpu.vector_load %arg13[%get3A_859, %get3A_860] {strides = array<i32>} : memref<16x512xf32, #tpu.memory_space<vmem>>, vector<1x16xf32>,
      %get3A_862 = vector.shape_cast %get3A_861 : vector<1x16xf32> to vector<16xf32>
      %jit3A_863 = arith.constant 32 : i32
      %div3A_864 = arith.divsi %scan3A_816, %jit3A_863 : i32
      %sign3A_865 = arith.constant 0 : i32
      %sign3A_866 = arith.cmpi sgt, %scan3A_816, %sign3A_865 : i32
      %sign3A_867 = arith.extui %sign3A_866 : i1 to i32
      %sign3A_868 = arith.constant 0 : i32
      %sign3A_869 = arith.cmpi slt, %scan3A_816, %sign3A_868 : i32
      %sign3A_870 = arith.extui %sign3A_869 : i1 to i32
      %sign3A_871 = arith.subi %sign3A_867, %sign3A_870 : i32
      %sign3A_872 = arith.constant 0 : i32
      %sign3A_873 = arith.cmpi sgt, %jit3A_863, %sign3A_872 : i32
      %sign3A_874 = arith.extui %sign3A_873 : i1 to i32
      %sign3A_875 = arith.constant 0 : i32
      %sign3A_876 = arith.cmpi slt, %jit3A_863, %sign3A_875 : i32
      %sign3A_877 = arith.extui %sign3A_876 : i1 to i32
      %sign3A_878 = arith.subi %sign3A_874, %sign3A_877 : i32
      %ne3A_879 = arith.cmpi ne, %sign3A_871, %sign3A_878 : i32
      %rem3A_880 = arith.remsi %scan3A_816, %jit3A_863 : i32
      %ne3A_881 = arith.constant 0 : i32
      %ne3A_882 = arith.cmpi ne, %rem3A_880, %ne3A_881 : i32
      %and3A_883 = arith.andi %ne3A_879, %ne3A_882 : i1
      %sub3A_884 = arith.constant 1 : i32
      %sub3A_885 = arith.subi %div3A_864, %sub3A_884 : i32
      %select_n3A_886 = arith.select %and3A_883, %sub3A_885, %div3A_864 : i32
      %jit3A_887 = arith.constant 32 : i32
      %eq3A_888 = arith.constant 0 : i32
      %eq3A_889 = arith.cmpi eq, %jit3A_887, %eq3A_888 : i32
      %jit3A_890 = arith.constant 1 : i32
      %select_n3A_891 = arith.select %eq3A_889, %jit3A_890, %jit3A_887 : i32
      %rem3A_892 = arith.remsi %scan3A_816, %select_n3A_891 : i32
      %ne3A_893 = arith.constant 0 : i32
      %ne3A_894 = arith.cmpi ne, %rem3A_892, %ne3A_893 : i32
      %lt3A_895 = arith.constant 0 : i32
      %lt3A_896 = arith.cmpi slt, %rem3A_892, %lt3A_895 : i32
      %lt3A_897 = arith.constant 0 : i32
      %lt3A_898 = arith.cmpi slt, %select_n3A_891, %lt3A_897 : i32
      %ne3A_899 = arith.xori %lt3A_896, %lt3A_898 : i1
      %and3A_900 = arith.andi %ne3A_899, %ne3A_894 : i1
      %add3A_901 = arith.addi %rem3A_892, %select_n3A_891 : i32
      %select_n3A_902 = arith.select %and3A_900, %add3A_901, %rem3A_892 : i32
      %mul3A_903 = arith.constant 16 : i32
      %mul3A_904 = arith.muli %select_n3A_902, %mul3A_903 : i32
      %get3A_905 = arith.index_cast %select_n3A_886 : i32 to index
      %get3A_906 = arith.index_cast %mul3A_904 : i32 to index
      %get3A_907 = tpu.vector_load %arg14[%get3A_905, %get3A_906] {strides = array<i32>} : memref<16x512xf32, #tpu.memory_space<vmem>>, vector<1x16xf32>,
      %get3A_908 = vector.shape_cast %get3A_907 : vector<1x16xf32> to vector<16xf32>
      %mul3A_909 = arith.mulf %get3A_862, %get3A_908 : vector<16xf32>
      %add3A_910 = arith.addf %add3A_814, %mul3A_909 : vector<16xf32>
      %scan3A_911 = arith.constant 4 : i32
      %scan3A_912 = arith.addi %scan3A_538, %scan3A_911 : i32
      %jit3A_913 = arith.constant 32 : i32
      %div3A_914 = arith.divsi %scan3A_912, %jit3A_913 : i32
      %sign3A_915 = arith.constant 0 : i32
      %sign3A_916 = arith.cmpi sgt, %scan3A_912, %sign3A_915 : i32
      %sign3A_917 = arith.extui %sign3A_916 : i1 to i32
      %sign3A_918 = arith.constant 0 : i32
      %sign3A_919 = arith.cmpi slt, %scan3A_912, %sign3A_918 : i32
      %sign3A_920 = arith.extui %sign3A_919 : i1 to i32
      %sign3A_921 = arith.subi %sign3A_917, %sign3A_920 : i32
      %sign3A_922 = arith.constant 0 : i32
      %sign3A_923 = arith.cmpi sgt, %jit3A_913, %sign3A_922 : i32
      %sign3A_924 = arith.extui %sign3A_923 : i1 to i32
      %sign3A_925 = arith.constant 0 : i32
      %sign3A_926 = arith.cmpi slt, %jit3A_913, %sign3A_925 : i32
      %sign3A_927 = arith.extui %sign3A_926 : i1 to i32
      %sign3A_928 = arith.subi %sign3A_924, %sign3A_927 : i32
      %ne3A_929 = arith.cmpi ne, %sign3A_921, %sign3A_928 : i32
      %rem3A_930 = arith.remsi %scan3A_912, %jit3A_913 : i32
      %ne3A_931 = arith.constant 0 : i32
      %ne3A_932 = arith.cmpi ne, %rem3A_930, %ne3A_931 : i32
      %and3A_933 = arith.andi %ne3A_929, %ne3A_932 : i1
      %sub3A_934 = arith.constant 1 : i32
      %sub3A_935 = arith.subi %div3A_914, %sub3A_934 : i32
      %select_n3A_936 = arith.select %and3A_933, %sub3A_935, %div3A_914 : i32
      %jit3A_937 = arith.constant 32 : i32
      %eq3A_938 = arith.constant 0 : i32
      %eq3A_939 = arith.cmpi eq, %jit3A_937, %eq3A_938 : i32
      %jit3A_940 = arith.constant 1 : i32
      %select_n3A_941 = arith.select %eq3A_939, %jit3A_940, %jit3A_937 : i32
      %rem3A_942 = arith.remsi %scan3A_912, %select_n3A_941 : i32
      %ne3A_943 = arith.constant 0 : i32
      %ne3A_944 = arith.cmpi ne, %rem3A_942, %ne3A_943 : i32
      %lt3A_945 = arith.constant 0 : i32
      %lt3A_946 = arith.cmpi slt, %rem3A_942, %lt3A_945 : i32
      %lt3A_947 = arith.constant 0 : i32
      %lt3A_948 = arith.cmpi slt, %select_n3A_941, %lt3A_947 : i32
      %ne3A_949 = arith.xori %lt3A_946, %lt3A_948 : i1
      %and3A_950 = arith.andi %ne3A_949, %ne3A_944 : i1
      %add3A_951 = arith.addi %rem3A_942, %select_n3A_941 : i32
      %select_n3A_952 = arith.select %and3A_950, %add3A_951, %rem3A_942 : i32
      %mul3A_953 = arith.constant 16 : i32
      %mul3A_954 = arith.muli %select_n3A_952, %mul3A_953 : i32
      %get3A_955 = arith.index_cast %select_n3A_936 : i32 to index
      %get3A_956 = arith.index_cast %mul3A_954 : i32 to index
      %get3A_957 = tpu.vector_load %arg13[%get3A_955, %get3A_956] {strides = array<i32>} : memref<16x512xf32, #tpu.memory_space<vmem>>, vector<1x16xf32>,
      %get3A_958 = vector.shape_cast %get3A_957 : vector<1x16xf32> to vector<16xf32>
      %jit3A_959 = arith.constant 32 : i32
      %div3A_960 = arith.divsi %scan3A_912, %jit3A_959 : i32
      %sign3A_961 = arith.constant 0 : i32
      %sign3A_962 = arith.cmpi sgt, %scan3A_912, %sign3A_961 : i32
      %sign3A_963 = arith.extui %sign3A_962 : i1 to i32
      %sign3A_964 = arith.constant 0 : i32
      %sign3A_965 = arith.cmpi slt, %scan3A_912, %sign3A_964 : i32
      %sign3A_966 = arith.extui %sign3A_965 : i1 to i32
      %sign3A_967 = arith.subi %sign3A_963, %sign3A_966 : i32
      %sign3A_968 = arith.constant 0 : i32
      %sign3A_969 = arith.cmpi sgt, %jit3A_959, %sign3A_968 : i32
      %sign3A_970 = arith.extui %sign3A_969 : i1 to i32
      %sign3A_971 = arith.constant 0 : i32
      %sign3A_972 = arith.cmpi slt, %jit3A_959, %sign3A_971 : i32
      %sign3A_973 = arith.extui %sign3A_972 : i1 to i32
      %sign3A_974 = arith.subi %sign3A_970, %sign3A_973 : i32
      %ne3A_975 = arith.cmpi ne, %sign3A_967, %sign3A_974 : i32
      %rem3A_976 = arith.remsi %scan3A_912, %jit3A_959 : i32
      %ne3A_977 = arith.constant 0 : i32
      %ne3A_978 = arith.cmpi ne, %rem3A_976, %ne3A_977 : i32
      %and3A_979 = arith.andi %ne3A_975, %ne3A_978 : i1
      %sub3A_980 = arith.constant 1 : i32
      %sub3A_981 = arith.subi %div3A_960, %sub3A_980 : i32
      %select_n3A_982 = arith.select %and3A_979, %sub3A_981, %div3A_960 : i32
      %jit3A_983 = arith.constant 32 : i32
      %eq3A_984 = arith.constant 0 : i32
      %eq3A_985 = arith.cmpi eq, %jit3A_983, %eq3A_984 : i32
      %jit3A_986 = arith.constant 1 : i32
      %select_n3A_987 = arith.select %eq3A_985, %jit3A_986, %jit3A_983 : i32
      %rem3A_988 = arith.remsi %scan3A_912, %select_n3A_987 : i32
      %ne3A_989 = arith.constant 0 : i32
      %ne3A_990 = arith.cmpi ne, %rem3A_988, %ne3A_989 : i32
      %lt3A_991 = arith.constant 0 : i32
      %lt3A_992 = arith.cmpi slt, %rem3A_988, %lt3A_991 : i32
      %lt3A_993 = arith.constant 0 : i32
      %lt3A_994 = arith.cmpi slt, %select_n3A_987, %lt3A_993 : i32
      %ne3A_995 = arith.xori %lt3A_992, %lt3A_994 : i1
      %and3A_996 = arith.andi %ne3A_995, %ne3A_990 : i1
      %add3A_997 = arith.addi %rem3A_988, %select_n3A_987 : i32
      %select_n3A_998 = arith.select %and3A_996, %add3A_997, %rem3A_988 : i32
      %mul3A_999 = arith.constant 16 : i32
      %mul3A_1000 = arith.muli %select_n3A_998, %mul3A_999 : i32
      %get3A_1001 = arith.index_cast %select_n3A_982 : i32 to index
      %get3A_1002 = arith.index_cast %mul3A_1000 : i32 to index
      %get3A_1003 = tpu.vector_load %arg14[%get3A_1001, %get3A_1002] {strides = array<i32>} : memref<16x512xf32, #tpu.memory_space<vmem>>, vector<1x16xf32>,
      %get3A_1004 = vector.shape_cast %get3A_1003 : vector<1x16xf32> to vector<16xf32>
      %mul3A_1005 = arith.mulf %get3A_958, %get3A_1004 : vector<16xf32>
      %add3A_1006 = arith.addf %add3A_910, %mul3A_1005 : vector<16xf32>
      %scan3A_1007 = arith.constant 5 : i32
      %scan3A_1008 = arith.addi %scan3A_538, %scan3A_1007 : i32
      %jit3A_1009 = arith.constant 32 : i32
      %div3A_1010 = arith.divsi %scan3A_1008, %jit3A_1009 : i32
      %sign3A_1011 = arith.constant 0 : i32
      %sign3A_1012 = arith.cmpi sgt, %scan3A_1008, %sign3A_1011 : i32
      %sign3A_1013 = arith.extui %sign3A_1012 : i1 to i32
      %sign3A_1014 = arith.constant 0 : i32
      %sign3A_1015 = arith.cmpi slt, %scan3A_1008, %sign3A_1014 : i32
      %sign3A_1016 = arith.extui %sign3A_1015 : i1 to i32
      %sign3A_1017 = arith.subi %sign3A_1013, %sign3A_1016 : i32
      %sign3A_1018 = arith.constant 0 : i32
      %sign3A_1019 = arith.cmpi sgt, %jit3A_1009, %sign3A_1018 : i32
      %sign3A_1020 = arith.extui %sign3A_1019 : i1 to i32
      %sign3A_1021 = arith.constant 0 : i32
      %sign3A_1022 = arith.cmpi slt, %jit3A_1009, %sign3A_1021 : i32
      %sign3A_1023 = arith.extui %sign3A_1022 : i1 to i32
      %sign3A_1024 = arith.subi %sign3A_1020, %sign3A_1023 : i32
      %ne3A_1025 = arith.cmpi ne, %sign3A_1017, %sign3A_1024 : i32
      %rem3A_1026 = arith.remsi %scan3A_1008, %jit3A_1009 : i32
      %ne3A_1027 = arith.constant 0 : i32
      %ne3A_1028 = arith.cmpi ne, %rem3A_1026, %ne3A_1027 : i32
      %and3A_1029 = arith.andi %ne3A_1025, %ne3A_1028 : i1
      %sub3A_1030 = arith.constant 1 : i32
      %sub3A_1031 = arith.subi %div3A_1010, %sub3A_1030 : i32
      %select_n3A_1032 = arith.select %and3A_1029, %sub3A_1031, %div3A_1010 : i32
      %jit3A_1033 = arith.constant 32 : i32
      %eq3A_1034 = arith.constant 0 : i32
      %eq3A_1035 = arith.cmpi eq, %jit3A_1033, %eq3A_1034 : i32
      %jit3A_1036 = arith.constant 1 : i32
      %select_n3A_1037 = arith.select %eq3A_1035, %jit3A_1036, %jit3A_1033 : i32
      %rem3A_1038 = arith.remsi %scan3A_1008, %select_n3A_1037 : i32
      %ne3A_1039 = arith.constant 0 : i32
      %ne3A_1040 = arith.cmpi ne, %rem3A_1038, %ne3A_1039 : i32
      %lt3A_1041 = arith.constant 0 : i32
      %lt3A_1042 = arith.cmpi slt, %rem3A_1038, %lt3A_1041 : i32
      %lt3A_1043 = arith.constant 0 : i32
      %lt3A_1044 = arith.cmpi slt, %select_n3A_1037, %lt3A_1043 : i32
      %ne3A_1045 = arith.xori %lt3A_1042, %lt3A_1044 : i1
      %and3A_1046 = arith.andi %ne3A_1045, %ne3A_1040 : i1
      %add3A_1047 = arith.addi %rem3A_1038, %select_n3A_1037 : i32
      %select_n3A_1048 = arith.select %and3A_1046, %add3A_1047, %rem3A_1038 : i32
      %mul3A_1049 = arith.constant 16 : i32
      %mul3A_1050 = arith.muli %select_n3A_1048, %mul3A_1049 : i32
      %get3A_1051 = arith.index_cast %select_n3A_1032 : i32 to index
      %get3A_1052 = arith.index_cast %mul3A_1050 : i32 to index
      %get3A_1053 = tpu.vector_load %arg13[%get3A_1051, %get3A_1052] {strides = array<i32>} : memref<16x512xf32, #tpu.memory_space<vmem>>, vector<1x16xf32>,
      %get3A_1054 = vector.shape_cast %get3A_1053 : vector<1x16xf32> to vector<16xf32>
      %jit3A_1055 = arith.constant 32 : i32
      %div3A_1056 = arith.divsi %scan3A_1008, %jit3A_1055 : i32
      %sign3A_1057 = arith.constant 0 : i32
      %sign3A_1058 = arith.cmpi sgt, %scan3A_1008, %sign3A_1057 : i32
      %sign3A_1059 = arith.extui %sign3A_1058 : i1 to i32
      %sign3A_1060 = arith.constant 0 : i32
      %sign3A_1061 = arith.cmpi slt, %scan3A_1008, %sign3A_1060 : i32
      %sign3A_1062 = arith.extui %sign3A_1061 : i1 to i32
      %sign3A_1063 = arith.subi %sign3A_1059, %sign3A_1062 : i32
      %sign3A_1064 = arith.constant 0 : i32
      %sign3A_1065 = arith.cmpi sgt, %jit3A_1055, %sign3A_1064 : i32
      %sign3A_1066 = arith.extui %sign3A_1065 : i1 to i32
      %sign3A_1067 = arith.constant 0 : i32
      %sign3A_1068 = arith.cmpi slt, %jit3A_1055, %sign3A_1067 : i32
      %sign3A_1069 = arith.extui %sign3A_1068 : i1 to i32
      %sign3A_1070 = arith.subi %sign3A_1066, %sign3A_1069 : i32
      %ne3A_1071 = arith.cmpi ne, %sign3A_1063, %sign3A_1070 : i32
      %rem3A_1072 = arith.remsi %scan3A_1008, %jit3A_1055 : i32
      %ne3A_1073 = arith.constant 0 : i32
      %ne3A_1074 = arith.cmpi ne, %rem3A_1072, %ne3A_1073 : i32
      %and3A_1075 = arith.andi %ne3A_1071, %ne3A_1074 : i1
      %sub3A_1076 = arith.constant 1 : i32
      %sub3A_1077 = arith.subi %div3A_1056, %sub3A_1076 : i32
      %select_n3A_1078 = arith.select %and3A_1075, %sub3A_1077, %div3A_1056 : i32
      %jit3A_1079 = arith.constant 32 : i32
      %eq3A_1080 = arith.constant 0 : i32
      %eq3A_1081 = arith.cmpi eq, %jit3A_1079, %eq3A_1080 : i32
      %jit3A_1082 = arith.constant 1 : i32
      %select_n3A_1083 = arith.select %eq3A_1081, %jit3A_1082, %jit3A_1079 : i32
      %rem3A_1084 = arith.remsi %scan3A_1008, %select_n3A_1083 : i32
      %ne3A_1085 = arith.constant 0 : i32
      %ne3A_1086 = arith.cmpi ne, %rem3A_1084, %ne3A_1085 : i32
      %lt3A_1087 = arith.constant 0 : i32
      %lt3A_1088 = arith.cmpi slt, %rem3A_1084, %lt3A_1087 : i32
      %lt3A_1089 = arith.constant 0 : i32
      %lt3A_1090 = arith.cmpi slt, %select_n3A_1083, %lt3A_1089 : i32
      %ne3A_1091 = arith.xori %lt3A_1088, %lt3A_1090 : i1
      %and3A_1092 = arith.andi %ne3A_1091, %ne3A_1086 : i1
      %add3A_1093 = arith.addi %rem3A_1084, %select_n3A_1083 : i32
      %select_n3A_1094 = arith.select %and3A_1092, %add3A_1093, %rem3A_1084 : i32
      %mul3A_1095 = arith.constant 16 : i32
      %mul3A_1096 = arith.muli %select_n3A_1094, %mul3A_1095 : i32
      %get3A_1097 = arith.index_cast %select_n3A_1078 : i32 to index
      %get3A_1098 = arith.index_cast %mul3A_1096 : i32 to index
      %get3A_1099 = tpu.vector_load %arg14[%get3A_1097, %get3A_1098] {strides = array<i32>} : memref<16x512xf32, #tpu.memory_space<vmem>>, vector<1x16xf32>,
      %get3A_1100 = vector.shape_cast %get3A_1099 : vector<1x16xf32> to vector<16xf32>
      %mul3A_1101 = arith.mulf %get3A_1054, %get3A_1100 : vector<16xf32>
      %add3A_1102 = arith.addf %add3A_1006, %mul3A_1101 : vector<16xf32>
      %scan3A_1103 = arith.constant 6 : i32
      %scan3A_1104 = arith.addi %scan3A_538, %scan3A_1103 : i32
      %jit3A_1105 = arith.constant 32 : i32
      %div3A_1106 = arith.divsi %scan3A_1104, %jit3A_1105 : i32
      %sign3A_1107 = arith.constant 0 : i32
      %sign3A_1108 = arith.cmpi sgt, %scan3A_1104, %sign3A_1107 : i32
      %sign3A_1109 = arith.extui %sign3A_1108 : i1 to i32
      %sign3A_1110 = arith.constant 0 : i32
      %sign3A_1111 = arith.cmpi slt, %scan3A_1104, %sign3A_1110 : i32
      %sign3A_1112 = arith.extui %sign3A_1111 : i1 to i32
      %sign3A_1113 = arith.subi %sign3A_1109, %sign3A_1112 : i32
      %sign3A_1114 = arith.constant 0 : i32
      %sign3A_1115 = arith.cmpi sgt, %jit3A_1105, %sign3A_1114 : i32
      %sign3A_1116 = arith.extui %sign3A_1115 : i1 to i32
      %sign3A_1117 = arith.constant 0 : i32
      %sign3A_1118 = arith.cmpi slt, %jit3A_1105, %sign3A_1117 : i32
      %sign3A_1119 = arith.extui %sign3A_1118 : i1 to i32
      %sign3A_1120 = arith.subi %sign3A_1116, %sign3A_1119 : i32
      %ne3A_1121 = arith.cmpi ne, %sign3A_1113, %sign3A_1120 : i32
      %rem3A_1122 = arith.remsi %scan3A_1104, %jit3A_1105 : i32
      %ne3A_1123 = arith.constant 0 : i32
      %ne3A_1124 = arith.cmpi ne, %rem3A_1122, %ne3A_1123 : i32
      %and3A_1125 = arith.andi %ne3A_1121, %ne3A_1124 : i1
      %sub3A_1126 = arith.constant 1 : i32
      %sub3A_1127 = arith.subi %div3A_1106, %sub3A_1126 : i32
      %select_n3A_1128 = arith.select %and3A_1125, %sub3A_1127, %div3A_1106 : i32
      %jit3A_1129 = arith.constant 32 : i32
      %eq3A_1130 = arith.constant 0 : i32
      %eq3A_1131 = arith.cmpi eq, %jit3A_1129, %eq3A_1130 : i32
      %jit3A_1132 = arith.constant 1 : i32
      %select_n3A_1133 = arith.select %eq3A_1131, %jit3A_1132, %jit3A_1129 : i32
      %rem3A_1134 = arith.remsi %scan3A_1104, %select_n3A_1133 : i32
      %ne3A_1135 = arith.constant 0 : i32
      %ne3A_1136 = arith.cmpi ne, %rem3A_1134, %ne3A_1135 : i32
      %lt3A_1137 = arith.constant 0 : i32
      %lt3A_1138 = arith.cmpi slt, %rem3A_1134, %lt3A_1137 : i32
      %lt3A_1139 = arith.constant 0 : i32
      %lt3A_1140 = arith.cmpi slt, %select_n3A_1133, %lt3A_1139 : i32
      %ne3A_1141 = arith.xori %lt3A_1138, %lt3A_1140 : i1
      %and3A_1142 = arith.andi %ne3A_1141, %ne3A_1136 : i1
      %add3A_1143 = arith.addi %rem3A_1134, %select_n3A_1133 : i32
      %select_n3A_1144 = arith.select %and3A_1142, %add3A_1143, %rem3A_1134 : i32
      %mul3A_1145 = arith.constant 16 : i32
      %mul3A_1146 = arith.muli %select_n3A_1144, %mul3A_1145 : i32
      %get3A_1147 = arith.index_cast %select_n3A_1128 : i32 to index
      %get3A_1148 = arith.index_cast %mul3A_1146 : i32 to index
      %get3A_1149 = tpu.vector_load %arg13[%get3A_1147, %get3A_1148] {strides = array<i32>} : memref<16x512xf32, #tpu.memory_space<vmem>>, vector<1x16xf32>,
      %get3A_1150 = vector.shape_cast %get3A_1149 : vector<1x16xf32> to vector<16xf32>
      %jit3A_1151 = arith.constant 32 : i32
      %div3A_1152 = arith.divsi %scan3A_1104, %jit3A_1151 : i32
      %sign3A_1153 = arith.constant 0 : i32
      %sign3A_1154 = arith.cmpi sgt, %scan3A_1104, %sign3A_1153 : i32
      %sign3A_1155 = arith.extui %sign3A_1154 : i1 to i32
      %sign3A_1156 = arith.constant 0 : i32
      %sign3A_1157 = arith.cmpi slt, %scan3A_1104, %sign3A_1156 : i32
      %sign3A_1158 = arith.extui %sign3A_1157 : i1 to i32
      %sign3A_1159 = arith.subi %sign3A_1155, %sign3A_1158 : i32
      %sign3A_1160 = arith.constant 0 : i32
      %sign3A_1161 = arith.cmpi sgt, %jit3A_1151, %sign3A_1160 : i32
      %sign3A_1162 = arith.extui %sign3A_1161 : i1 to i32
      %sign3A_1163 = arith.constant 0 : i32
      %sign3A_1164 = arith.cmpi slt, %jit3A_1151, %sign3A_1163 : i32
      %sign3A_1165 = arith.extui %sign3A_1164 : i1 to i32
      %sign3A_1166 = arith.subi %sign3A_1162, %sign3A_1165 : i32
      %ne3A_1167 = arith.cmpi ne, %sign3A_1159, %sign3A_1166 : i32
      %rem3A_1168 = arith.remsi %scan3A_1104, %jit3A_1151 : i32
      %ne3A_1169 = arith.constant 0 : i32
      %ne3A_1170 = arith.cmpi ne, %rem3A_1168, %ne3A_1169 : i32
      %and3A_1171 = arith.andi %ne3A_1167, %ne3A_1170 : i1
      %sub3A_1172 = arith.constant 1 : i32
      %sub3A_1173 = arith.subi %div3A_1152, %sub3A_1172 : i32
      %select_n3A_1174 = arith.select %and3A_1171, %sub3A_1173, %div3A_1152 : i32
      %jit3A_1175 = arith.constant 32 : i32
      %eq3A_1176 = arith.constant 0 : i32
      %eq3A_1177 = arith.cmpi eq, %jit3A_1175, %eq3A_1176 : i32
      %jit3A_1178 = arith.constant 1 : i32
      %select_n3A_1179 = arith.select %eq3A_1177, %jit3A_1178, %jit3A_1175 : i32
      %rem3A_1180 = arith.remsi %scan3A_1104, %select_n3A_1179 : i32
      %ne3A_1181 = arith.constant 0 : i32
      %ne3A_1182 = arith.cmpi ne, %rem3A_1180, %ne3A_1181 : i32
      %lt3A_1183 = arith.constant 0 : i32
      %lt3A_1184 = arith.cmpi slt, %rem3A_1180, %lt3A_1183 : i32
      %lt3A_1185 = arith.constant 0 : i32
      %lt3A_1186 = arith.cmpi slt, %select_n3A_1179, %lt3A_1185 : i32
      %ne3A_1187 = arith.xori %lt3A_1184, %lt3A_1186 : i1
      %and3A_1188 = arith.andi %ne3A_1187, %ne3A_1182 : i1
      %add3A_1189 = arith.addi %rem3A_1180, %select_n3A_1179 : i32
      %select_n3A_1190 = arith.select %and3A_1188, %add3A_1189, %rem3A_1180 : i32
      %mul3A_1191 = arith.constant 16 : i32
      %mul3A_1192 = arith.muli %select_n3A_1190, %mul3A_1191 : i32
      %get3A_1193 = arith.index_cast %select_n3A_1174 : i32 to index
      %get3A_1194 = arith.index_cast %mul3A_1192 : i32 to index
      %get3A_1195 = tpu.vector_load %arg14[%get3A_1193, %get3A_1194] {strides = array<i32>} : memref<16x512xf32, #tpu.memory_space<vmem>>, vector<1x16xf32>,
      %get3A_1196 = vector.shape_cast %get3A_1195 : vector<1x16xf32> to vector<16xf32>
      %mul3A_1197 = arith.mulf %get3A_1150, %get3A_1196 : vector<16xf32>
      %add3A_1198 = arith.addf %add3A_1102, %mul3A_1197 : vector<16xf32>
      %scan3A_1199 = arith.constant 7 : i32
      %scan3A_1200 = arith.addi %scan3A_538, %scan3A_1199 : i32
      %jit3A_1201 = arith.constant 32 : i32
      %div3A_1202 = arith.divsi %scan3A_1200, %jit3A_1201 : i32
      %sign3A_1203 = arith.constant 0 : i32
      %sign3A_1204 = arith.cmpi sgt, %scan3A_1200, %sign3A_1203 : i32
      %sign3A_1205 = arith.extui %sign3A_1204 : i1 to i32
      %sign3A_1206 = arith.constant 0 : i32
      %sign3A_1207 = arith.cmpi slt, %scan3A_1200, %sign3A_1206 : i32
      %sign3A_1208 = arith.extui %sign3A_1207 : i1 to i32
      %sign3A_1209 = arith.subi %sign3A_1205, %sign3A_1208 : i32
      %sign3A_1210 = arith.constant 0 : i32
      %sign3A_1211 = arith.cmpi sgt, %jit3A_1201, %sign3A_1210 : i32
      %sign3A_1212 = arith.extui %sign3A_1211 : i1 to i32
      %sign3A_1213 = arith.constant 0 : i32
      %sign3A_1214 = arith.cmpi slt, %jit3A_1201, %sign3A_1213 : i32
      %sign3A_1215 = arith.extui %sign3A_1214 : i1 to i32
      %sign3A_1216 = arith.subi %sign3A_1212, %sign3A_1215 : i32
      %ne3A_1217 = arith.cmpi ne, %sign3A_1209, %sign3A_1216 : i32
      %rem3A_1218 = arith.remsi %scan3A_1200, %jit3A_1201 : i32
      %ne3A_1219 = arith.constant 0 : i32
      %ne3A_1220 = arith.cmpi ne, %rem3A_1218, %ne3A_1219 : i32
      %and3A_1221 = arith.andi %ne3A_1217, %ne3A_1220 : i1
      %sub3A_1222 = arith.constant 1 : i32
      %sub3A_1223 = arith.subi %div3A_1202, %sub3A_1222 : i32
      %select_n3A_1224 = arith.select %and3A_1221, %sub3A_1223, %div3A_1202 : i32
      %jit3A_1225 = arith.constant 32 : i32
      %eq3A_1226 = arith.constant 0 : i32
      %eq3A_1227 = arith.cmpi eq, %jit3A_1225, %eq3A_1226 : i32
      %jit3A_1228 = arith.constant 1 : i32
      %select_n3A_1229 = arith.select %eq3A_1227, %jit3A_1228, %jit3A_1225 : i32
      %rem3A_1230 = arith.remsi %scan3A_1200, %select_n3A_1229 : i32
      %ne3A_1231 = arith.constant 0 : i32
      %ne3A_1232 = arith.cmpi ne, %rem3A_1230, %ne3A_1231 : i32
      %lt3A_1233 = arith.constant 0 : i32
      %lt3A_1234 = arith.cmpi slt, %rem3A_1230, %lt3A_1233 : i32
      %lt3A_1235 = arith.constant 0 : i32
      %lt3A_1236 = arith.cmpi slt, %select_n3A_1229, %lt3A_1235 : i32
      %ne3A_1237 = arith.xori %lt3A_1234, %lt3A_1236 : i1
      %and3A_1238 = arith.andi %ne3A_1237, %ne3A_1232 : i1
      %add3A_1239 = arith.addi %rem3A_1230, %select_n3A_1229 : i32
      %select_n3A_1240 = arith.select %and3A_1238, %add3A_1239, %rem3A_1230 : i32
      %mul3A_1241 = arith.constant 16 : i32
      %mul3A_1242 = arith.muli %select_n3A_1240, %mul3A_1241 : i32
      %get3A_1243 = arith.index_cast %select_n3A_1224 : i32 to index
      %get3A_1244 = arith.index_cast %mul3A_1242 : i32 to index
      %get3A_1245 = tpu.vector_load %arg13[%get3A_1243, %get3A_1244] {strides = array<i32>} : memref<16x512xf32, #tpu.memory_space<vmem>>, vector<1x16xf32>,
      %get3A_1246 = vector.shape_cast %get3A_1245 : vector<1x16xf32> to vector<16xf32>
      %jit3A_1247 = arith.constant 32 : i32
      %div3A_1248 = arith.divsi %scan3A_1200, %jit3A_1247 : i32
      %sign3A_1249 = arith.constant 0 : i32
      %sign3A_1250 = arith.cmpi sgt, %scan3A_1200, %sign3A_1249 : i32
      %sign3A_1251 = arith.extui %sign3A_1250 : i1 to i32
      %sign3A_1252 = arith.constant 0 : i32
      %sign3A_1253 = arith.cmpi slt, %scan3A_1200, %sign3A_1252 : i32
      %sign3A_1254 = arith.extui %sign3A_1253 : i1 to i32
      %sign3A_1255 = arith.subi %sign3A_1251, %sign3A_1254 : i32
      %sign3A_1256 = arith.constant 0 : i32
      %sign3A_1257 = arith.cmpi sgt, %jit3A_1247, %sign3A_1256 : i32
      %sign3A_1258 = arith.extui %sign3A_1257 : i1 to i32
      %sign3A_1259 = arith.constant 0 : i32
      %sign3A_1260 = arith.cmpi slt, %jit3A_1247, %sign3A_1259 : i32
      %sign3A_1261 = arith.extui %sign3A_1260 : i1 to i32
      %sign3A_1262 = arith.subi %sign3A_1258, %sign3A_1261 : i32
      %ne3A_1263 = arith.cmpi ne, %sign3A_1255, %sign3A_1262 : i32
      %rem3A_1264 = arith.remsi %scan3A_1200, %jit3A_1247 : i32
      %ne3A_1265 = arith.constant 0 : i32
      %ne3A_1266 = arith.cmpi ne, %rem3A_1264, %ne3A_1265 : i32
      %and3A_1267 = arith.andi %ne3A_1263, %ne3A_1266 : i1
      %sub3A_1268 = arith.constant 1 : i32
      %sub3A_1269 = arith.subi %div3A_1248, %sub3A_1268 : i32
      %select_n3A_1270 = arith.select %and3A_1267, %sub3A_1269, %div3A_1248 : i32
      %jit3A_1271 = arith.constant 32 : i32
      %eq3A_1272 = arith.constant 0 : i32
      %eq3A_1273 = arith.cmpi eq, %jit3A_1271, %eq3A_1272 : i32
      %jit3A_1274 = arith.constant 1 : i32
      %select_n3A_1275 = arith.select %eq3A_1273, %jit3A_1274, %jit3A_1271 : i32
      %rem3A_1276 = arith.remsi %scan3A_1200, %select_n3A_1275 : i32
      %ne3A_1277 = arith.constant 0 : i32
      %ne3A_1278 = arith.cmpi ne, %rem3A_1276, %ne3A_1277 : i32
      %lt3A_1279 = arith.constant 0 : i32
      %lt3A_1280 = arith.cmpi slt, %rem3A_1276, %lt3A_1279 : i32
      %lt3A_1281 = arith.constant 0 : i32
      %lt3A_1282 = arith.cmpi slt, %select_n3A_1275, %lt3A_1281 : i32
      %ne3A_1283 = arith.xori %lt3A_1280, %lt3A_1282 : i1
      %and3A_1284 = arith.andi %ne3A_1283, %ne3A_1278 : i1
      %add3A_1285 = arith.addi %rem3A_1276, %select_n3A_1275 : i32
      %select_n3A_1286 = arith.select %and3A_1284, %add3A_1285, %rem3A_1276 : i32
      %mul3A_1287 = arith.constant 16 : i32
      %mul3A_1288 = arith.muli %select_n3A_1286, %mul3A_1287 : i32
      %get3A_1289 = arith.index_cast %select_n3A_1270 : i32 to index
      %get3A_1290 = arith.index_cast %mul3A_1288 : i32 to index
      %get3A_1291 = tpu.vector_load %arg14[%get3A_1289, %get3A_1290] {strides = array<i32>} : memref<16x512xf32, #tpu.memory_space<vmem>>, vector<1x16xf32>,
      %get3A_1292 = vector.shape_cast %get3A_1291 : vector<1x16xf32> to vector<16xf32>
      %mul3A_1293 = arith.mulf %get3A_1246, %get3A_1292 : vector<16xf32>
      %add3A_1294 = arith.addf %add3A_1198, %mul3A_1293 : vector<16xf32>
      scf.yield %add3A_1294 : vector<16xf32>
    }
    %scan3A_534 = arith.constant 512 : i32
    %swap3A = arith.constant 0 : index
    %swap3A_535 = tpu.vector_load %arg17[%swap3A] {strides = array<i32>} : memref<16xf32, #tpu.memory_space<vmem>>, vector<16xf32>,
    %swap3A_536 = vector.shape_cast %swap3A_535 : vector<16xf32> to vector<16xf32>
    %swap3A_537 = vector.shape_cast %scan3A_533 : vector<16xf32> to vector<16xf32>
    tpu.vector_store %arg17[%swap3A], %swap3A_537 {strides = array<i32>} : memref<16xf32, #tpu.memory_space<vmem>>, vector<16xf32>,
    "tpu.region"() ({
      %run_scoped3A = tpu.sem_alloc : memref<!tpu.dma_semaphore, #tpu.memory_space<semaphore_mem>>
      %dma_start3A_538 = arith.constant 0 : i32
      %dma_start3A_539 = tpu.memref_slice %arg8[%add3A, %dma_start3A_538] : memref<32x16xf32, #tpu.memory_space<hbm>> -> memref<1x16xf32, #tpu.memory_space<hbm>>
      %dma_start3A_540 = tpu.memref_squeeze %dma_start3A_539 : memref<1x16xf32, #tpu.memory_space<hbm>> -> memref<16xf32, #tpu.memory_space<hbm>>
      %dma_start3A_541 = arith.constant 0 : i32
      %dma_start3A_542 = tpu.memref_slice %arg8[%add3A, %dma_start3A_541] : memref<32x16xf32, #tpu.memory_space<hbm>> -> memref<1x16xf32, #tpu.memory_space<hbm>>
      %dma_start3A_543 = tpu.memref_squeeze %dma_start3A_542 : memref<1x16xf32, #tpu.memory_space<hbm>> -> memref<16xf32, #tpu.memory_space<hbm>>
      tpu.enqueue_dma source(%arg17 : memref<16xf32, #tpu.memory_space<vmem>>) target(%dma_start3A_543 : memref<16xf32, #tpu.memory_space<hbm>>) target_semaphore(%run_scoped3A : memref<!tpu.dma_semaphore, #tpu.memory_space<semaphore_mem>>)
      %dma_wait3A_544 = arith.constant 0 : i32
      %dma_wait3A_545 = tpu.memref_slice %arg8[%add3A, %dma_wait3A_544] : memref<32x16xf32, #tpu.memory_space<hbm>> -> memref<1x16xf32, #tpu.memory_space<hbm>>
      %dma_wait3A_546 = tpu.memref_squeeze %dma_wait3A_545 : memref<1x16xf32, #tpu.memory_space<hbm>> -> memref<16xf32, #tpu.memory_space<hbm>>
      %dma_wait3A_547 = arith.constant 0 : i32
      %dma_wait3A_548 = tpu.memref_slice %arg8[%add3A, %dma_wait3A_547] : memref<32x16xf32, #tpu.memory_space<hbm>> -> memref<1x16xf32, #tpu.memory_space<hbm>>
      %dma_wait3A_549 = tpu.memref_squeeze %dma_wait3A_548 : memref<1x16xf32, #tpu.memory_space<hbm>> -> memref<16xf32, #tpu.memory_space<hbm>>
      tpu.wait_dma2 semaphore(%run_scoped3A : memref<!tpu.dma_semaphore, #tpu.memory_space<semaphore_mem>>) src(%arg17 : memref<16xf32, #tpu.memory_space<vmem>>) dst(%dma_wait3A_549 : memref<16xf32, #tpu.memory_space<hbm>>)
      tpu.yield
    }) : () -> ()
    "tpu.region"() ({
      %run_scoped3A = tpu.sem_alloc : memref<!tpu.dma_semaphore, #tpu.memory_space<semaphore_mem>>
      %dma_start3A_538 = tpu.memref_slice %arg9[%mul3A_2] : memref<16384xf32, #tpu.memory_space<hbm>> -> memref<512xf32, #tpu.memory_space<hbm>>
      %dma_start3A_539 = tpu.memref_slice %arg9[%mul3A_2] : memref<16384xf32, #tpu.memory_space<hbm>> -> memref<512xf32, #tpu.memory_space<hbm>>
      tpu.enqueue_dma source(%arg15 : memref<512xf32, #tpu.memory_space<vmem>>) target(%dma_start3A_539 : memref<512xf32, #tpu.memory_space<hbm>>) target_semaphore(%run_scoped3A : memref<!tpu.dma_semaphore, #tpu.memory_space<semaphore_mem>>)
      %dma_wait3A_540 = tpu.memref_slice %arg9[%mul3A_2] : memref<16384xf32, #tpu.memory_space<hbm>> -> memref<512xf32, #tpu.memory_space<hbm>>
      %dma_wait3A_541 = tpu.memref_slice %arg9[%mul3A_2] : memref<16384xf32, #tpu.memory_space<hbm>> -> memref<512xf32, #tpu.memory_space<hbm>>
      tpu.wait_dma2 semaphore(%run_scoped3A : memref<!tpu.dma_semaphore, #tpu.memory_space<semaphore_mem>>) src(%arg15 : memref<512xf32, #tpu.memory_space<vmem>>) dst(%dma_wait3A_541 : memref<512xf32, #tpu.memory_space<hbm>>)
      tpu.yield
    }) : () -> ()
    "tpu.region"() ({
      %run_scoped3A = tpu.sem_alloc : memref<!tpu.dma_semaphore, #tpu.memory_space<semaphore_mem>>
      %dma_start3A_538 = tpu.memref_slice %arg10[%mul3A_2] : memref<16384xf32, #tpu.memory_space<hbm>> -> memref<512xf32, #tpu.memory_space<hbm>>
      %dma_start3A_539 = tpu.memref_slice %arg10[%mul3A_2] : memref<16384xf32, #tpu.memory_space<hbm>> -> memref<512xf32, #tpu.memory_space<hbm>>
      tpu.enqueue_dma source(%arg16 : memref<512xf32, #tpu.memory_space<vmem>>) target(%dma_start3A_539 : memref<512xf32, #tpu.memory_space<hbm>>) target_semaphore(%run_scoped3A : memref<!tpu.dma_semaphore, #tpu.memory_space<semaphore_mem>>)
      %dma_wait3A_540 = tpu.memref_slice %arg10[%mul3A_2] : memref<16384xf32, #tpu.memory_space<hbm>> -> memref<512xf32, #tpu.memory_space<hbm>>
      %dma_wait3A_541 = tpu.memref_slice %arg10[%mul3A_2] : memref<16384xf32, #tpu.memory_space<hbm>> -> memref<512xf32, #tpu.memory_space<hbm>>
      tpu.wait_dma2 semaphore(%run_scoped3A : memref<!tpu.dma_semaphore, #tpu.memory_space<semaphore_mem>>) src(%arg16 : memref<512xf32, #tpu.memory_space<vmem>>) dst(%dma_wait3A_541 : memref<512xf32, #tpu.memory_space<hbm>>)
      tpu.yield
    }) : () -> ()
    return
  }
}

module attributes {stable_mosaic.version = 14 : i64} {
  func.func @_detile_body(%arg0: i32, %arg1: memref<16x65536xf32, #tpu.memory_space<vmem>>, %arg2: memref<16x65536xf32, #tpu.memory_space<vmem>>, %arg3: memref<1x65536xf32, #tpu.memory_space<vmem>>, %arg4: memref<1x65536xf32, #tpu.memory_space<vmem>>, %arg5: memref<16001024xf32, #tpu.memory_space<any>>, %arg6: memref<16001024xf32, #tpu.memory_space<any>>, %arg7: memref<1000064xf32, #tpu.memory_space<any>>, %arg8: memref<1000064xf32, #tpu.memory_space<any>>, %arg9: memref<!tpu.dma_semaphore, #tpu.memory_space<semaphore_mem>>) attributes {dimension_semantics = [#tpu.dimension_semantics<parallel>], iteration_bounds = array<i64: 16>, scalar_prefetch = 0 : i64, scratch_operands = 1 : i64, tpu.core_type = #tpu.core_type<tc>, window_params = [{transform_indices = @transform_0, window_bounds = array<i64: 16, 65536>}, {transform_indices = @transform_1, window_bounds = array<i64: 16, 65536>}, {transform_indices = @transform_2, window_bounds = array<i64: 1, 65536>}, {transform_indices = @transform_3, window_bounds = array<i64: 1, 65536>}, {}, {}, {}, {}]} {
    %lt3A = arith.constant 15 : i32
    %lt3A_0 = arith.cmpi slt, %arg0, %lt3A : i32
    %convert_element_type3A = arith.extui %lt3A_0 : i1 to i32
    %cond3A = arith.constant 0 : i32
    %cond3A_1 = arith.cmpi ne, %convert_element_type3A, %cond3A : i32
    scf.if %cond3A_1 {
      %mul3A = arith.constant 65536 : i32
      %mul3A_6 = arith.muli %arg0, %mul3A : i32
      %add3A = arith.constant 0 : i32
      %add3A_7 = arith.addi %add3A, %mul3A_6 : i32
      %mul3A_8 = arith.constant 65536 : i32
      %mul3A_9 = arith.muli %arg0, %mul3A_8 : i32
      %add3A_10 = arith.constant 1000064 : i32
      %add3A_11 = arith.addi %add3A_10, %mul3A_9 : i32
      %mul3A_12 = arith.constant 65536 : i32
      %mul3A_13 = arith.muli %arg0, %mul3A_12 : i32
      %add3A_14 = arith.constant 2000128 : i32
      %add3A_15 = arith.addi %add3A_14, %mul3A_13 : i32
      %mul3A_16 = arith.constant 65536 : i32
      %mul3A_17 = arith.muli %arg0, %mul3A_16 : i32
      %add3A_18 = arith.constant 3000192 : i32
      %add3A_19 = arith.addi %add3A_18, %mul3A_17 : i32
      %mul3A_20 = arith.constant 65536 : i32
      %mul3A_21 = arith.muli %arg0, %mul3A_20 : i32
      %add3A_22 = arith.constant 4000256 : i32
      %add3A_23 = arith.addi %add3A_22, %mul3A_21 : i32
      %mul3A_24 = arith.constant 65536 : i32
      %mul3A_25 = arith.muli %arg0, %mul3A_24 : i32
      %add3A_26 = arith.constant 5000320 : i32
      %add3A_27 = arith.addi %add3A_26, %mul3A_25 : i32
      %mul3A_28 = arith.constant 65536 : i32
      %mul3A_29 = arith.muli %arg0, %mul3A_28 : i32
      %add3A_30 = arith.constant 6000384 : i32
      %add3A_31 = arith.addi %add3A_30, %mul3A_29 : i32
      %mul3A_32 = arith.constant 65536 : i32
      %mul3A_33 = arith.muli %arg0, %mul3A_32 : i32
      %add3A_34 = arith.constant 7000448 : i32
      %add3A_35 = arith.addi %add3A_34, %mul3A_33 : i32
      %mul3A_36 = arith.constant 65536 : i32
      %mul3A_37 = arith.muli %arg0, %mul3A_36 : i32
      %add3A_38 = arith.constant 8000512 : i32
      %add3A_39 = arith.addi %add3A_38, %mul3A_37 : i32
      %mul3A_40 = arith.constant 65536 : i32
      %mul3A_41 = arith.muli %arg0, %mul3A_40 : i32
      %add3A_42 = arith.constant 9000576 : i32
      %add3A_43 = arith.addi %add3A_42, %mul3A_41 : i32
      %mul3A_44 = arith.constant 65536 : i32
      %mul3A_45 = arith.muli %arg0, %mul3A_44 : i32
      %add3A_46 = arith.constant 10000640 : i32
      %add3A_47 = arith.addi %add3A_46, %mul3A_45 : i32
      %mul3A_48 = arith.constant 65536 : i32
      %mul3A_49 = arith.muli %arg0, %mul3A_48 : i32
      %add3A_50 = arith.constant 11000704 : i32
      %add3A_51 = arith.addi %add3A_50, %mul3A_49 : i32
      %mul3A_52 = arith.constant 65536 : i32
      %mul3A_53 = arith.muli %arg0, %mul3A_52 : i32
      %add3A_54 = arith.constant 12000768 : i32
      %add3A_55 = arith.addi %add3A_54, %mul3A_53 : i32
      %mul3A_56 = arith.constant 65536 : i32
      %mul3A_57 = arith.muli %arg0, %mul3A_56 : i32
      %add3A_58 = arith.constant 13000832 : i32
      %add3A_59 = arith.addi %add3A_58, %mul3A_57 : i32
      %mul3A_60 = arith.constant 65536 : i32
      %mul3A_61 = arith.muli %arg0, %mul3A_60 : i32
      %add3A_62 = arith.constant 14000896 : i32
      %add3A_63 = arith.addi %add3A_62, %mul3A_61 : i32
      %mul3A_64 = arith.constant 65536 : i32
      %mul3A_65 = arith.muli %arg0, %mul3A_64 : i32
      %add3A_66 = arith.constant 15000960 : i32
      %add3A_67 = arith.addi %add3A_66, %mul3A_65 : i32
      %dma_start3A = arith.constant 0 : i32
      %dma_start3A_68 = tpu.memref_slice %arg5[%add3A_7] : memref<16001024xf32, #tpu.memory_space<any>> -> memref<65536xf32, #tpu.memory_space<any>>
      %dma_start3A_69 = arith.constant 0 : i32
      %dma_start3A_70 = tpu.memref_slice %arg1[%dma_start3A, %dma_start3A_69] : memref<16x65536xf32, #tpu.memory_space<vmem>> -> memref<1x65536xf32, #tpu.memory_space<vmem>>
      %dma_start3A_71 = tpu.memref_squeeze %dma_start3A_70 : memref<1x65536xf32, #tpu.memory_space<vmem>> -> memref<65536xf32, #tpu.memory_space<vmem>>
      tpu.enqueue_dma source(%dma_start3A_71 : memref<65536xf32, #tpu.memory_space<vmem>>) target(%dma_start3A_68 : memref<65536xf32, #tpu.memory_space<any>>) target_semaphore(%arg9 : memref<!tpu.dma_semaphore, #tpu.memory_space<semaphore_mem>>)
      %dma_start3A_72 = arith.constant 1 : i32
      %dma_start3A_73 = tpu.memref_slice %arg5[%add3A_11] : memref<16001024xf32, #tpu.memory_space<any>> -> memref<65536xf32, #tpu.memory_space<any>>
      %dma_start3A_74 = arith.constant 0 : i32
      %dma_start3A_75 = tpu.memref_slice %arg1[%dma_start3A_72, %dma_start3A_74] : memref<16x65536xf32, #tpu.memory_space<vmem>> -> memref<1x65536xf32, #tpu.memory_space<vmem>>
      %dma_start3A_76 = tpu.memref_squeeze %dma_start3A_75 : memref<1x65536xf32, #tpu.memory_space<vmem>> -> memref<65536xf32, #tpu.memory_space<vmem>>
      tpu.enqueue_dma source(%dma_start3A_76 : memref<65536xf32, #tpu.memory_space<vmem>>) target(%dma_start3A_73 : memref<65536xf32, #tpu.memory_space<any>>) target_semaphore(%arg9 : memref<!tpu.dma_semaphore, #tpu.memory_space<semaphore_mem>>)
      %dma_start3A_77 = arith.constant 2 : i32
      %dma_start3A_78 = tpu.memref_slice %arg5[%add3A_15] : memref<16001024xf32, #tpu.memory_space<any>> -> memref<65536xf32, #tpu.memory_space<any>>
      %dma_start3A_79 = arith.constant 0 : i32
      %dma_start3A_80 = tpu.memref_slice %arg1[%dma_start3A_77, %dma_start3A_79] : memref<16x65536xf32, #tpu.memory_space<vmem>> -> memref<1x65536xf32, #tpu.memory_space<vmem>>
      %dma_start3A_81 = tpu.memref_squeeze %dma_start3A_80 : memref<1x65536xf32, #tpu.memory_space<vmem>> -> memref<65536xf32, #tpu.memory_space<vmem>>
      tpu.enqueue_dma source(%dma_start3A_81 : memref<65536xf32, #tpu.memory_space<vmem>>) target(%dma_start3A_78 : memref<65536xf32, #tpu.memory_space<any>>) target_semaphore(%arg9 : memref<!tpu.dma_semaphore, #tpu.memory_space<semaphore_mem>>)
      %dma_start3A_82 = arith.constant 3 : i32
      %dma_start3A_83 = tpu.memref_slice %arg5[%add3A_19] : memref<16001024xf32, #tpu.memory_space<any>> -> memref<65536xf32, #tpu.memory_space<any>>
      %dma_start3A_84 = arith.constant 0 : i32
      %dma_start3A_85 = tpu.memref_slice %arg1[%dma_start3A_82, %dma_start3A_84] : memref<16x65536xf32, #tpu.memory_space<vmem>> -> memref<1x65536xf32, #tpu.memory_space<vmem>>
      %dma_start3A_86 = tpu.memref_squeeze %dma_start3A_85 : memref<1x65536xf32, #tpu.memory_space<vmem>> -> memref<65536xf32, #tpu.memory_space<vmem>>
      tpu.enqueue_dma source(%dma_start3A_86 : memref<65536xf32, #tpu.memory_space<vmem>>) target(%dma_start3A_83 : memref<65536xf32, #tpu.memory_space<any>>) target_semaphore(%arg9 : memref<!tpu.dma_semaphore, #tpu.memory_space<semaphore_mem>>)
      %dma_start3A_87 = arith.constant 4 : i32
      %dma_start3A_88 = tpu.memref_slice %arg5[%add3A_23] : memref<16001024xf32, #tpu.memory_space<any>> -> memref<65536xf32, #tpu.memory_space<any>>
      %dma_start3A_89 = arith.constant 0 : i32
      %dma_start3A_90 = tpu.memref_slice %arg1[%dma_start3A_87, %dma_start3A_89] : memref<16x65536xf32, #tpu.memory_space<vmem>> -> memref<1x65536xf32, #tpu.memory_space<vmem>>
      %dma_start3A_91 = tpu.memref_squeeze %dma_start3A_90 : memref<1x65536xf32, #tpu.memory_space<vmem>> -> memref<65536xf32, #tpu.memory_space<vmem>>
      tpu.enqueue_dma source(%dma_start3A_91 : memref<65536xf32, #tpu.memory_space<vmem>>) target(%dma_start3A_88 : memref<65536xf32, #tpu.memory_space<any>>) target_semaphore(%arg9 : memref<!tpu.dma_semaphore, #tpu.memory_space<semaphore_mem>>)
      %dma_start3A_92 = arith.constant 5 : i32
      %dma_start3A_93 = tpu.memref_slice %arg5[%add3A_27] : memref<16001024xf32, #tpu.memory_space<any>> -> memref<65536xf32, #tpu.memory_space<any>>
      %dma_start3A_94 = arith.constant 0 : i32
      %dma_start3A_95 = tpu.memref_slice %arg1[%dma_start3A_92, %dma_start3A_94] : memref<16x65536xf32, #tpu.memory_space<vmem>> -> memref<1x65536xf32, #tpu.memory_space<vmem>>
      %dma_start3A_96 = tpu.memref_squeeze %dma_start3A_95 : memref<1x65536xf32, #tpu.memory_space<vmem>> -> memref<65536xf32, #tpu.memory_space<vmem>>
      tpu.enqueue_dma source(%dma_start3A_96 : memref<65536xf32, #tpu.memory_space<vmem>>) target(%dma_start3A_93 : memref<65536xf32, #tpu.memory_space<any>>) target_semaphore(%arg9 : memref<!tpu.dma_semaphore, #tpu.memory_space<semaphore_mem>>)
      %dma_start3A_97 = arith.constant 6 : i32
      %dma_start3A_98 = tpu.memref_slice %arg5[%add3A_31] : memref<16001024xf32, #tpu.memory_space<any>> -> memref<65536xf32, #tpu.memory_space<any>>
      %dma_start3A_99 = arith.constant 0 : i32
      %dma_start3A_100 = tpu.memref_slice %arg1[%dma_start3A_97, %dma_start3A_99] : memref<16x65536xf32, #tpu.memory_space<vmem>> -> memref<1x65536xf32, #tpu.memory_space<vmem>>
      %dma_start3A_101 = tpu.memref_squeeze %dma_start3A_100 : memref<1x65536xf32, #tpu.memory_space<vmem>> -> memref<65536xf32, #tpu.memory_space<vmem>>
      tpu.enqueue_dma source(%dma_start3A_101 : memref<65536xf32, #tpu.memory_space<vmem>>) target(%dma_start3A_98 : memref<65536xf32, #tpu.memory_space<any>>) target_semaphore(%arg9 : memref<!tpu.dma_semaphore, #tpu.memory_space<semaphore_mem>>)
      %dma_start3A_102 = arith.constant 7 : i32
      %dma_start3A_103 = tpu.memref_slice %arg5[%add3A_35] : memref<16001024xf32, #tpu.memory_space<any>> -> memref<65536xf32, #tpu.memory_space<any>>
      %dma_start3A_104 = arith.constant 0 : i32
      %dma_start3A_105 = tpu.memref_slice %arg1[%dma_start3A_102, %dma_start3A_104] : memref<16x65536xf32, #tpu.memory_space<vmem>> -> memref<1x65536xf32, #tpu.memory_space<vmem>>
      %dma_start3A_106 = tpu.memref_squeeze %dma_start3A_105 : memref<1x65536xf32, #tpu.memory_space<vmem>> -> memref<65536xf32, #tpu.memory_space<vmem>>
      tpu.enqueue_dma source(%dma_start3A_106 : memref<65536xf32, #tpu.memory_space<vmem>>) target(%dma_start3A_103 : memref<65536xf32, #tpu.memory_space<any>>) target_semaphore(%arg9 : memref<!tpu.dma_semaphore, #tpu.memory_space<semaphore_mem>>)
      %dma_start3A_107 = arith.constant 8 : i32
      %dma_start3A_108 = tpu.memref_slice %arg5[%add3A_39] : memref<16001024xf32, #tpu.memory_space<any>> -> memref<65536xf32, #tpu.memory_space<any>>
      %dma_start3A_109 = arith.constant 0 : i32
      %dma_start3A_110 = tpu.memref_slice %arg1[%dma_start3A_107, %dma_start3A_109] : memref<16x65536xf32, #tpu.memory_space<vmem>> -> memref<1x65536xf32, #tpu.memory_space<vmem>>
      %dma_start3A_111 = tpu.memref_squeeze %dma_start3A_110 : memref<1x65536xf32, #tpu.memory_space<vmem>> -> memref<65536xf32, #tpu.memory_space<vmem>>
      tpu.enqueue_dma source(%dma_start3A_111 : memref<65536xf32, #tpu.memory_space<vmem>>) target(%dma_start3A_108 : memref<65536xf32, #tpu.memory_space<any>>) target_semaphore(%arg9 : memref<!tpu.dma_semaphore, #tpu.memory_space<semaphore_mem>>)
      %dma_start3A_112 = arith.constant 9 : i32
      %dma_start3A_113 = tpu.memref_slice %arg5[%add3A_43] : memref<16001024xf32, #tpu.memory_space<any>> -> memref<65536xf32, #tpu.memory_space<any>>
      %dma_start3A_114 = arith.constant 0 : i32
      %dma_start3A_115 = tpu.memref_slice %arg1[%dma_start3A_112, %dma_start3A_114] : memref<16x65536xf32, #tpu.memory_space<vmem>> -> memref<1x65536xf32, #tpu.memory_space<vmem>>
      %dma_start3A_116 = tpu.memref_squeeze %dma_start3A_115 : memref<1x65536xf32, #tpu.memory_space<vmem>> -> memref<65536xf32, #tpu.memory_space<vmem>>
      tpu.enqueue_dma source(%dma_start3A_116 : memref<65536xf32, #tpu.memory_space<vmem>>) target(%dma_start3A_113 : memref<65536xf32, #tpu.memory_space<any>>) target_semaphore(%arg9 : memref<!tpu.dma_semaphore, #tpu.memory_space<semaphore_mem>>)
      %dma_start3A_117 = arith.constant 10 : i32
      %dma_start3A_118 = tpu.memref_slice %arg5[%add3A_47] : memref<16001024xf32, #tpu.memory_space<any>> -> memref<65536xf32, #tpu.memory_space<any>>
      %dma_start3A_119 = arith.constant 0 : i32
      %dma_start3A_120 = tpu.memref_slice %arg1[%dma_start3A_117, %dma_start3A_119] : memref<16x65536xf32, #tpu.memory_space<vmem>> -> memref<1x65536xf32, #tpu.memory_space<vmem>>
      %dma_start3A_121 = tpu.memref_squeeze %dma_start3A_120 : memref<1x65536xf32, #tpu.memory_space<vmem>> -> memref<65536xf32, #tpu.memory_space<vmem>>
      tpu.enqueue_dma source(%dma_start3A_121 : memref<65536xf32, #tpu.memory_space<vmem>>) target(%dma_start3A_118 : memref<65536xf32, #tpu.memory_space<any>>) target_semaphore(%arg9 : memref<!tpu.dma_semaphore, #tpu.memory_space<semaphore_mem>>)
      %dma_start3A_122 = arith.constant 11 : i32
      %dma_start3A_123 = tpu.memref_slice %arg5[%add3A_51] : memref<16001024xf32, #tpu.memory_space<any>> -> memref<65536xf32, #tpu.memory_space<any>>
      %dma_start3A_124 = arith.constant 0 : i32
      %dma_start3A_125 = tpu.memref_slice %arg1[%dma_start3A_122, %dma_start3A_124] : memref<16x65536xf32, #tpu.memory_space<vmem>> -> memref<1x65536xf32, #tpu.memory_space<vmem>>
      %dma_start3A_126 = tpu.memref_squeeze %dma_start3A_125 : memref<1x65536xf32, #tpu.memory_space<vmem>> -> memref<65536xf32, #tpu.memory_space<vmem>>
      tpu.enqueue_dma source(%dma_start3A_126 : memref<65536xf32, #tpu.memory_space<vmem>>) target(%dma_start3A_123 : memref<65536xf32, #tpu.memory_space<any>>) target_semaphore(%arg9 : memref<!tpu.dma_semaphore, #tpu.memory_space<semaphore_mem>>)
      %dma_start3A_127 = arith.constant 12 : i32
      %dma_start3A_128 = tpu.memref_slice %arg5[%add3A_55] : memref<16001024xf32, #tpu.memory_space<any>> -> memref<65536xf32, #tpu.memory_space<any>>
      %dma_start3A_129 = arith.constant 0 : i32
      %dma_start3A_130 = tpu.memref_slice %arg1[%dma_start3A_127, %dma_start3A_129] : memref<16x65536xf32, #tpu.memory_space<vmem>> -> memref<1x65536xf32, #tpu.memory_space<vmem>>
      %dma_start3A_131 = tpu.memref_squeeze %dma_start3A_130 : memref<1x65536xf32, #tpu.memory_space<vmem>> -> memref<65536xf32, #tpu.memory_space<vmem>>
      tpu.enqueue_dma source(%dma_start3A_131 : memref<65536xf32, #tpu.memory_space<vmem>>) target(%dma_start3A_128 : memref<65536xf32, #tpu.memory_space<any>>) target_semaphore(%arg9 : memref<!tpu.dma_semaphore, #tpu.memory_space<semaphore_mem>>)
      %dma_start3A_132 = arith.constant 13 : i32
      %dma_start3A_133 = tpu.memref_slice %arg5[%add3A_59] : memref<16001024xf32, #tpu.memory_space<any>> -> memref<65536xf32, #tpu.memory_space<any>>
      %dma_start3A_134 = arith.constant 0 : i32
      %dma_start3A_135 = tpu.memref_slice %arg1[%dma_start3A_132, %dma_start3A_134] : memref<16x65536xf32, #tpu.memory_space<vmem>> -> memref<1x65536xf32, #tpu.memory_space<vmem>>
      %dma_start3A_136 = tpu.memref_squeeze %dma_start3A_135 : memref<1x65536xf32, #tpu.memory_space<vmem>> -> memref<65536xf32, #tpu.memory_space<vmem>>
      tpu.enqueue_dma source(%dma_start3A_136 : memref<65536xf32, #tpu.memory_space<vmem>>) target(%dma_start3A_133 : memref<65536xf32, #tpu.memory_space<any>>) target_semaphore(%arg9 : memref<!tpu.dma_semaphore, #tpu.memory_space<semaphore_mem>>)
      %dma_start3A_137 = arith.constant 14 : i32
      %dma_start3A_138 = tpu.memref_slice %arg5[%add3A_63] : memref<16001024xf32, #tpu.memory_space<any>> -> memref<65536xf32, #tpu.memory_space<any>>
      %dma_start3A_139 = arith.constant 0 : i32
      %dma_start3A_140 = tpu.memref_slice %arg1[%dma_start3A_137, %dma_start3A_139] : memref<16x65536xf32, #tpu.memory_space<vmem>> -> memref<1x65536xf32, #tpu.memory_space<vmem>>
      %dma_start3A_141 = tpu.memref_squeeze %dma_start3A_140 : memref<1x65536xf32, #tpu.memory_space<vmem>> -> memref<65536xf32, #tpu.memory_space<vmem>>
      tpu.enqueue_dma source(%dma_start3A_141 : memref<65536xf32, #tpu.memory_space<vmem>>) target(%dma_start3A_138 : memref<65536xf32, #tpu.memory_space<any>>) target_semaphore(%arg9 : memref<!tpu.dma_semaphore, #tpu.memory_space<semaphore_mem>>)
      %dma_start3A_142 = arith.constant 15 : i32
      %dma_start3A_143 = tpu.memref_slice %arg5[%add3A_67] : memref<16001024xf32, #tpu.memory_space<any>> -> memref<65536xf32, #tpu.memory_space<any>>
      %dma_start3A_144 = arith.constant 0 : i32
      %dma_start3A_145 = tpu.memref_slice %arg1[%dma_start3A_142, %dma_start3A_144] : memref<16x65536xf32, #tpu.memory_space<vmem>> -> memref<1x65536xf32, #tpu.memory_space<vmem>>
      %dma_start3A_146 = tpu.memref_squeeze %dma_start3A_145 : memref<1x65536xf32, #tpu.memory_space<vmem>> -> memref<65536xf32, #tpu.memory_space<vmem>>
      tpu.enqueue_dma source(%dma_start3A_146 : memref<65536xf32, #tpu.memory_space<vmem>>) target(%dma_start3A_143 : memref<65536xf32, #tpu.memory_space<any>>) target_semaphore(%arg9 : memref<!tpu.dma_semaphore, #tpu.memory_space<semaphore_mem>>)
      %dma_wait3A = arith.constant 0 : i32
      %dma_wait3A_147 = tpu.memref_slice %arg5[%add3A_7] : memref<16001024xf32, #tpu.memory_space<any>> -> memref<65536xf32, #tpu.memory_space<any>>
      %dma_wait3A_148 = arith.constant 0 : i32
      %dma_wait3A_149 = tpu.memref_slice %arg1[%dma_wait3A, %dma_wait3A_148] : memref<16x65536xf32, #tpu.memory_space<vmem>> -> memref<1x65536xf32, #tpu.memory_space<vmem>>
      %dma_wait3A_150 = tpu.memref_squeeze %dma_wait3A_149 : memref<1x65536xf32, #tpu.memory_space<vmem>> -> memref<65536xf32, #tpu.memory_space<vmem>>
      tpu.wait_dma2 semaphore(%arg9 : memref<!tpu.dma_semaphore, #tpu.memory_space<semaphore_mem>>) src(%dma_wait3A_150 : memref<65536xf32, #tpu.memory_space<vmem>>) dst(%dma_wait3A_147 : memref<65536xf32, #tpu.memory_space<any>>)
      %dma_wait3A_151 = arith.constant 1 : i32
      %dma_wait3A_152 = tpu.memref_slice %arg5[%add3A_11] : memref<16001024xf32, #tpu.memory_space<any>> -> memref<65536xf32, #tpu.memory_space<any>>
      %dma_wait3A_153 = arith.constant 0 : i32
      %dma_wait3A_154 = tpu.memref_slice %arg1[%dma_wait3A_151, %dma_wait3A_153] : memref<16x65536xf32, #tpu.memory_space<vmem>> -> memref<1x65536xf32, #tpu.memory_space<vmem>>
      %dma_wait3A_155 = tpu.memref_squeeze %dma_wait3A_154 : memref<1x65536xf32, #tpu.memory_space<vmem>> -> memref<65536xf32, #tpu.memory_space<vmem>>
      tpu.wait_dma2 semaphore(%arg9 : memref<!tpu.dma_semaphore, #tpu.memory_space<semaphore_mem>>) src(%dma_wait3A_155 : memref<65536xf32, #tpu.memory_space<vmem>>) dst(%dma_wait3A_152 : memref<65536xf32, #tpu.memory_space<any>>)
      %dma_wait3A_156 = arith.constant 2 : i32
      %dma_wait3A_157 = tpu.memref_slice %arg5[%add3A_15] : memref<16001024xf32, #tpu.memory_space<any>> -> memref<65536xf32, #tpu.memory_space<any>>
      %dma_wait3A_158 = arith.constant 0 : i32
      %dma_wait3A_159 = tpu.memref_slice %arg1[%dma_wait3A_156, %dma_wait3A_158] : memref<16x65536xf32, #tpu.memory_space<vmem>> -> memref<1x65536xf32, #tpu.memory_space<vmem>>
      %dma_wait3A_160 = tpu.memref_squeeze %dma_wait3A_159 : memref<1x65536xf32, #tpu.memory_space<vmem>> -> memref<65536xf32, #tpu.memory_space<vmem>>
      tpu.wait_dma2 semaphore(%arg9 : memref<!tpu.dma_semaphore, #tpu.memory_space<semaphore_mem>>) src(%dma_wait3A_160 : memref<65536xf32, #tpu.memory_space<vmem>>) dst(%dma_wait3A_157 : memref<65536xf32, #tpu.memory_space<any>>)
      %dma_wait3A_161 = arith.constant 3 : i32
      %dma_wait3A_162 = tpu.memref_slice %arg5[%add3A_19] : memref<16001024xf32, #tpu.memory_space<any>> -> memref<65536xf32, #tpu.memory_space<any>>
      %dma_wait3A_163 = arith.constant 0 : i32
      %dma_wait3A_164 = tpu.memref_slice %arg1[%dma_wait3A_161, %dma_wait3A_163] : memref<16x65536xf32, #tpu.memory_space<vmem>> -> memref<1x65536xf32, #tpu.memory_space<vmem>>
      %dma_wait3A_165 = tpu.memref_squeeze %dma_wait3A_164 : memref<1x65536xf32, #tpu.memory_space<vmem>> -> memref<65536xf32, #tpu.memory_space<vmem>>
      tpu.wait_dma2 semaphore(%arg9 : memref<!tpu.dma_semaphore, #tpu.memory_space<semaphore_mem>>) src(%dma_wait3A_165 : memref<65536xf32, #tpu.memory_space<vmem>>) dst(%dma_wait3A_162 : memref<65536xf32, #tpu.memory_space<any>>)
      %dma_wait3A_166 = arith.constant 4 : i32
      %dma_wait3A_167 = tpu.memref_slice %arg5[%add3A_23] : memref<16001024xf32, #tpu.memory_space<any>> -> memref<65536xf32, #tpu.memory_space<any>>
      %dma_wait3A_168 = arith.constant 0 : i32
      %dma_wait3A_169 = tpu.memref_slice %arg1[%dma_wait3A_166, %dma_wait3A_168] : memref<16x65536xf32, #tpu.memory_space<vmem>> -> memref<1x65536xf32, #tpu.memory_space<vmem>>
      %dma_wait3A_170 = tpu.memref_squeeze %dma_wait3A_169 : memref<1x65536xf32, #tpu.memory_space<vmem>> -> memref<65536xf32, #tpu.memory_space<vmem>>
      tpu.wait_dma2 semaphore(%arg9 : memref<!tpu.dma_semaphore, #tpu.memory_space<semaphore_mem>>) src(%dma_wait3A_170 : memref<65536xf32, #tpu.memory_space<vmem>>) dst(%dma_wait3A_167 : memref<65536xf32, #tpu.memory_space<any>>)
      %dma_wait3A_171 = arith.constant 5 : i32
      %dma_wait3A_172 = tpu.memref_slice %arg5[%add3A_27] : memref<16001024xf32, #tpu.memory_space<any>> -> memref<65536xf32, #tpu.memory_space<any>>
      %dma_wait3A_173 = arith.constant 0 : i32
      %dma_wait3A_174 = tpu.memref_slice %arg1[%dma_wait3A_171, %dma_wait3A_173] : memref<16x65536xf32, #tpu.memory_space<vmem>> -> memref<1x65536xf32, #tpu.memory_space<vmem>>
      %dma_wait3A_175 = tpu.memref_squeeze %dma_wait3A_174 : memref<1x65536xf32, #tpu.memory_space<vmem>> -> memref<65536xf32, #tpu.memory_space<vmem>>
      tpu.wait_dma2 semaphore(%arg9 : memref<!tpu.dma_semaphore, #tpu.memory_space<semaphore_mem>>) src(%dma_wait3A_175 : memref<65536xf32, #tpu.memory_space<vmem>>) dst(%dma_wait3A_172 : memref<65536xf32, #tpu.memory_space<any>>)
      %dma_wait3A_176 = arith.constant 6 : i32
      %dma_wait3A_177 = tpu.memref_slice %arg5[%add3A_31] : memref<16001024xf32, #tpu.memory_space<any>> -> memref<65536xf32, #tpu.memory_space<any>>
      %dma_wait3A_178 = arith.constant 0 : i32
      %dma_wait3A_179 = tpu.memref_slice %arg1[%dma_wait3A_176, %dma_wait3A_178] : memref<16x65536xf32, #tpu.memory_space<vmem>> -> memref<1x65536xf32, #tpu.memory_space<vmem>>
      %dma_wait3A_180 = tpu.memref_squeeze %dma_wait3A_179 : memref<1x65536xf32, #tpu.memory_space<vmem>> -> memref<65536xf32, #tpu.memory_space<vmem>>
      tpu.wait_dma2 semaphore(%arg9 : memref<!tpu.dma_semaphore, #tpu.memory_space<semaphore_mem>>) src(%dma_wait3A_180 : memref<65536xf32, #tpu.memory_space<vmem>>) dst(%dma_wait3A_177 : memref<65536xf32, #tpu.memory_space<any>>)
      %dma_wait3A_181 = arith.constant 7 : i32
      %dma_wait3A_182 = tpu.memref_slice %arg5[%add3A_35] : memref<16001024xf32, #tpu.memory_space<any>> -> memref<65536xf32, #tpu.memory_space<any>>
      %dma_wait3A_183 = arith.constant 0 : i32
      %dma_wait3A_184 = tpu.memref_slice %arg1[%dma_wait3A_181, %dma_wait3A_183] : memref<16x65536xf32, #tpu.memory_space<vmem>> -> memref<1x65536xf32, #tpu.memory_space<vmem>>
      %dma_wait3A_185 = tpu.memref_squeeze %dma_wait3A_184 : memref<1x65536xf32, #tpu.memory_space<vmem>> -> memref<65536xf32, #tpu.memory_space<vmem>>
      tpu.wait_dma2 semaphore(%arg9 : memref<!tpu.dma_semaphore, #tpu.memory_space<semaphore_mem>>) src(%dma_wait3A_185 : memref<65536xf32, #tpu.memory_space<vmem>>) dst(%dma_wait3A_182 : memref<65536xf32, #tpu.memory_space<any>>)
      %dma_wait3A_186 = arith.constant 8 : i32
      %dma_wait3A_187 = tpu.memref_slice %arg5[%add3A_39] : memref<16001024xf32, #tpu.memory_space<any>> -> memref<65536xf32, #tpu.memory_space<any>>
      %dma_wait3A_188 = arith.constant 0 : i32
      %dma_wait3A_189 = tpu.memref_slice %arg1[%dma_wait3A_186, %dma_wait3A_188] : memref<16x65536xf32, #tpu.memory_space<vmem>> -> memref<1x65536xf32, #tpu.memory_space<vmem>>
      %dma_wait3A_190 = tpu.memref_squeeze %dma_wait3A_189 : memref<1x65536xf32, #tpu.memory_space<vmem>> -> memref<65536xf32, #tpu.memory_space<vmem>>
      tpu.wait_dma2 semaphore(%arg9 : memref<!tpu.dma_semaphore, #tpu.memory_space<semaphore_mem>>) src(%dma_wait3A_190 : memref<65536xf32, #tpu.memory_space<vmem>>) dst(%dma_wait3A_187 : memref<65536xf32, #tpu.memory_space<any>>)
      %dma_wait3A_191 = arith.constant 9 : i32
      %dma_wait3A_192 = tpu.memref_slice %arg5[%add3A_43] : memref<16001024xf32, #tpu.memory_space<any>> -> memref<65536xf32, #tpu.memory_space<any>>
      %dma_wait3A_193 = arith.constant 0 : i32
      %dma_wait3A_194 = tpu.memref_slice %arg1[%dma_wait3A_191, %dma_wait3A_193] : memref<16x65536xf32, #tpu.memory_space<vmem>> -> memref<1x65536xf32, #tpu.memory_space<vmem>>
      %dma_wait3A_195 = tpu.memref_squeeze %dma_wait3A_194 : memref<1x65536xf32, #tpu.memory_space<vmem>> -> memref<65536xf32, #tpu.memory_space<vmem>>
      tpu.wait_dma2 semaphore(%arg9 : memref<!tpu.dma_semaphore, #tpu.memory_space<semaphore_mem>>) src(%dma_wait3A_195 : memref<65536xf32, #tpu.memory_space<vmem>>) dst(%dma_wait3A_192 : memref<65536xf32, #tpu.memory_space<any>>)
      %dma_wait3A_196 = arith.constant 10 : i32
      %dma_wait3A_197 = tpu.memref_slice %arg5[%add3A_47] : memref<16001024xf32, #tpu.memory_space<any>> -> memref<65536xf32, #tpu.memory_space<any>>
      %dma_wait3A_198 = arith.constant 0 : i32
      %dma_wait3A_199 = tpu.memref_slice %arg1[%dma_wait3A_196, %dma_wait3A_198] : memref<16x65536xf32, #tpu.memory_space<vmem>> -> memref<1x65536xf32, #tpu.memory_space<vmem>>
      %dma_wait3A_200 = tpu.memref_squeeze %dma_wait3A_199 : memref<1x65536xf32, #tpu.memory_space<vmem>> -> memref<65536xf32, #tpu.memory_space<vmem>>
      tpu.wait_dma2 semaphore(%arg9 : memref<!tpu.dma_semaphore, #tpu.memory_space<semaphore_mem>>) src(%dma_wait3A_200 : memref<65536xf32, #tpu.memory_space<vmem>>) dst(%dma_wait3A_197 : memref<65536xf32, #tpu.memory_space<any>>)
      %dma_wait3A_201 = arith.constant 11 : i32
      %dma_wait3A_202 = tpu.memref_slice %arg5[%add3A_51] : memref<16001024xf32, #tpu.memory_space<any>> -> memref<65536xf32, #tpu.memory_space<any>>
      %dma_wait3A_203 = arith.constant 0 : i32
      %dma_wait3A_204 = tpu.memref_slice %arg1[%dma_wait3A_201, %dma_wait3A_203] : memref<16x65536xf32, #tpu.memory_space<vmem>> -> memref<1x65536xf32, #tpu.memory_space<vmem>>
      %dma_wait3A_205 = tpu.memref_squeeze %dma_wait3A_204 : memref<1x65536xf32, #tpu.memory_space<vmem>> -> memref<65536xf32, #tpu.memory_space<vmem>>
      tpu.wait_dma2 semaphore(%arg9 : memref<!tpu.dma_semaphore, #tpu.memory_space<semaphore_mem>>) src(%dma_wait3A_205 : memref<65536xf32, #tpu.memory_space<vmem>>) dst(%dma_wait3A_202 : memref<65536xf32, #tpu.memory_space<any>>)
      %dma_wait3A_206 = arith.constant 12 : i32
      %dma_wait3A_207 = tpu.memref_slice %arg5[%add3A_55] : memref<16001024xf32, #tpu.memory_space<any>> -> memref<65536xf32, #tpu.memory_space<any>>
      %dma_wait3A_208 = arith.constant 0 : i32
      %dma_wait3A_209 = tpu.memref_slice %arg1[%dma_wait3A_206, %dma_wait3A_208] : memref<16x65536xf32, #tpu.memory_space<vmem>> -> memref<1x65536xf32, #tpu.memory_space<vmem>>
      %dma_wait3A_210 = tpu.memref_squeeze %dma_wait3A_209 : memref<1x65536xf32, #tpu.memory_space<vmem>> -> memref<65536xf32, #tpu.memory_space<vmem>>
      tpu.wait_dma2 semaphore(%arg9 : memref<!tpu.dma_semaphore, #tpu.memory_space<semaphore_mem>>) src(%dma_wait3A_210 : memref<65536xf32, #tpu.memory_space<vmem>>) dst(%dma_wait3A_207 : memref<65536xf32, #tpu.memory_space<any>>)
      %dma_wait3A_211 = arith.constant 13 : i32
      %dma_wait3A_212 = tpu.memref_slice %arg5[%add3A_59] : memref<16001024xf32, #tpu.memory_space<any>> -> memref<65536xf32, #tpu.memory_space<any>>
      %dma_wait3A_213 = arith.constant 0 : i32
      %dma_wait3A_214 = tpu.memref_slice %arg1[%dma_wait3A_211, %dma_wait3A_213] : memref<16x65536xf32, #tpu.memory_space<vmem>> -> memref<1x65536xf32, #tpu.memory_space<vmem>>
      %dma_wait3A_215 = tpu.memref_squeeze %dma_wait3A_214 : memref<1x65536xf32, #tpu.memory_space<vmem>> -> memref<65536xf32, #tpu.memory_space<vmem>>
      tpu.wait_dma2 semaphore(%arg9 : memref<!tpu.dma_semaphore, #tpu.memory_space<semaphore_mem>>) src(%dma_wait3A_215 : memref<65536xf32, #tpu.memory_space<vmem>>) dst(%dma_wait3A_212 : memref<65536xf32, #tpu.memory_space<any>>)
      %dma_wait3A_216 = arith.constant 14 : i32
      %dma_wait3A_217 = tpu.memref_slice %arg5[%add3A_63] : memref<16001024xf32, #tpu.memory_space<any>> -> memref<65536xf32, #tpu.memory_space<any>>
      %dma_wait3A_218 = arith.constant 0 : i32
      %dma_wait3A_219 = tpu.memref_slice %arg1[%dma_wait3A_216, %dma_wait3A_218] : memref<16x65536xf32, #tpu.memory_space<vmem>> -> memref<1x65536xf32, #tpu.memory_space<vmem>>
      %dma_wait3A_220 = tpu.memref_squeeze %dma_wait3A_219 : memref<1x65536xf32, #tpu.memory_space<vmem>> -> memref<65536xf32, #tpu.memory_space<vmem>>
      tpu.wait_dma2 semaphore(%arg9 : memref<!tpu.dma_semaphore, #tpu.memory_space<semaphore_mem>>) src(%dma_wait3A_220 : memref<65536xf32, #tpu.memory_space<vmem>>) dst(%dma_wait3A_217 : memref<65536xf32, #tpu.memory_space<any>>)
      %dma_wait3A_221 = arith.constant 15 : i32
      %dma_wait3A_222 = tpu.memref_slice %arg5[%add3A_67] : memref<16001024xf32, #tpu.memory_space<any>> -> memref<65536xf32, #tpu.memory_space<any>>
      %dma_wait3A_223 = arith.constant 0 : i32
      %dma_wait3A_224 = tpu.memref_slice %arg1[%dma_wait3A_221, %dma_wait3A_223] : memref<16x65536xf32, #tpu.memory_space<vmem>> -> memref<1x65536xf32, #tpu.memory_space<vmem>>
      %dma_wait3A_225 = tpu.memref_squeeze %dma_wait3A_224 : memref<1x65536xf32, #tpu.memory_space<vmem>> -> memref<65536xf32, #tpu.memory_space<vmem>>
      tpu.wait_dma2 semaphore(%arg9 : memref<!tpu.dma_semaphore, #tpu.memory_space<semaphore_mem>>) src(%dma_wait3A_225 : memref<65536xf32, #tpu.memory_space<vmem>>) dst(%dma_wait3A_222 : memref<65536xf32, #tpu.memory_space<any>>)
      %mul3A_226 = arith.constant 65536 : i32
      %mul3A_227 = arith.muli %arg0, %mul3A_226 : i32
      %add3A_228 = arith.constant 0 : i32
      %add3A_229 = arith.addi %add3A_228, %mul3A_227 : i32
      %mul3A_230 = arith.constant 65536 : i32
      %mul3A_231 = arith.muli %arg0, %mul3A_230 : i32
      %add3A_232 = arith.constant 1000064 : i32
      %add3A_233 = arith.addi %add3A_232, %mul3A_231 : i32
      %mul3A_234 = arith.constant 65536 : i32
      %mul3A_235 = arith.muli %arg0, %mul3A_234 : i32
      %add3A_236 = arith.constant 2000128 : i32
      %add3A_237 = arith.addi %add3A_236, %mul3A_235 : i32
      %mul3A_238 = arith.constant 65536 : i32
      %mul3A_239 = arith.muli %arg0, %mul3A_238 : i32
      %add3A_240 = arith.constant 3000192 : i32
      %add3A_241 = arith.addi %add3A_240, %mul3A_239 : i32
      %mul3A_242 = arith.constant 65536 : i32
      %mul3A_243 = arith.muli %arg0, %mul3A_242 : i32
      %add3A_244 = arith.constant 4000256 : i32
      %add3A_245 = arith.addi %add3A_244, %mul3A_243 : i32
      %mul3A_246 = arith.constant 65536 : i32
      %mul3A_247 = arith.muli %arg0, %mul3A_246 : i32
      %add3A_248 = arith.constant 5000320 : i32
      %add3A_249 = arith.addi %add3A_248, %mul3A_247 : i32
      %mul3A_250 = arith.constant 65536 : i32
      %mul3A_251 = arith.muli %arg0, %mul3A_250 : i32
      %add3A_252 = arith.constant 6000384 : i32
      %add3A_253 = arith.addi %add3A_252, %mul3A_251 : i32
      %mul3A_254 = arith.constant 65536 : i32
      %mul3A_255 = arith.muli %arg0, %mul3A_254 : i32
      %add3A_256 = arith.constant 7000448 : i32
      %add3A_257 = arith.addi %add3A_256, %mul3A_255 : i32
      %mul3A_258 = arith.constant 65536 : i32
      %mul3A_259 = arith.muli %arg0, %mul3A_258 : i32
      %add3A_260 = arith.constant 8000512 : i32
      %add3A_261 = arith.addi %add3A_260, %mul3A_259 : i32
      %mul3A_262 = arith.constant 65536 : i32
      %mul3A_263 = arith.muli %arg0, %mul3A_262 : i32
      %add3A_264 = arith.constant 9000576 : i32
      %add3A_265 = arith.addi %add3A_264, %mul3A_263 : i32
      %mul3A_266 = arith.constant 65536 : i32
      %mul3A_267 = arith.muli %arg0, %mul3A_266 : i32
      %add3A_268 = arith.constant 10000640 : i32
      %add3A_269 = arith.addi %add3A_268, %mul3A_267 : i32
      %mul3A_270 = arith.constant 65536 : i32
      %mul3A_271 = arith.muli %arg0, %mul3A_270 : i32
      %add3A_272 = arith.constant 11000704 : i32
      %add3A_273 = arith.addi %add3A_272, %mul3A_271 : i32
      %mul3A_274 = arith.constant 65536 : i32
      %mul3A_275 = arith.muli %arg0, %mul3A_274 : i32
      %add3A_276 = arith.constant 12000768 : i32
      %add3A_277 = arith.addi %add3A_276, %mul3A_275 : i32
      %mul3A_278 = arith.constant 65536 : i32
      %mul3A_279 = arith.muli %arg0, %mul3A_278 : i32
      %add3A_280 = arith.constant 13000832 : i32
      %add3A_281 = arith.addi %add3A_280, %mul3A_279 : i32
      %mul3A_282 = arith.constant 65536 : i32
      %mul3A_283 = arith.muli %arg0, %mul3A_282 : i32
      %add3A_284 = arith.constant 14000896 : i32
      %add3A_285 = arith.addi %add3A_284, %mul3A_283 : i32
      %mul3A_286 = arith.constant 65536 : i32
      %mul3A_287 = arith.muli %arg0, %mul3A_286 : i32
      %add3A_288 = arith.constant 15000960 : i32
      %add3A_289 = arith.addi %add3A_288, %mul3A_287 : i32
      %dma_start3A_290 = arith.constant 0 : i32
      %dma_start3A_291 = tpu.memref_slice %arg6[%add3A_229] : memref<16001024xf32, #tpu.memory_space<any>> -> memref<65536xf32, #tpu.memory_space<any>>
      %dma_start3A_292 = arith.constant 0 : i32
      %dma_start3A_293 = tpu.memref_slice %arg2[%dma_start3A_290, %dma_start3A_292] : memref<16x65536xf32, #tpu.memory_space<vmem>> -> memref<1x65536xf32, #tpu.memory_space<vmem>>
      %dma_start3A_294 = tpu.memref_squeeze %dma_start3A_293 : memref<1x65536xf32, #tpu.memory_space<vmem>> -> memref<65536xf32, #tpu.memory_space<vmem>>
      tpu.enqueue_dma source(%dma_start3A_294 : memref<65536xf32, #tpu.memory_space<vmem>>) target(%dma_start3A_291 : memref<65536xf32, #tpu.memory_space<any>>) target_semaphore(%arg9 : memref<!tpu.dma_semaphore, #tpu.memory_space<semaphore_mem>>)
      %dma_start3A_295 = arith.constant 1 : i32
      %dma_start3A_296 = tpu.memref_slice %arg6[%add3A_233] : memref<16001024xf32, #tpu.memory_space<any>> -> memref<65536xf32, #tpu.memory_space<any>>
      %dma_start3A_297 = arith.constant 0 : i32
      %dma_start3A_298 = tpu.memref_slice %arg2[%dma_start3A_295, %dma_start3A_297] : memref<16x65536xf32, #tpu.memory_space<vmem>> -> memref<1x65536xf32, #tpu.memory_space<vmem>>
      %dma_start3A_299 = tpu.memref_squeeze %dma_start3A_298 : memref<1x65536xf32, #tpu.memory_space<vmem>> -> memref<65536xf32, #tpu.memory_space<vmem>>
      tpu.enqueue_dma source(%dma_start3A_299 : memref<65536xf32, #tpu.memory_space<vmem>>) target(%dma_start3A_296 : memref<65536xf32, #tpu.memory_space<any>>) target_semaphore(%arg9 : memref<!tpu.dma_semaphore, #tpu.memory_space<semaphore_mem>>)
      %dma_start3A_300 = arith.constant 2 : i32
      %dma_start3A_301 = tpu.memref_slice %arg6[%add3A_237] : memref<16001024xf32, #tpu.memory_space<any>> -> memref<65536xf32, #tpu.memory_space<any>>
      %dma_start3A_302 = arith.constant 0 : i32
      %dma_start3A_303 = tpu.memref_slice %arg2[%dma_start3A_300, %dma_start3A_302] : memref<16x65536xf32, #tpu.memory_space<vmem>> -> memref<1x65536xf32, #tpu.memory_space<vmem>>
      %dma_start3A_304 = tpu.memref_squeeze %dma_start3A_303 : memref<1x65536xf32, #tpu.memory_space<vmem>> -> memref<65536xf32, #tpu.memory_space<vmem>>
      tpu.enqueue_dma source(%dma_start3A_304 : memref<65536xf32, #tpu.memory_space<vmem>>) target(%dma_start3A_301 : memref<65536xf32, #tpu.memory_space<any>>) target_semaphore(%arg9 : memref<!tpu.dma_semaphore, #tpu.memory_space<semaphore_mem>>)
      %dma_start3A_305 = arith.constant 3 : i32
      %dma_start3A_306 = tpu.memref_slice %arg6[%add3A_241] : memref<16001024xf32, #tpu.memory_space<any>> -> memref<65536xf32, #tpu.memory_space<any>>
      %dma_start3A_307 = arith.constant 0 : i32
      %dma_start3A_308 = tpu.memref_slice %arg2[%dma_start3A_305, %dma_start3A_307] : memref<16x65536xf32, #tpu.memory_space<vmem>> -> memref<1x65536xf32, #tpu.memory_space<vmem>>
      %dma_start3A_309 = tpu.memref_squeeze %dma_start3A_308 : memref<1x65536xf32, #tpu.memory_space<vmem>> -> memref<65536xf32, #tpu.memory_space<vmem>>
      tpu.enqueue_dma source(%dma_start3A_309 : memref<65536xf32, #tpu.memory_space<vmem>>) target(%dma_start3A_306 : memref<65536xf32, #tpu.memory_space<any>>) target_semaphore(%arg9 : memref<!tpu.dma_semaphore, #tpu.memory_space<semaphore_mem>>)
      %dma_start3A_310 = arith.constant 4 : i32
      %dma_start3A_311 = tpu.memref_slice %arg6[%add3A_245] : memref<16001024xf32, #tpu.memory_space<any>> -> memref<65536xf32, #tpu.memory_space<any>>
      %dma_start3A_312 = arith.constant 0 : i32
      %dma_start3A_313 = tpu.memref_slice %arg2[%dma_start3A_310, %dma_start3A_312] : memref<16x65536xf32, #tpu.memory_space<vmem>> -> memref<1x65536xf32, #tpu.memory_space<vmem>>
      %dma_start3A_314 = tpu.memref_squeeze %dma_start3A_313 : memref<1x65536xf32, #tpu.memory_space<vmem>> -> memref<65536xf32, #tpu.memory_space<vmem>>
      tpu.enqueue_dma source(%dma_start3A_314 : memref<65536xf32, #tpu.memory_space<vmem>>) target(%dma_start3A_311 : memref<65536xf32, #tpu.memory_space<any>>) target_semaphore(%arg9 : memref<!tpu.dma_semaphore, #tpu.memory_space<semaphore_mem>>)
      %dma_start3A_315 = arith.constant 5 : i32
      %dma_start3A_316 = tpu.memref_slice %arg6[%add3A_249] : memref<16001024xf32, #tpu.memory_space<any>> -> memref<65536xf32, #tpu.memory_space<any>>
      %dma_start3A_317 = arith.constant 0 : i32
      %dma_start3A_318 = tpu.memref_slice %arg2[%dma_start3A_315, %dma_start3A_317] : memref<16x65536xf32, #tpu.memory_space<vmem>> -> memref<1x65536xf32, #tpu.memory_space<vmem>>
      %dma_start3A_319 = tpu.memref_squeeze %dma_start3A_318 : memref<1x65536xf32, #tpu.memory_space<vmem>> -> memref<65536xf32, #tpu.memory_space<vmem>>
      tpu.enqueue_dma source(%dma_start3A_319 : memref<65536xf32, #tpu.memory_space<vmem>>) target(%dma_start3A_316 : memref<65536xf32, #tpu.memory_space<any>>) target_semaphore(%arg9 : memref<!tpu.dma_semaphore, #tpu.memory_space<semaphore_mem>>)
      %dma_start3A_320 = arith.constant 6 : i32
      %dma_start3A_321 = tpu.memref_slice %arg6[%add3A_253] : memref<16001024xf32, #tpu.memory_space<any>> -> memref<65536xf32, #tpu.memory_space<any>>
      %dma_start3A_322 = arith.constant 0 : i32
      %dma_start3A_323 = tpu.memref_slice %arg2[%dma_start3A_320, %dma_start3A_322] : memref<16x65536xf32, #tpu.memory_space<vmem>> -> memref<1x65536xf32, #tpu.memory_space<vmem>>
      %dma_start3A_324 = tpu.memref_squeeze %dma_start3A_323 : memref<1x65536xf32, #tpu.memory_space<vmem>> -> memref<65536xf32, #tpu.memory_space<vmem>>
      tpu.enqueue_dma source(%dma_start3A_324 : memref<65536xf32, #tpu.memory_space<vmem>>) target(%dma_start3A_321 : memref<65536xf32, #tpu.memory_space<any>>) target_semaphore(%arg9 : memref<!tpu.dma_semaphore, #tpu.memory_space<semaphore_mem>>)
      %dma_start3A_325 = arith.constant 7 : i32
      %dma_start3A_326 = tpu.memref_slice %arg6[%add3A_257] : memref<16001024xf32, #tpu.memory_space<any>> -> memref<65536xf32, #tpu.memory_space<any>>
      %dma_start3A_327 = arith.constant 0 : i32
      %dma_start3A_328 = tpu.memref_slice %arg2[%dma_start3A_325, %dma_start3A_327] : memref<16x65536xf32, #tpu.memory_space<vmem>> -> memref<1x65536xf32, #tpu.memory_space<vmem>>
      %dma_start3A_329 = tpu.memref_squeeze %dma_start3A_328 : memref<1x65536xf32, #tpu.memory_space<vmem>> -> memref<65536xf32, #tpu.memory_space<vmem>>
      tpu.enqueue_dma source(%dma_start3A_329 : memref<65536xf32, #tpu.memory_space<vmem>>) target(%dma_start3A_326 : memref<65536xf32, #tpu.memory_space<any>>) target_semaphore(%arg9 : memref<!tpu.dma_semaphore, #tpu.memory_space<semaphore_mem>>)
      %dma_start3A_330 = arith.constant 8 : i32
      %dma_start3A_331 = tpu.memref_slice %arg6[%add3A_261] : memref<16001024xf32, #tpu.memory_space<any>> -> memref<65536xf32, #tpu.memory_space<any>>
      %dma_start3A_332 = arith.constant 0 : i32
      %dma_start3A_333 = tpu.memref_slice %arg2[%dma_start3A_330, %dma_start3A_332] : memref<16x65536xf32, #tpu.memory_space<vmem>> -> memref<1x65536xf32, #tpu.memory_space<vmem>>
      %dma_start3A_334 = tpu.memref_squeeze %dma_start3A_333 : memref<1x65536xf32, #tpu.memory_space<vmem>> -> memref<65536xf32, #tpu.memory_space<vmem>>
      tpu.enqueue_dma source(%dma_start3A_334 : memref<65536xf32, #tpu.memory_space<vmem>>) target(%dma_start3A_331 : memref<65536xf32, #tpu.memory_space<any>>) target_semaphore(%arg9 : memref<!tpu.dma_semaphore, #tpu.memory_space<semaphore_mem>>)
      %dma_start3A_335 = arith.constant 9 : i32
      %dma_start3A_336 = tpu.memref_slice %arg6[%add3A_265] : memref<16001024xf32, #tpu.memory_space<any>> -> memref<65536xf32, #tpu.memory_space<any>>
      %dma_start3A_337 = arith.constant 0 : i32
      %dma_start3A_338 = tpu.memref_slice %arg2[%dma_start3A_335, %dma_start3A_337] : memref<16x65536xf32, #tpu.memory_space<vmem>> -> memref<1x65536xf32, #tpu.memory_space<vmem>>
      %dma_start3A_339 = tpu.memref_squeeze %dma_start3A_338 : memref<1x65536xf32, #tpu.memory_space<vmem>> -> memref<65536xf32, #tpu.memory_space<vmem>>
      tpu.enqueue_dma source(%dma_start3A_339 : memref<65536xf32, #tpu.memory_space<vmem>>) target(%dma_start3A_336 : memref<65536xf32, #tpu.memory_space<any>>) target_semaphore(%arg9 : memref<!tpu.dma_semaphore, #tpu.memory_space<semaphore_mem>>)
      %dma_start3A_340 = arith.constant 10 : i32
      %dma_start3A_341 = tpu.memref_slice %arg6[%add3A_269] : memref<16001024xf32, #tpu.memory_space<any>> -> memref<65536xf32, #tpu.memory_space<any>>
      %dma_start3A_342 = arith.constant 0 : i32
      %dma_start3A_343 = tpu.memref_slice %arg2[%dma_start3A_340, %dma_start3A_342] : memref<16x65536xf32, #tpu.memory_space<vmem>> -> memref<1x65536xf32, #tpu.memory_space<vmem>>
      %dma_start3A_344 = tpu.memref_squeeze %dma_start3A_343 : memref<1x65536xf32, #tpu.memory_space<vmem>> -> memref<65536xf32, #tpu.memory_space<vmem>>
      tpu.enqueue_dma source(%dma_start3A_344 : memref<65536xf32, #tpu.memory_space<vmem>>) target(%dma_start3A_341 : memref<65536xf32, #tpu.memory_space<any>>) target_semaphore(%arg9 : memref<!tpu.dma_semaphore, #tpu.memory_space<semaphore_mem>>)
      %dma_start3A_345 = arith.constant 11 : i32
      %dma_start3A_346 = tpu.memref_slice %arg6[%add3A_273] : memref<16001024xf32, #tpu.memory_space<any>> -> memref<65536xf32, #tpu.memory_space<any>>
      %dma_start3A_347 = arith.constant 0 : i32
      %dma_start3A_348 = tpu.memref_slice %arg2[%dma_start3A_345, %dma_start3A_347] : memref<16x65536xf32, #tpu.memory_space<vmem>> -> memref<1x65536xf32, #tpu.memory_space<vmem>>
      %dma_start3A_349 = tpu.memref_squeeze %dma_start3A_348 : memref<1x65536xf32, #tpu.memory_space<vmem>> -> memref<65536xf32, #tpu.memory_space<vmem>>
      tpu.enqueue_dma source(%dma_start3A_349 : memref<65536xf32, #tpu.memory_space<vmem>>) target(%dma_start3A_346 : memref<65536xf32, #tpu.memory_space<any>>) target_semaphore(%arg9 : memref<!tpu.dma_semaphore, #tpu.memory_space<semaphore_mem>>)
      %dma_start3A_350 = arith.constant 12 : i32
      %dma_start3A_351 = tpu.memref_slice %arg6[%add3A_277] : memref<16001024xf32, #tpu.memory_space<any>> -> memref<65536xf32, #tpu.memory_space<any>>
      %dma_start3A_352 = arith.constant 0 : i32
      %dma_start3A_353 = tpu.memref_slice %arg2[%dma_start3A_350, %dma_start3A_352] : memref<16x65536xf32, #tpu.memory_space<vmem>> -> memref<1x65536xf32, #tpu.memory_space<vmem>>
      %dma_start3A_354 = tpu.memref_squeeze %dma_start3A_353 : memref<1x65536xf32, #tpu.memory_space<vmem>> -> memref<65536xf32, #tpu.memory_space<vmem>>
      tpu.enqueue_dma source(%dma_start3A_354 : memref<65536xf32, #tpu.memory_space<vmem>>) target(%dma_start3A_351 : memref<65536xf32, #tpu.memory_space<any>>) target_semaphore(%arg9 : memref<!tpu.dma_semaphore, #tpu.memory_space<semaphore_mem>>)
      %dma_start3A_355 = arith.constant 13 : i32
      %dma_start3A_356 = tpu.memref_slice %arg6[%add3A_281] : memref<16001024xf32, #tpu.memory_space<any>> -> memref<65536xf32, #tpu.memory_space<any>>
      %dma_start3A_357 = arith.constant 0 : i32
      %dma_start3A_358 = tpu.memref_slice %arg2[%dma_start3A_355, %dma_start3A_357] : memref<16x65536xf32, #tpu.memory_space<vmem>> -> memref<1x65536xf32, #tpu.memory_space<vmem>>
      %dma_start3A_359 = tpu.memref_squeeze %dma_start3A_358 : memref<1x65536xf32, #tpu.memory_space<vmem>> -> memref<65536xf32, #tpu.memory_space<vmem>>
      tpu.enqueue_dma source(%dma_start3A_359 : memref<65536xf32, #tpu.memory_space<vmem>>) target(%dma_start3A_356 : memref<65536xf32, #tpu.memory_space<any>>) target_semaphore(%arg9 : memref<!tpu.dma_semaphore, #tpu.memory_space<semaphore_mem>>)
      %dma_start3A_360 = arith.constant 14 : i32
      %dma_start3A_361 = tpu.memref_slice %arg6[%add3A_285] : memref<16001024xf32, #tpu.memory_space<any>> -> memref<65536xf32, #tpu.memory_space<any>>
      %dma_start3A_362 = arith.constant 0 : i32
      %dma_start3A_363 = tpu.memref_slice %arg2[%dma_start3A_360, %dma_start3A_362] : memref<16x65536xf32, #tpu.memory_space<vmem>> -> memref<1x65536xf32, #tpu.memory_space<vmem>>
      %dma_start3A_364 = tpu.memref_squeeze %dma_start3A_363 : memref<1x65536xf32, #tpu.memory_space<vmem>> -> memref<65536xf32, #tpu.memory_space<vmem>>
      tpu.enqueue_dma source(%dma_start3A_364 : memref<65536xf32, #tpu.memory_space<vmem>>) target(%dma_start3A_361 : memref<65536xf32, #tpu.memory_space<any>>) target_semaphore(%arg9 : memref<!tpu.dma_semaphore, #tpu.memory_space<semaphore_mem>>)
      %dma_start3A_365 = arith.constant 15 : i32
      %dma_start3A_366 = tpu.memref_slice %arg6[%add3A_289] : memref<16001024xf32, #tpu.memory_space<any>> -> memref<65536xf32, #tpu.memory_space<any>>
      %dma_start3A_367 = arith.constant 0 : i32
      %dma_start3A_368 = tpu.memref_slice %arg2[%dma_start3A_365, %dma_start3A_367] : memref<16x65536xf32, #tpu.memory_space<vmem>> -> memref<1x65536xf32, #tpu.memory_space<vmem>>
      %dma_start3A_369 = tpu.memref_squeeze %dma_start3A_368 : memref<1x65536xf32, #tpu.memory_space<vmem>> -> memref<65536xf32, #tpu.memory_space<vmem>>
      tpu.enqueue_dma source(%dma_start3A_369 : memref<65536xf32, #tpu.memory_space<vmem>>) target(%dma_start3A_366 : memref<65536xf32, #tpu.memory_space<any>>) target_semaphore(%arg9 : memref<!tpu.dma_semaphore, #tpu.memory_space<semaphore_mem>>)
      %dma_wait3A_370 = arith.constant 0 : i32
      %dma_wait3A_371 = tpu.memref_slice %arg6[%add3A_229] : memref<16001024xf32, #tpu.memory_space<any>> -> memref<65536xf32, #tpu.memory_space<any>>
      %dma_wait3A_372 = arith.constant 0 : i32
      %dma_wait3A_373 = tpu.memref_slice %arg2[%dma_wait3A_370, %dma_wait3A_372] : memref<16x65536xf32, #tpu.memory_space<vmem>> -> memref<1x65536xf32, #tpu.memory_space<vmem>>
      %dma_wait3A_374 = tpu.memref_squeeze %dma_wait3A_373 : memref<1x65536xf32, #tpu.memory_space<vmem>> -> memref<65536xf32, #tpu.memory_space<vmem>>
      tpu.wait_dma2 semaphore(%arg9 : memref<!tpu.dma_semaphore, #tpu.memory_space<semaphore_mem>>) src(%dma_wait3A_374 : memref<65536xf32, #tpu.memory_space<vmem>>) dst(%dma_wait3A_371 : memref<65536xf32, #tpu.memory_space<any>>)
      %dma_wait3A_375 = arith.constant 1 : i32
      %dma_wait3A_376 = tpu.memref_slice %arg6[%add3A_233] : memref<16001024xf32, #tpu.memory_space<any>> -> memref<65536xf32, #tpu.memory_space<any>>
      %dma_wait3A_377 = arith.constant 0 : i32
      %dma_wait3A_378 = tpu.memref_slice %arg2[%dma_wait3A_375, %dma_wait3A_377] : memref<16x65536xf32, #tpu.memory_space<vmem>> -> memref<1x65536xf32, #tpu.memory_space<vmem>>
      %dma_wait3A_379 = tpu.memref_squeeze %dma_wait3A_378 : memref<1x65536xf32, #tpu.memory_space<vmem>> -> memref<65536xf32, #tpu.memory_space<vmem>>
      tpu.wait_dma2 semaphore(%arg9 : memref<!tpu.dma_semaphore, #tpu.memory_space<semaphore_mem>>) src(%dma_wait3A_379 : memref<65536xf32, #tpu.memory_space<vmem>>) dst(%dma_wait3A_376 : memref<65536xf32, #tpu.memory_space<any>>)
      %dma_wait3A_380 = arith.constant 2 : i32
      %dma_wait3A_381 = tpu.memref_slice %arg6[%add3A_237] : memref<16001024xf32, #tpu.memory_space<any>> -> memref<65536xf32, #tpu.memory_space<any>>
      %dma_wait3A_382 = arith.constant 0 : i32
      %dma_wait3A_383 = tpu.memref_slice %arg2[%dma_wait3A_380, %dma_wait3A_382] : memref<16x65536xf32, #tpu.memory_space<vmem>> -> memref<1x65536xf32, #tpu.memory_space<vmem>>
      %dma_wait3A_384 = tpu.memref_squeeze %dma_wait3A_383 : memref<1x65536xf32, #tpu.memory_space<vmem>> -> memref<65536xf32, #tpu.memory_space<vmem>>
      tpu.wait_dma2 semaphore(%arg9 : memref<!tpu.dma_semaphore, #tpu.memory_space<semaphore_mem>>) src(%dma_wait3A_384 : memref<65536xf32, #tpu.memory_space<vmem>>) dst(%dma_wait3A_381 : memref<65536xf32, #tpu.memory_space<any>>)
      %dma_wait3A_385 = arith.constant 3 : i32
      %dma_wait3A_386 = tpu.memref_slice %arg6[%add3A_241] : memref<16001024xf32, #tpu.memory_space<any>> -> memref<65536xf32, #tpu.memory_space<any>>
      %dma_wait3A_387 = arith.constant 0 : i32
      %dma_wait3A_388 = tpu.memref_slice %arg2[%dma_wait3A_385, %dma_wait3A_387] : memref<16x65536xf32, #tpu.memory_space<vmem>> -> memref<1x65536xf32, #tpu.memory_space<vmem>>
      %dma_wait3A_389 = tpu.memref_squeeze %dma_wait3A_388 : memref<1x65536xf32, #tpu.memory_space<vmem>> -> memref<65536xf32, #tpu.memory_space<vmem>>
      tpu.wait_dma2 semaphore(%arg9 : memref<!tpu.dma_semaphore, #tpu.memory_space<semaphore_mem>>) src(%dma_wait3A_389 : memref<65536xf32, #tpu.memory_space<vmem>>) dst(%dma_wait3A_386 : memref<65536xf32, #tpu.memory_space<any>>)
      %dma_wait3A_390 = arith.constant 4 : i32
      %dma_wait3A_391 = tpu.memref_slice %arg6[%add3A_245] : memref<16001024xf32, #tpu.memory_space<any>> -> memref<65536xf32, #tpu.memory_space<any>>
      %dma_wait3A_392 = arith.constant 0 : i32
      %dma_wait3A_393 = tpu.memref_slice %arg2[%dma_wait3A_390, %dma_wait3A_392] : memref<16x65536xf32, #tpu.memory_space<vmem>> -> memref<1x65536xf32, #tpu.memory_space<vmem>>
      %dma_wait3A_394 = tpu.memref_squeeze %dma_wait3A_393 : memref<1x65536xf32, #tpu.memory_space<vmem>> -> memref<65536xf32, #tpu.memory_space<vmem>>
      tpu.wait_dma2 semaphore(%arg9 : memref<!tpu.dma_semaphore, #tpu.memory_space<semaphore_mem>>) src(%dma_wait3A_394 : memref<65536xf32, #tpu.memory_space<vmem>>) dst(%dma_wait3A_391 : memref<65536xf32, #tpu.memory_space<any>>)
      %dma_wait3A_395 = arith.constant 5 : i32
      %dma_wait3A_396 = tpu.memref_slice %arg6[%add3A_249] : memref<16001024xf32, #tpu.memory_space<any>> -> memref<65536xf32, #tpu.memory_space<any>>
      %dma_wait3A_397 = arith.constant 0 : i32
      %dma_wait3A_398 = tpu.memref_slice %arg2[%dma_wait3A_395, %dma_wait3A_397] : memref<16x65536xf32, #tpu.memory_space<vmem>> -> memref<1x65536xf32, #tpu.memory_space<vmem>>
      %dma_wait3A_399 = tpu.memref_squeeze %dma_wait3A_398 : memref<1x65536xf32, #tpu.memory_space<vmem>> -> memref<65536xf32, #tpu.memory_space<vmem>>
      tpu.wait_dma2 semaphore(%arg9 : memref<!tpu.dma_semaphore, #tpu.memory_space<semaphore_mem>>) src(%dma_wait3A_399 : memref<65536xf32, #tpu.memory_space<vmem>>) dst(%dma_wait3A_396 : memref<65536xf32, #tpu.memory_space<any>>)
      %dma_wait3A_400 = arith.constant 6 : i32
      %dma_wait3A_401 = tpu.memref_slice %arg6[%add3A_253] : memref<16001024xf32, #tpu.memory_space<any>> -> memref<65536xf32, #tpu.memory_space<any>>
      %dma_wait3A_402 = arith.constant 0 : i32
      %dma_wait3A_403 = tpu.memref_slice %arg2[%dma_wait3A_400, %dma_wait3A_402] : memref<16x65536xf32, #tpu.memory_space<vmem>> -> memref<1x65536xf32, #tpu.memory_space<vmem>>
      %dma_wait3A_404 = tpu.memref_squeeze %dma_wait3A_403 : memref<1x65536xf32, #tpu.memory_space<vmem>> -> memref<65536xf32, #tpu.memory_space<vmem>>
      tpu.wait_dma2 semaphore(%arg9 : memref<!tpu.dma_semaphore, #tpu.memory_space<semaphore_mem>>) src(%dma_wait3A_404 : memref<65536xf32, #tpu.memory_space<vmem>>) dst(%dma_wait3A_401 : memref<65536xf32, #tpu.memory_space<any>>)
      %dma_wait3A_405 = arith.constant 7 : i32
      %dma_wait3A_406 = tpu.memref_slice %arg6[%add3A_257] : memref<16001024xf32, #tpu.memory_space<any>> -> memref<65536xf32, #tpu.memory_space<any>>
      %dma_wait3A_407 = arith.constant 0 : i32
      %dma_wait3A_408 = tpu.memref_slice %arg2[%dma_wait3A_405, %dma_wait3A_407] : memref<16x65536xf32, #tpu.memory_space<vmem>> -> memref<1x65536xf32, #tpu.memory_space<vmem>>
      %dma_wait3A_409 = tpu.memref_squeeze %dma_wait3A_408 : memref<1x65536xf32, #tpu.memory_space<vmem>> -> memref<65536xf32, #tpu.memory_space<vmem>>
      tpu.wait_dma2 semaphore(%arg9 : memref<!tpu.dma_semaphore, #tpu.memory_space<semaphore_mem>>) src(%dma_wait3A_409 : memref<65536xf32, #tpu.memory_space<vmem>>) dst(%dma_wait3A_406 : memref<65536xf32, #tpu.memory_space<any>>)
      %dma_wait3A_410 = arith.constant 8 : i32
      %dma_wait3A_411 = tpu.memref_slice %arg6[%add3A_261] : memref<16001024xf32, #tpu.memory_space<any>> -> memref<65536xf32, #tpu.memory_space<any>>
      %dma_wait3A_412 = arith.constant 0 : i32
      %dma_wait3A_413 = tpu.memref_slice %arg2[%dma_wait3A_410, %dma_wait3A_412] : memref<16x65536xf32, #tpu.memory_space<vmem>> -> memref<1x65536xf32, #tpu.memory_space<vmem>>
      %dma_wait3A_414 = tpu.memref_squeeze %dma_wait3A_413 : memref<1x65536xf32, #tpu.memory_space<vmem>> -> memref<65536xf32, #tpu.memory_space<vmem>>
      tpu.wait_dma2 semaphore(%arg9 : memref<!tpu.dma_semaphore, #tpu.memory_space<semaphore_mem>>) src(%dma_wait3A_414 : memref<65536xf32, #tpu.memory_space<vmem>>) dst(%dma_wait3A_411 : memref<65536xf32, #tpu.memory_space<any>>)
      %dma_wait3A_415 = arith.constant 9 : i32
      %dma_wait3A_416 = tpu.memref_slice %arg6[%add3A_265] : memref<16001024xf32, #tpu.memory_space<any>> -> memref<65536xf32, #tpu.memory_space<any>>
      %dma_wait3A_417 = arith.constant 0 : i32
      %dma_wait3A_418 = tpu.memref_slice %arg2[%dma_wait3A_415, %dma_wait3A_417] : memref<16x65536xf32, #tpu.memory_space<vmem>> -> memref<1x65536xf32, #tpu.memory_space<vmem>>
      %dma_wait3A_419 = tpu.memref_squeeze %dma_wait3A_418 : memref<1x65536xf32, #tpu.memory_space<vmem>> -> memref<65536xf32, #tpu.memory_space<vmem>>
      tpu.wait_dma2 semaphore(%arg9 : memref<!tpu.dma_semaphore, #tpu.memory_space<semaphore_mem>>) src(%dma_wait3A_419 : memref<65536xf32, #tpu.memory_space<vmem>>) dst(%dma_wait3A_416 : memref<65536xf32, #tpu.memory_space<any>>)
      %dma_wait3A_420 = arith.constant 10 : i32
      %dma_wait3A_421 = tpu.memref_slice %arg6[%add3A_269] : memref<16001024xf32, #tpu.memory_space<any>> -> memref<65536xf32, #tpu.memory_space<any>>
      %dma_wait3A_422 = arith.constant 0 : i32
      %dma_wait3A_423 = tpu.memref_slice %arg2[%dma_wait3A_420, %dma_wait3A_422] : memref<16x65536xf32, #tpu.memory_space<vmem>> -> memref<1x65536xf32, #tpu.memory_space<vmem>>
      %dma_wait3A_424 = tpu.memref_squeeze %dma_wait3A_423 : memref<1x65536xf32, #tpu.memory_space<vmem>> -> memref<65536xf32, #tpu.memory_space<vmem>>
      tpu.wait_dma2 semaphore(%arg9 : memref<!tpu.dma_semaphore, #tpu.memory_space<semaphore_mem>>) src(%dma_wait3A_424 : memref<65536xf32, #tpu.memory_space<vmem>>) dst(%dma_wait3A_421 : memref<65536xf32, #tpu.memory_space<any>>)
      %dma_wait3A_425 = arith.constant 11 : i32
      %dma_wait3A_426 = tpu.memref_slice %arg6[%add3A_273] : memref<16001024xf32, #tpu.memory_space<any>> -> memref<65536xf32, #tpu.memory_space<any>>
      %dma_wait3A_427 = arith.constant 0 : i32
      %dma_wait3A_428 = tpu.memref_slice %arg2[%dma_wait3A_425, %dma_wait3A_427] : memref<16x65536xf32, #tpu.memory_space<vmem>> -> memref<1x65536xf32, #tpu.memory_space<vmem>>
      %dma_wait3A_429 = tpu.memref_squeeze %dma_wait3A_428 : memref<1x65536xf32, #tpu.memory_space<vmem>> -> memref<65536xf32, #tpu.memory_space<vmem>>
      tpu.wait_dma2 semaphore(%arg9 : memref<!tpu.dma_semaphore, #tpu.memory_space<semaphore_mem>>) src(%dma_wait3A_429 : memref<65536xf32, #tpu.memory_space<vmem>>) dst(%dma_wait3A_426 : memref<65536xf32, #tpu.memory_space<any>>)
      %dma_wait3A_430 = arith.constant 12 : i32
      %dma_wait3A_431 = tpu.memref_slice %arg6[%add3A_277] : memref<16001024xf32, #tpu.memory_space<any>> -> memref<65536xf32, #tpu.memory_space<any>>
      %dma_wait3A_432 = arith.constant 0 : i32
      %dma_wait3A_433 = tpu.memref_slice %arg2[%dma_wait3A_430, %dma_wait3A_432] : memref<16x65536xf32, #tpu.memory_space<vmem>> -> memref<1x65536xf32, #tpu.memory_space<vmem>>
      %dma_wait3A_434 = tpu.memref_squeeze %dma_wait3A_433 : memref<1x65536xf32, #tpu.memory_space<vmem>> -> memref<65536xf32, #tpu.memory_space<vmem>>
      tpu.wait_dma2 semaphore(%arg9 : memref<!tpu.dma_semaphore, #tpu.memory_space<semaphore_mem>>) src(%dma_wait3A_434 : memref<65536xf32, #tpu.memory_space<vmem>>) dst(%dma_wait3A_431 : memref<65536xf32, #tpu.memory_space<any>>)
      %dma_wait3A_435 = arith.constant 13 : i32
      %dma_wait3A_436 = tpu.memref_slice %arg6[%add3A_281] : memref<16001024xf32, #tpu.memory_space<any>> -> memref<65536xf32, #tpu.memory_space<any>>
      %dma_wait3A_437 = arith.constant 0 : i32
      %dma_wait3A_438 = tpu.memref_slice %arg2[%dma_wait3A_435, %dma_wait3A_437] : memref<16x65536xf32, #tpu.memory_space<vmem>> -> memref<1x65536xf32, #tpu.memory_space<vmem>>
      %dma_wait3A_439 = tpu.memref_squeeze %dma_wait3A_438 : memref<1x65536xf32, #tpu.memory_space<vmem>> -> memref<65536xf32, #tpu.memory_space<vmem>>
      tpu.wait_dma2 semaphore(%arg9 : memref<!tpu.dma_semaphore, #tpu.memory_space<semaphore_mem>>) src(%dma_wait3A_439 : memref<65536xf32, #tpu.memory_space<vmem>>) dst(%dma_wait3A_436 : memref<65536xf32, #tpu.memory_space<any>>)
      %dma_wait3A_440 = arith.constant 14 : i32
      %dma_wait3A_441 = tpu.memref_slice %arg6[%add3A_285] : memref<16001024xf32, #tpu.memory_space<any>> -> memref<65536xf32, #tpu.memory_space<any>>
      %dma_wait3A_442 = arith.constant 0 : i32
      %dma_wait3A_443 = tpu.memref_slice %arg2[%dma_wait3A_440, %dma_wait3A_442] : memref<16x65536xf32, #tpu.memory_space<vmem>> -> memref<1x65536xf32, #tpu.memory_space<vmem>>
      %dma_wait3A_444 = tpu.memref_squeeze %dma_wait3A_443 : memref<1x65536xf32, #tpu.memory_space<vmem>> -> memref<65536xf32, #tpu.memory_space<vmem>>
      tpu.wait_dma2 semaphore(%arg9 : memref<!tpu.dma_semaphore, #tpu.memory_space<semaphore_mem>>) src(%dma_wait3A_444 : memref<65536xf32, #tpu.memory_space<vmem>>) dst(%dma_wait3A_441 : memref<65536xf32, #tpu.memory_space<any>>)
      %dma_wait3A_445 = arith.constant 15 : i32
      %dma_wait3A_446 = tpu.memref_slice %arg6[%add3A_289] : memref<16001024xf32, #tpu.memory_space<any>> -> memref<65536xf32, #tpu.memory_space<any>>
      %dma_wait3A_447 = arith.constant 0 : i32
      %dma_wait3A_448 = tpu.memref_slice %arg2[%dma_wait3A_445, %dma_wait3A_447] : memref<16x65536xf32, #tpu.memory_space<vmem>> -> memref<1x65536xf32, #tpu.memory_space<vmem>>
      %dma_wait3A_449 = tpu.memref_squeeze %dma_wait3A_448 : memref<1x65536xf32, #tpu.memory_space<vmem>> -> memref<65536xf32, #tpu.memory_space<vmem>>
      tpu.wait_dma2 semaphore(%arg9 : memref<!tpu.dma_semaphore, #tpu.memory_space<semaphore_mem>>) src(%dma_wait3A_449 : memref<65536xf32, #tpu.memory_space<vmem>>) dst(%dma_wait3A_446 : memref<65536xf32, #tpu.memory_space<any>>)
      %mul3A_450 = arith.constant 65536 : i32
      %mul3A_451 = arith.muli %arg0, %mul3A_450 : i32
      %dma_start3A_452 = arith.constant 0 : i32
      %dma_start3A_453 = tpu.memref_slice %arg7[%mul3A_451] : memref<1000064xf32, #tpu.memory_space<any>> -> memref<65536xf32, #tpu.memory_space<any>>
      %dma_start3A_454 = arith.constant 0 : i32
      %dma_start3A_455 = tpu.memref_slice %arg3[%dma_start3A_452, %dma_start3A_454] : memref<1x65536xf32, #tpu.memory_space<vmem>> -> memref<1x65536xf32, #tpu.memory_space<vmem>>
      %dma_start3A_456 = tpu.memref_squeeze %dma_start3A_455 : memref<1x65536xf32, #tpu.memory_space<vmem>> -> memref<65536xf32, #tpu.memory_space<vmem>>
      tpu.enqueue_dma source(%dma_start3A_456 : memref<65536xf32, #tpu.memory_space<vmem>>) target(%dma_start3A_453 : memref<65536xf32, #tpu.memory_space<any>>) target_semaphore(%arg9 : memref<!tpu.dma_semaphore, #tpu.memory_space<semaphore_mem>>)
      %dma_wait3A_457 = arith.constant 0 : i32
      %dma_wait3A_458 = tpu.memref_slice %arg7[%mul3A_451] : memref<1000064xf32, #tpu.memory_space<any>> -> memref<65536xf32, #tpu.memory_space<any>>
      %dma_wait3A_459 = arith.constant 0 : i32
      %dma_wait3A_460 = tpu.memref_slice %arg3[%dma_wait3A_457, %dma_wait3A_459] : memref<1x65536xf32, #tpu.memory_space<vmem>> -> memref<1x65536xf32, #tpu.memory_space<vmem>>
      %dma_wait3A_461 = tpu.memref_squeeze %dma_wait3A_460 : memref<1x65536xf32, #tpu.memory_space<vmem>> -> memref<65536xf32, #tpu.memory_space<vmem>>
      tpu.wait_dma2 semaphore(%arg9 : memref<!tpu.dma_semaphore, #tpu.memory_space<semaphore_mem>>) src(%dma_wait3A_461 : memref<65536xf32, #tpu.memory_space<vmem>>) dst(%dma_wait3A_458 : memref<65536xf32, #tpu.memory_space<any>>)
      %mul3A_462 = arith.constant 65536 : i32
      %mul3A_463 = arith.muli %arg0, %mul3A_462 : i32
      %dma_start3A_464 = arith.constant 0 : i32
      %dma_start3A_465 = tpu.memref_slice %arg8[%mul3A_463] : memref<1000064xf32, #tpu.memory_space<any>> -> memref<65536xf32, #tpu.memory_space<any>>
      %dma_start3A_466 = arith.constant 0 : i32
      %dma_start3A_467 = tpu.memref_slice %arg4[%dma_start3A_464, %dma_start3A_466] : memref<1x65536xf32, #tpu.memory_space<vmem>> -> memref<1x65536xf32, #tpu.memory_space<vmem>>
      %dma_start3A_468 = tpu.memref_squeeze %dma_start3A_467 : memref<1x65536xf32, #tpu.memory_space<vmem>> -> memref<65536xf32, #tpu.memory_space<vmem>>
      tpu.enqueue_dma source(%dma_start3A_468 : memref<65536xf32, #tpu.memory_space<vmem>>) target(%dma_start3A_465 : memref<65536xf32, #tpu.memory_space<any>>) target_semaphore(%arg9 : memref<!tpu.dma_semaphore, #tpu.memory_space<semaphore_mem>>)
      %dma_wait3A_469 = arith.constant 0 : i32
      %dma_wait3A_470 = tpu.memref_slice %arg8[%mul3A_463] : memref<1000064xf32, #tpu.memory_space<any>> -> memref<65536xf32, #tpu.memory_space<any>>
      %dma_wait3A_471 = arith.constant 0 : i32
      %dma_wait3A_472 = tpu.memref_slice %arg4[%dma_wait3A_469, %dma_wait3A_471] : memref<1x65536xf32, #tpu.memory_space<vmem>> -> memref<1x65536xf32, #tpu.memory_space<vmem>>
      %dma_wait3A_473 = tpu.memref_squeeze %dma_wait3A_472 : memref<1x65536xf32, #tpu.memory_space<vmem>> -> memref<65536xf32, #tpu.memory_space<vmem>>
      tpu.wait_dma2 semaphore(%arg9 : memref<!tpu.dma_semaphore, #tpu.memory_space<semaphore_mem>>) src(%dma_wait3A_473 : memref<65536xf32, #tpu.memory_space<vmem>>) dst(%dma_wait3A_470 : memref<65536xf32, #tpu.memory_space<any>>)
    } else {
    }
    %eq3A = arith.constant 15 : i32
    %eq3A_2 = arith.cmpi eq, %arg0, %eq3A : i32
    %convert_element_type3A_3 = arith.extui %eq3A_2 : i1 to i32
    %cond3A_4 = arith.constant 0 : i32
    %cond3A_5 = arith.cmpi ne, %convert_element_type3A_3, %cond3A_4 : i32
    scf.if %cond3A_5 {
      %mul3A = arith.constant 65536 : i32
      %mul3A_6 = arith.muli %arg0, %mul3A : i32
      %add3A = arith.constant 0 : i32
      %add3A_7 = arith.addi %add3A, %mul3A_6 : i32
      %mul3A_8 = arith.constant 65536 : i32
      %mul3A_9 = arith.muli %arg0, %mul3A_8 : i32
      %add3A_10 = arith.constant 1000064 : i32
      %add3A_11 = arith.addi %add3A_10, %mul3A_9 : i32
      %mul3A_12 = arith.constant 65536 : i32
      %mul3A_13 = arith.muli %arg0, %mul3A_12 : i32
      %add3A_14 = arith.constant 2000128 : i32
      %add3A_15 = arith.addi %add3A_14, %mul3A_13 : i32
      %mul3A_16 = arith.constant 65536 : i32
      %mul3A_17 = arith.muli %arg0, %mul3A_16 : i32
      %add3A_18 = arith.constant 3000192 : i32
      %add3A_19 = arith.addi %add3A_18, %mul3A_17 : i32
      %mul3A_20 = arith.constant 65536 : i32
      %mul3A_21 = arith.muli %arg0, %mul3A_20 : i32
      %add3A_22 = arith.constant 4000256 : i32
      %add3A_23 = arith.addi %add3A_22, %mul3A_21 : i32
      %mul3A_24 = arith.constant 65536 : i32
      %mul3A_25 = arith.muli %arg0, %mul3A_24 : i32
      %add3A_26 = arith.constant 5000320 : i32
      %add3A_27 = arith.addi %add3A_26, %mul3A_25 : i32
      %mul3A_28 = arith.constant 65536 : i32
      %mul3A_29 = arith.muli %arg0, %mul3A_28 : i32
      %add3A_30 = arith.constant 6000384 : i32
      %add3A_31 = arith.addi %add3A_30, %mul3A_29 : i32
      %mul3A_32 = arith.constant 65536 : i32
      %mul3A_33 = arith.muli %arg0, %mul3A_32 : i32
      %add3A_34 = arith.constant 7000448 : i32
      %add3A_35 = arith.addi %add3A_34, %mul3A_33 : i32
      %mul3A_36 = arith.constant 65536 : i32
      %mul3A_37 = arith.muli %arg0, %mul3A_36 : i32
      %add3A_38 = arith.constant 8000512 : i32
      %add3A_39 = arith.addi %add3A_38, %mul3A_37 : i32
      %mul3A_40 = arith.constant 65536 : i32
      %mul3A_41 = arith.muli %arg0, %mul3A_40 : i32
      %add3A_42 = arith.constant 9000576 : i32
      %add3A_43 = arith.addi %add3A_42, %mul3A_41 : i32
      %mul3A_44 = arith.constant 65536 : i32
      %mul3A_45 = arith.muli %arg0, %mul3A_44 : i32
      %add3A_46 = arith.constant 10000640 : i32
      %add3A_47 = arith.addi %add3A_46, %mul3A_45 : i32
      %mul3A_48 = arith.constant 65536 : i32
      %mul3A_49 = arith.muli %arg0, %mul3A_48 : i32
      %add3A_50 = arith.constant 11000704 : i32
      %add3A_51 = arith.addi %add3A_50, %mul3A_49 : i32
      %mul3A_52 = arith.constant 65536 : i32
      %mul3A_53 = arith.muli %arg0, %mul3A_52 : i32
      %add3A_54 = arith.constant 12000768 : i32
      %add3A_55 = arith.addi %add3A_54, %mul3A_53 : i32
      %mul3A_56 = arith.constant 65536 : i32
      %mul3A_57 = arith.muli %arg0, %mul3A_56 : i32
      %add3A_58 = arith.constant 13000832 : i32
      %add3A_59 = arith.addi %add3A_58, %mul3A_57 : i32
      %mul3A_60 = arith.constant 65536 : i32
      %mul3A_61 = arith.muli %arg0, %mul3A_60 : i32
      %add3A_62 = arith.constant 14000896 : i32
      %add3A_63 = arith.addi %add3A_62, %mul3A_61 : i32
      %mul3A_64 = arith.constant 65536 : i32
      %mul3A_65 = arith.muli %arg0, %mul3A_64 : i32
      %add3A_66 = arith.constant 15000960 : i32
      %add3A_67 = arith.addi %add3A_66, %mul3A_65 : i32
      %dma_start3A = arith.constant 0 : i32
      %dma_start3A_68 = tpu.memref_slice %arg5[%add3A_7] : memref<16001024xf32, #tpu.memory_space<any>> -> memref<17024xf32, #tpu.memory_space<any>>
      %dma_start3A_69 = arith.constant 0 : i32
      %dma_start3A_70 = tpu.memref_slice %arg1[%dma_start3A, %dma_start3A_69] : memref<16x65536xf32, #tpu.memory_space<vmem>> -> memref<1x17024xf32, #tpu.memory_space<vmem>>
      %dma_start3A_71 = tpu.memref_squeeze %dma_start3A_70 : memref<1x17024xf32, #tpu.memory_space<vmem>> -> memref<17024xf32, #tpu.memory_space<vmem>>
      tpu.enqueue_dma source(%dma_start3A_71 : memref<17024xf32, #tpu.memory_space<vmem>>) target(%dma_start3A_68 : memref<17024xf32, #tpu.memory_space<any>>) target_semaphore(%arg9 : memref<!tpu.dma_semaphore, #tpu.memory_space<semaphore_mem>>)
      %dma_start3A_72 = arith.constant 1 : i32
      %dma_start3A_73 = tpu.memref_slice %arg5[%add3A_11] : memref<16001024xf32, #tpu.memory_space<any>> -> memref<17024xf32, #tpu.memory_space<any>>
      %dma_start3A_74 = arith.constant 0 : i32
      %dma_start3A_75 = tpu.memref_slice %arg1[%dma_start3A_72, %dma_start3A_74] : memref<16x65536xf32, #tpu.memory_space<vmem>> -> memref<1x17024xf32, #tpu.memory_space<vmem>>
      %dma_start3A_76 = tpu.memref_squeeze %dma_start3A_75 : memref<1x17024xf32, #tpu.memory_space<vmem>> -> memref<17024xf32, #tpu.memory_space<vmem>>
      tpu.enqueue_dma source(%dma_start3A_76 : memref<17024xf32, #tpu.memory_space<vmem>>) target(%dma_start3A_73 : memref<17024xf32, #tpu.memory_space<any>>) target_semaphore(%arg9 : memref<!tpu.dma_semaphore, #tpu.memory_space<semaphore_mem>>)
      %dma_start3A_77 = arith.constant 2 : i32
      %dma_start3A_78 = tpu.memref_slice %arg5[%add3A_15] : memref<16001024xf32, #tpu.memory_space<any>> -> memref<17024xf32, #tpu.memory_space<any>>
      %dma_start3A_79 = arith.constant 0 : i32
      %dma_start3A_80 = tpu.memref_slice %arg1[%dma_start3A_77, %dma_start3A_79] : memref<16x65536xf32, #tpu.memory_space<vmem>> -> memref<1x17024xf32, #tpu.memory_space<vmem>>
      %dma_start3A_81 = tpu.memref_squeeze %dma_start3A_80 : memref<1x17024xf32, #tpu.memory_space<vmem>> -> memref<17024xf32, #tpu.memory_space<vmem>>
      tpu.enqueue_dma source(%dma_start3A_81 : memref<17024xf32, #tpu.memory_space<vmem>>) target(%dma_start3A_78 : memref<17024xf32, #tpu.memory_space<any>>) target_semaphore(%arg9 : memref<!tpu.dma_semaphore, #tpu.memory_space<semaphore_mem>>)
      %dma_start3A_82 = arith.constant 3 : i32
      %dma_start3A_83 = tpu.memref_slice %arg5[%add3A_19] : memref<16001024xf32, #tpu.memory_space<any>> -> memref<17024xf32, #tpu.memory_space<any>>
      %dma_start3A_84 = arith.constant 0 : i32
      %dma_start3A_85 = tpu.memref_slice %arg1[%dma_start3A_82, %dma_start3A_84] : memref<16x65536xf32, #tpu.memory_space<vmem>> -> memref<1x17024xf32, #tpu.memory_space<vmem>>
      %dma_start3A_86 = tpu.memref_squeeze %dma_start3A_85 : memref<1x17024xf32, #tpu.memory_space<vmem>> -> memref<17024xf32, #tpu.memory_space<vmem>>
      tpu.enqueue_dma source(%dma_start3A_86 : memref<17024xf32, #tpu.memory_space<vmem>>) target(%dma_start3A_83 : memref<17024xf32, #tpu.memory_space<any>>) target_semaphore(%arg9 : memref<!tpu.dma_semaphore, #tpu.memory_space<semaphore_mem>>)
      %dma_start3A_87 = arith.constant 4 : i32
      %dma_start3A_88 = tpu.memref_slice %arg5[%add3A_23] : memref<16001024xf32, #tpu.memory_space<any>> -> memref<17024xf32, #tpu.memory_space<any>>
      %dma_start3A_89 = arith.constant 0 : i32
      %dma_start3A_90 = tpu.memref_slice %arg1[%dma_start3A_87, %dma_start3A_89] : memref<16x65536xf32, #tpu.memory_space<vmem>> -> memref<1x17024xf32, #tpu.memory_space<vmem>>
      %dma_start3A_91 = tpu.memref_squeeze %dma_start3A_90 : memref<1x17024xf32, #tpu.memory_space<vmem>> -> memref<17024xf32, #tpu.memory_space<vmem>>
      tpu.enqueue_dma source(%dma_start3A_91 : memref<17024xf32, #tpu.memory_space<vmem>>) target(%dma_start3A_88 : memref<17024xf32, #tpu.memory_space<any>>) target_semaphore(%arg9 : memref<!tpu.dma_semaphore, #tpu.memory_space<semaphore_mem>>)
      %dma_start3A_92 = arith.constant 5 : i32
      %dma_start3A_93 = tpu.memref_slice %arg5[%add3A_27] : memref<16001024xf32, #tpu.memory_space<any>> -> memref<17024xf32, #tpu.memory_space<any>>
      %dma_start3A_94 = arith.constant 0 : i32
      %dma_start3A_95 = tpu.memref_slice %arg1[%dma_start3A_92, %dma_start3A_94] : memref<16x65536xf32, #tpu.memory_space<vmem>> -> memref<1x17024xf32, #tpu.memory_space<vmem>>
      %dma_start3A_96 = tpu.memref_squeeze %dma_start3A_95 : memref<1x17024xf32, #tpu.memory_space<vmem>> -> memref<17024xf32, #tpu.memory_space<vmem>>
      tpu.enqueue_dma source(%dma_start3A_96 : memref<17024xf32, #tpu.memory_space<vmem>>) target(%dma_start3A_93 : memref<17024xf32, #tpu.memory_space<any>>) target_semaphore(%arg9 : memref<!tpu.dma_semaphore, #tpu.memory_space<semaphore_mem>>)
      %dma_start3A_97 = arith.constant 6 : i32
      %dma_start3A_98 = tpu.memref_slice %arg5[%add3A_31] : memref<16001024xf32, #tpu.memory_space<any>> -> memref<17024xf32, #tpu.memory_space<any>>
      %dma_start3A_99 = arith.constant 0 : i32
      %dma_start3A_100 = tpu.memref_slice %arg1[%dma_start3A_97, %dma_start3A_99] : memref<16x65536xf32, #tpu.memory_space<vmem>> -> memref<1x17024xf32, #tpu.memory_space<vmem>>
      %dma_start3A_101 = tpu.memref_squeeze %dma_start3A_100 : memref<1x17024xf32, #tpu.memory_space<vmem>> -> memref<17024xf32, #tpu.memory_space<vmem>>
      tpu.enqueue_dma source(%dma_start3A_101 : memref<17024xf32, #tpu.memory_space<vmem>>) target(%dma_start3A_98 : memref<17024xf32, #tpu.memory_space<any>>) target_semaphore(%arg9 : memref<!tpu.dma_semaphore, #tpu.memory_space<semaphore_mem>>)
      %dma_start3A_102 = arith.constant 7 : i32
      %dma_start3A_103 = tpu.memref_slice %arg5[%add3A_35] : memref<16001024xf32, #tpu.memory_space<any>> -> memref<17024xf32, #tpu.memory_space<any>>
      %dma_start3A_104 = arith.constant 0 : i32
      %dma_start3A_105 = tpu.memref_slice %arg1[%dma_start3A_102, %dma_start3A_104] : memref<16x65536xf32, #tpu.memory_space<vmem>> -> memref<1x17024xf32, #tpu.memory_space<vmem>>
      %dma_start3A_106 = tpu.memref_squeeze %dma_start3A_105 : memref<1x17024xf32, #tpu.memory_space<vmem>> -> memref<17024xf32, #tpu.memory_space<vmem>>
      tpu.enqueue_dma source(%dma_start3A_106 : memref<17024xf32, #tpu.memory_space<vmem>>) target(%dma_start3A_103 : memref<17024xf32, #tpu.memory_space<any>>) target_semaphore(%arg9 : memref<!tpu.dma_semaphore, #tpu.memory_space<semaphore_mem>>)
      %dma_start3A_107 = arith.constant 8 : i32
      %dma_start3A_108 = tpu.memref_slice %arg5[%add3A_39] : memref<16001024xf32, #tpu.memory_space<any>> -> memref<17024xf32, #tpu.memory_space<any>>
      %dma_start3A_109 = arith.constant 0 : i32
      %dma_start3A_110 = tpu.memref_slice %arg1[%dma_start3A_107, %dma_start3A_109] : memref<16x65536xf32, #tpu.memory_space<vmem>> -> memref<1x17024xf32, #tpu.memory_space<vmem>>
      %dma_start3A_111 = tpu.memref_squeeze %dma_start3A_110 : memref<1x17024xf32, #tpu.memory_space<vmem>> -> memref<17024xf32, #tpu.memory_space<vmem>>
      tpu.enqueue_dma source(%dma_start3A_111 : memref<17024xf32, #tpu.memory_space<vmem>>) target(%dma_start3A_108 : memref<17024xf32, #tpu.memory_space<any>>) target_semaphore(%arg9 : memref<!tpu.dma_semaphore, #tpu.memory_space<semaphore_mem>>)
      %dma_start3A_112 = arith.constant 9 : i32
      %dma_start3A_113 = tpu.memref_slice %arg5[%add3A_43] : memref<16001024xf32, #tpu.memory_space<any>> -> memref<17024xf32, #tpu.memory_space<any>>
      %dma_start3A_114 = arith.constant 0 : i32
      %dma_start3A_115 = tpu.memref_slice %arg1[%dma_start3A_112, %dma_start3A_114] : memref<16x65536xf32, #tpu.memory_space<vmem>> -> memref<1x17024xf32, #tpu.memory_space<vmem>>
      %dma_start3A_116 = tpu.memref_squeeze %dma_start3A_115 : memref<1x17024xf32, #tpu.memory_space<vmem>> -> memref<17024xf32, #tpu.memory_space<vmem>>
      tpu.enqueue_dma source(%dma_start3A_116 : memref<17024xf32, #tpu.memory_space<vmem>>) target(%dma_start3A_113 : memref<17024xf32, #tpu.memory_space<any>>) target_semaphore(%arg9 : memref<!tpu.dma_semaphore, #tpu.memory_space<semaphore_mem>>)
      %dma_start3A_117 = arith.constant 10 : i32
      %dma_start3A_118 = tpu.memref_slice %arg5[%add3A_47] : memref<16001024xf32, #tpu.memory_space<any>> -> memref<17024xf32, #tpu.memory_space<any>>
      %dma_start3A_119 = arith.constant 0 : i32
      %dma_start3A_120 = tpu.memref_slice %arg1[%dma_start3A_117, %dma_start3A_119] : memref<16x65536xf32, #tpu.memory_space<vmem>> -> memref<1x17024xf32, #tpu.memory_space<vmem>>
      %dma_start3A_121 = tpu.memref_squeeze %dma_start3A_120 : memref<1x17024xf32, #tpu.memory_space<vmem>> -> memref<17024xf32, #tpu.memory_space<vmem>>
      tpu.enqueue_dma source(%dma_start3A_121 : memref<17024xf32, #tpu.memory_space<vmem>>) target(%dma_start3A_118 : memref<17024xf32, #tpu.memory_space<any>>) target_semaphore(%arg9 : memref<!tpu.dma_semaphore, #tpu.memory_space<semaphore_mem>>)
      %dma_start3A_122 = arith.constant 11 : i32
      %dma_start3A_123 = tpu.memref_slice %arg5[%add3A_51] : memref<16001024xf32, #tpu.memory_space<any>> -> memref<17024xf32, #tpu.memory_space<any>>
      %dma_start3A_124 = arith.constant 0 : i32
      %dma_start3A_125 = tpu.memref_slice %arg1[%dma_start3A_122, %dma_start3A_124] : memref<16x65536xf32, #tpu.memory_space<vmem>> -> memref<1x17024xf32, #tpu.memory_space<vmem>>
      %dma_start3A_126 = tpu.memref_squeeze %dma_start3A_125 : memref<1x17024xf32, #tpu.memory_space<vmem>> -> memref<17024xf32, #tpu.memory_space<vmem>>
      tpu.enqueue_dma source(%dma_start3A_126 : memref<17024xf32, #tpu.memory_space<vmem>>) target(%dma_start3A_123 : memref<17024xf32, #tpu.memory_space<any>>) target_semaphore(%arg9 : memref<!tpu.dma_semaphore, #tpu.memory_space<semaphore_mem>>)
      %dma_start3A_127 = arith.constant 12 : i32
      %dma_start3A_128 = tpu.memref_slice %arg5[%add3A_55] : memref<16001024xf32, #tpu.memory_space<any>> -> memref<17024xf32, #tpu.memory_space<any>>
      %dma_start3A_129 = arith.constant 0 : i32
      %dma_start3A_130 = tpu.memref_slice %arg1[%dma_start3A_127, %dma_start3A_129] : memref<16x65536xf32, #tpu.memory_space<vmem>> -> memref<1x17024xf32, #tpu.memory_space<vmem>>
      %dma_start3A_131 = tpu.memref_squeeze %dma_start3A_130 : memref<1x17024xf32, #tpu.memory_space<vmem>> -> memref<17024xf32, #tpu.memory_space<vmem>>
      tpu.enqueue_dma source(%dma_start3A_131 : memref<17024xf32, #tpu.memory_space<vmem>>) target(%dma_start3A_128 : memref<17024xf32, #tpu.memory_space<any>>) target_semaphore(%arg9 : memref<!tpu.dma_semaphore, #tpu.memory_space<semaphore_mem>>)
      %dma_start3A_132 = arith.constant 13 : i32
      %dma_start3A_133 = tpu.memref_slice %arg5[%add3A_59] : memref<16001024xf32, #tpu.memory_space<any>> -> memref<17024xf32, #tpu.memory_space<any>>
      %dma_start3A_134 = arith.constant 0 : i32
      %dma_start3A_135 = tpu.memref_slice %arg1[%dma_start3A_132, %dma_start3A_134] : memref<16x65536xf32, #tpu.memory_space<vmem>> -> memref<1x17024xf32, #tpu.memory_space<vmem>>
      %dma_start3A_136 = tpu.memref_squeeze %dma_start3A_135 : memref<1x17024xf32, #tpu.memory_space<vmem>> -> memref<17024xf32, #tpu.memory_space<vmem>>
      tpu.enqueue_dma source(%dma_start3A_136 : memref<17024xf32, #tpu.memory_space<vmem>>) target(%dma_start3A_133 : memref<17024xf32, #tpu.memory_space<any>>) target_semaphore(%arg9 : memref<!tpu.dma_semaphore, #tpu.memory_space<semaphore_mem>>)
      %dma_start3A_137 = arith.constant 14 : i32
      %dma_start3A_138 = tpu.memref_slice %arg5[%add3A_63] : memref<16001024xf32, #tpu.memory_space<any>> -> memref<17024xf32, #tpu.memory_space<any>>
      %dma_start3A_139 = arith.constant 0 : i32
      %dma_start3A_140 = tpu.memref_slice %arg1[%dma_start3A_137, %dma_start3A_139] : memref<16x65536xf32, #tpu.memory_space<vmem>> -> memref<1x17024xf32, #tpu.memory_space<vmem>>
      %dma_start3A_141 = tpu.memref_squeeze %dma_start3A_140 : memref<1x17024xf32, #tpu.memory_space<vmem>> -> memref<17024xf32, #tpu.memory_space<vmem>>
      tpu.enqueue_dma source(%dma_start3A_141 : memref<17024xf32, #tpu.memory_space<vmem>>) target(%dma_start3A_138 : memref<17024xf32, #tpu.memory_space<any>>) target_semaphore(%arg9 : memref<!tpu.dma_semaphore, #tpu.memory_space<semaphore_mem>>)
      %dma_start3A_142 = arith.constant 15 : i32
      %dma_start3A_143 = tpu.memref_slice %arg5[%add3A_67] : memref<16001024xf32, #tpu.memory_space<any>> -> memref<17024xf32, #tpu.memory_space<any>>
      %dma_start3A_144 = arith.constant 0 : i32
      %dma_start3A_145 = tpu.memref_slice %arg1[%dma_start3A_142, %dma_start3A_144] : memref<16x65536xf32, #tpu.memory_space<vmem>> -> memref<1x17024xf32, #tpu.memory_space<vmem>>
      %dma_start3A_146 = tpu.memref_squeeze %dma_start3A_145 : memref<1x17024xf32, #tpu.memory_space<vmem>> -> memref<17024xf32, #tpu.memory_space<vmem>>
      tpu.enqueue_dma source(%dma_start3A_146 : memref<17024xf32, #tpu.memory_space<vmem>>) target(%dma_start3A_143 : memref<17024xf32, #tpu.memory_space<any>>) target_semaphore(%arg9 : memref<!tpu.dma_semaphore, #tpu.memory_space<semaphore_mem>>)
      %dma_wait3A = arith.constant 0 : i32
      %dma_wait3A_147 = tpu.memref_slice %arg5[%add3A_7] : memref<16001024xf32, #tpu.memory_space<any>> -> memref<17024xf32, #tpu.memory_space<any>>
      %dma_wait3A_148 = arith.constant 0 : i32
      %dma_wait3A_149 = tpu.memref_slice %arg1[%dma_wait3A, %dma_wait3A_148] : memref<16x65536xf32, #tpu.memory_space<vmem>> -> memref<1x17024xf32, #tpu.memory_space<vmem>>
      %dma_wait3A_150 = tpu.memref_squeeze %dma_wait3A_149 : memref<1x17024xf32, #tpu.memory_space<vmem>> -> memref<17024xf32, #tpu.memory_space<vmem>>
      tpu.wait_dma2 semaphore(%arg9 : memref<!tpu.dma_semaphore, #tpu.memory_space<semaphore_mem>>) src(%dma_wait3A_150 : memref<17024xf32, #tpu.memory_space<vmem>>) dst(%dma_wait3A_147 : memref<17024xf32, #tpu.memory_space<any>>)
      %dma_wait3A_151 = arith.constant 1 : i32
      %dma_wait3A_152 = tpu.memref_slice %arg5[%add3A_11] : memref<16001024xf32, #tpu.memory_space<any>> -> memref<17024xf32, #tpu.memory_space<any>>
      %dma_wait3A_153 = arith.constant 0 : i32
      %dma_wait3A_154 = tpu.memref_slice %arg1[%dma_wait3A_151, %dma_wait3A_153] : memref<16x65536xf32, #tpu.memory_space<vmem>> -> memref<1x17024xf32, #tpu.memory_space<vmem>>
      %dma_wait3A_155 = tpu.memref_squeeze %dma_wait3A_154 : memref<1x17024xf32, #tpu.memory_space<vmem>> -> memref<17024xf32, #tpu.memory_space<vmem>>
      tpu.wait_dma2 semaphore(%arg9 : memref<!tpu.dma_semaphore, #tpu.memory_space<semaphore_mem>>) src(%dma_wait3A_155 : memref<17024xf32, #tpu.memory_space<vmem>>) dst(%dma_wait3A_152 : memref<17024xf32, #tpu.memory_space<any>>)
      %dma_wait3A_156 = arith.constant 2 : i32
      %dma_wait3A_157 = tpu.memref_slice %arg5[%add3A_15] : memref<16001024xf32, #tpu.memory_space<any>> -> memref<17024xf32, #tpu.memory_space<any>>
      %dma_wait3A_158 = arith.constant 0 : i32
      %dma_wait3A_159 = tpu.memref_slice %arg1[%dma_wait3A_156, %dma_wait3A_158] : memref<16x65536xf32, #tpu.memory_space<vmem>> -> memref<1x17024xf32, #tpu.memory_space<vmem>>
      %dma_wait3A_160 = tpu.memref_squeeze %dma_wait3A_159 : memref<1x17024xf32, #tpu.memory_space<vmem>> -> memref<17024xf32, #tpu.memory_space<vmem>>
      tpu.wait_dma2 semaphore(%arg9 : memref<!tpu.dma_semaphore, #tpu.memory_space<semaphore_mem>>) src(%dma_wait3A_160 : memref<17024xf32, #tpu.memory_space<vmem>>) dst(%dma_wait3A_157 : memref<17024xf32, #tpu.memory_space<any>>)
      %dma_wait3A_161 = arith.constant 3 : i32
      %dma_wait3A_162 = tpu.memref_slice %arg5[%add3A_19] : memref<16001024xf32, #tpu.memory_space<any>> -> memref<17024xf32, #tpu.memory_space<any>>
      %dma_wait3A_163 = arith.constant 0 : i32
      %dma_wait3A_164 = tpu.memref_slice %arg1[%dma_wait3A_161, %dma_wait3A_163] : memref<16x65536xf32, #tpu.memory_space<vmem>> -> memref<1x17024xf32, #tpu.memory_space<vmem>>
      %dma_wait3A_165 = tpu.memref_squeeze %dma_wait3A_164 : memref<1x17024xf32, #tpu.memory_space<vmem>> -> memref<17024xf32, #tpu.memory_space<vmem>>
      tpu.wait_dma2 semaphore(%arg9 : memref<!tpu.dma_semaphore, #tpu.memory_space<semaphore_mem>>) src(%dma_wait3A_165 : memref<17024xf32, #tpu.memory_space<vmem>>) dst(%dma_wait3A_162 : memref<17024xf32, #tpu.memory_space<any>>)
      %dma_wait3A_166 = arith.constant 4 : i32
      %dma_wait3A_167 = tpu.memref_slice %arg5[%add3A_23] : memref<16001024xf32, #tpu.memory_space<any>> -> memref<17024xf32, #tpu.memory_space<any>>
      %dma_wait3A_168 = arith.constant 0 : i32
      %dma_wait3A_169 = tpu.memref_slice %arg1[%dma_wait3A_166, %dma_wait3A_168] : memref<16x65536xf32, #tpu.memory_space<vmem>> -> memref<1x17024xf32, #tpu.memory_space<vmem>>
      %dma_wait3A_170 = tpu.memref_squeeze %dma_wait3A_169 : memref<1x17024xf32, #tpu.memory_space<vmem>> -> memref<17024xf32, #tpu.memory_space<vmem>>
      tpu.wait_dma2 semaphore(%arg9 : memref<!tpu.dma_semaphore, #tpu.memory_space<semaphore_mem>>) src(%dma_wait3A_170 : memref<17024xf32, #tpu.memory_space<vmem>>) dst(%dma_wait3A_167 : memref<17024xf32, #tpu.memory_space<any>>)
      %dma_wait3A_171 = arith.constant 5 : i32
      %dma_wait3A_172 = tpu.memref_slice %arg5[%add3A_27] : memref<16001024xf32, #tpu.memory_space<any>> -> memref<17024xf32, #tpu.memory_space<any>>
      %dma_wait3A_173 = arith.constant 0 : i32
      %dma_wait3A_174 = tpu.memref_slice %arg1[%dma_wait3A_171, %dma_wait3A_173] : memref<16x65536xf32, #tpu.memory_space<vmem>> -> memref<1x17024xf32, #tpu.memory_space<vmem>>
      %dma_wait3A_175 = tpu.memref_squeeze %dma_wait3A_174 : memref<1x17024xf32, #tpu.memory_space<vmem>> -> memref<17024xf32, #tpu.memory_space<vmem>>
      tpu.wait_dma2 semaphore(%arg9 : memref<!tpu.dma_semaphore, #tpu.memory_space<semaphore_mem>>) src(%dma_wait3A_175 : memref<17024xf32, #tpu.memory_space<vmem>>) dst(%dma_wait3A_172 : memref<17024xf32, #tpu.memory_space<any>>)
      %dma_wait3A_176 = arith.constant 6 : i32
      %dma_wait3A_177 = tpu.memref_slice %arg5[%add3A_31] : memref<16001024xf32, #tpu.memory_space<any>> -> memref<17024xf32, #tpu.memory_space<any>>
      %dma_wait3A_178 = arith.constant 0 : i32
      %dma_wait3A_179 = tpu.memref_slice %arg1[%dma_wait3A_176, %dma_wait3A_178] : memref<16x65536xf32, #tpu.memory_space<vmem>> -> memref<1x17024xf32, #tpu.memory_space<vmem>>
      %dma_wait3A_180 = tpu.memref_squeeze %dma_wait3A_179 : memref<1x17024xf32, #tpu.memory_space<vmem>> -> memref<17024xf32, #tpu.memory_space<vmem>>
      tpu.wait_dma2 semaphore(%arg9 : memref<!tpu.dma_semaphore, #tpu.memory_space<semaphore_mem>>) src(%dma_wait3A_180 : memref<17024xf32, #tpu.memory_space<vmem>>) dst(%dma_wait3A_177 : memref<17024xf32, #tpu.memory_space<any>>)
      %dma_wait3A_181 = arith.constant 7 : i32
      %dma_wait3A_182 = tpu.memref_slice %arg5[%add3A_35] : memref<16001024xf32, #tpu.memory_space<any>> -> memref<17024xf32, #tpu.memory_space<any>>
      %dma_wait3A_183 = arith.constant 0 : i32
      %dma_wait3A_184 = tpu.memref_slice %arg1[%dma_wait3A_181, %dma_wait3A_183] : memref<16x65536xf32, #tpu.memory_space<vmem>> -> memref<1x17024xf32, #tpu.memory_space<vmem>>
      %dma_wait3A_185 = tpu.memref_squeeze %dma_wait3A_184 : memref<1x17024xf32, #tpu.memory_space<vmem>> -> memref<17024xf32, #tpu.memory_space<vmem>>
      tpu.wait_dma2 semaphore(%arg9 : memref<!tpu.dma_semaphore, #tpu.memory_space<semaphore_mem>>) src(%dma_wait3A_185 : memref<17024xf32, #tpu.memory_space<vmem>>) dst(%dma_wait3A_182 : memref<17024xf32, #tpu.memory_space<any>>)
      %dma_wait3A_186 = arith.constant 8 : i32
      %dma_wait3A_187 = tpu.memref_slice %arg5[%add3A_39] : memref<16001024xf32, #tpu.memory_space<any>> -> memref<17024xf32, #tpu.memory_space<any>>
      %dma_wait3A_188 = arith.constant 0 : i32
      %dma_wait3A_189 = tpu.memref_slice %arg1[%dma_wait3A_186, %dma_wait3A_188] : memref<16x65536xf32, #tpu.memory_space<vmem>> -> memref<1x17024xf32, #tpu.memory_space<vmem>>
      %dma_wait3A_190 = tpu.memref_squeeze %dma_wait3A_189 : memref<1x17024xf32, #tpu.memory_space<vmem>> -> memref<17024xf32, #tpu.memory_space<vmem>>
      tpu.wait_dma2 semaphore(%arg9 : memref<!tpu.dma_semaphore, #tpu.memory_space<semaphore_mem>>) src(%dma_wait3A_190 : memref<17024xf32, #tpu.memory_space<vmem>>) dst(%dma_wait3A_187 : memref<17024xf32, #tpu.memory_space<any>>)
      %dma_wait3A_191 = arith.constant 9 : i32
      %dma_wait3A_192 = tpu.memref_slice %arg5[%add3A_43] : memref<16001024xf32, #tpu.memory_space<any>> -> memref<17024xf32, #tpu.memory_space<any>>
      %dma_wait3A_193 = arith.constant 0 : i32
      %dma_wait3A_194 = tpu.memref_slice %arg1[%dma_wait3A_191, %dma_wait3A_193] : memref<16x65536xf32, #tpu.memory_space<vmem>> -> memref<1x17024xf32, #tpu.memory_space<vmem>>
      %dma_wait3A_195 = tpu.memref_squeeze %dma_wait3A_194 : memref<1x17024xf32, #tpu.memory_space<vmem>> -> memref<17024xf32, #tpu.memory_space<vmem>>
      tpu.wait_dma2 semaphore(%arg9 : memref<!tpu.dma_semaphore, #tpu.memory_space<semaphore_mem>>) src(%dma_wait3A_195 : memref<17024xf32, #tpu.memory_space<vmem>>) dst(%dma_wait3A_192 : memref<17024xf32, #tpu.memory_space<any>>)
      %dma_wait3A_196 = arith.constant 10 : i32
      %dma_wait3A_197 = tpu.memref_slice %arg5[%add3A_47] : memref<16001024xf32, #tpu.memory_space<any>> -> memref<17024xf32, #tpu.memory_space<any>>
      %dma_wait3A_198 = arith.constant 0 : i32
      %dma_wait3A_199 = tpu.memref_slice %arg1[%dma_wait3A_196, %dma_wait3A_198] : memref<16x65536xf32, #tpu.memory_space<vmem>> -> memref<1x17024xf32, #tpu.memory_space<vmem>>
      %dma_wait3A_200 = tpu.memref_squeeze %dma_wait3A_199 : memref<1x17024xf32, #tpu.memory_space<vmem>> -> memref<17024xf32, #tpu.memory_space<vmem>>
      tpu.wait_dma2 semaphore(%arg9 : memref<!tpu.dma_semaphore, #tpu.memory_space<semaphore_mem>>) src(%dma_wait3A_200 : memref<17024xf32, #tpu.memory_space<vmem>>) dst(%dma_wait3A_197 : memref<17024xf32, #tpu.memory_space<any>>)
      %dma_wait3A_201 = arith.constant 11 : i32
      %dma_wait3A_202 = tpu.memref_slice %arg5[%add3A_51] : memref<16001024xf32, #tpu.memory_space<any>> -> memref<17024xf32, #tpu.memory_space<any>>
      %dma_wait3A_203 = arith.constant 0 : i32
      %dma_wait3A_204 = tpu.memref_slice %arg1[%dma_wait3A_201, %dma_wait3A_203] : memref<16x65536xf32, #tpu.memory_space<vmem>> -> memref<1x17024xf32, #tpu.memory_space<vmem>>
      %dma_wait3A_205 = tpu.memref_squeeze %dma_wait3A_204 : memref<1x17024xf32, #tpu.memory_space<vmem>> -> memref<17024xf32, #tpu.memory_space<vmem>>
      tpu.wait_dma2 semaphore(%arg9 : memref<!tpu.dma_semaphore, #tpu.memory_space<semaphore_mem>>) src(%dma_wait3A_205 : memref<17024xf32, #tpu.memory_space<vmem>>) dst(%dma_wait3A_202 : memref<17024xf32, #tpu.memory_space<any>>)
      %dma_wait3A_206 = arith.constant 12 : i32
      %dma_wait3A_207 = tpu.memref_slice %arg5[%add3A_55] : memref<16001024xf32, #tpu.memory_space<any>> -> memref<17024xf32, #tpu.memory_space<any>>
      %dma_wait3A_208 = arith.constant 0 : i32
      %dma_wait3A_209 = tpu.memref_slice %arg1[%dma_wait3A_206, %dma_wait3A_208] : memref<16x65536xf32, #tpu.memory_space<vmem>> -> memref<1x17024xf32, #tpu.memory_space<vmem>>
      %dma_wait3A_210 = tpu.memref_squeeze %dma_wait3A_209 : memref<1x17024xf32, #tpu.memory_space<vmem>> -> memref<17024xf32, #tpu.memory_space<vmem>>
      tpu.wait_dma2 semaphore(%arg9 : memref<!tpu.dma_semaphore, #tpu.memory_space<semaphore_mem>>) src(%dma_wait3A_210 : memref<17024xf32, #tpu.memory_space<vmem>>) dst(%dma_wait3A_207 : memref<17024xf32, #tpu.memory_space<any>>)
      %dma_wait3A_211 = arith.constant 13 : i32
      %dma_wait3A_212 = tpu.memref_slice %arg5[%add3A_59] : memref<16001024xf32, #tpu.memory_space<any>> -> memref<17024xf32, #tpu.memory_space<any>>
      %dma_wait3A_213 = arith.constant 0 : i32
      %dma_wait3A_214 = tpu.memref_slice %arg1[%dma_wait3A_211, %dma_wait3A_213] : memref<16x65536xf32, #tpu.memory_space<vmem>> -> memref<1x17024xf32, #tpu.memory_space<vmem>>
      %dma_wait3A_215 = tpu.memref_squeeze %dma_wait3A_214 : memref<1x17024xf32, #tpu.memory_space<vmem>> -> memref<17024xf32, #tpu.memory_space<vmem>>
      tpu.wait_dma2 semaphore(%arg9 : memref<!tpu.dma_semaphore, #tpu.memory_space<semaphore_mem>>) src(%dma_wait3A_215 : memref<17024xf32, #tpu.memory_space<vmem>>) dst(%dma_wait3A_212 : memref<17024xf32, #tpu.memory_space<any>>)
      %dma_wait3A_216 = arith.constant 14 : i32
      %dma_wait3A_217 = tpu.memref_slice %arg5[%add3A_63] : memref<16001024xf32, #tpu.memory_space<any>> -> memref<17024xf32, #tpu.memory_space<any>>
      %dma_wait3A_218 = arith.constant 0 : i32
      %dma_wait3A_219 = tpu.memref_slice %arg1[%dma_wait3A_216, %dma_wait3A_218] : memref<16x65536xf32, #tpu.memory_space<vmem>> -> memref<1x17024xf32, #tpu.memory_space<vmem>>
      %dma_wait3A_220 = tpu.memref_squeeze %dma_wait3A_219 : memref<1x17024xf32, #tpu.memory_space<vmem>> -> memref<17024xf32, #tpu.memory_space<vmem>>
      tpu.wait_dma2 semaphore(%arg9 : memref<!tpu.dma_semaphore, #tpu.memory_space<semaphore_mem>>) src(%dma_wait3A_220 : memref<17024xf32, #tpu.memory_space<vmem>>) dst(%dma_wait3A_217 : memref<17024xf32, #tpu.memory_space<any>>)
      %dma_wait3A_221 = arith.constant 15 : i32
      %dma_wait3A_222 = tpu.memref_slice %arg5[%add3A_67] : memref<16001024xf32, #tpu.memory_space<any>> -> memref<17024xf32, #tpu.memory_space<any>>
      %dma_wait3A_223 = arith.constant 0 : i32
      %dma_wait3A_224 = tpu.memref_slice %arg1[%dma_wait3A_221, %dma_wait3A_223] : memref<16x65536xf32, #tpu.memory_space<vmem>> -> memref<1x17024xf32, #tpu.memory_space<vmem>>
      %dma_wait3A_225 = tpu.memref_squeeze %dma_wait3A_224 : memref<1x17024xf32, #tpu.memory_space<vmem>> -> memref<17024xf32, #tpu.memory_space<vmem>>
      tpu.wait_dma2 semaphore(%arg9 : memref<!tpu.dma_semaphore, #tpu.memory_space<semaphore_mem>>) src(%dma_wait3A_225 : memref<17024xf32, #tpu.memory_space<vmem>>) dst(%dma_wait3A_222 : memref<17024xf32, #tpu.memory_space<any>>)
      %mul3A_226 = arith.constant 65536 : i32
      %mul3A_227 = arith.muli %arg0, %mul3A_226 : i32
      %add3A_228 = arith.constant 0 : i32
      %add3A_229 = arith.addi %add3A_228, %mul3A_227 : i32
      %mul3A_230 = arith.constant 65536 : i32
      %mul3A_231 = arith.muli %arg0, %mul3A_230 : i32
      %add3A_232 = arith.constant 1000064 : i32
      %add3A_233 = arith.addi %add3A_232, %mul3A_231 : i32
      %mul3A_234 = arith.constant 65536 : i32
      %mul3A_235 = arith.muli %arg0, %mul3A_234 : i32
      %add3A_236 = arith.constant 2000128 : i32
      %add3A_237 = arith.addi %add3A_236, %mul3A_235 : i32
      %mul3A_238 = arith.constant 65536 : i32
      %mul3A_239 = arith.muli %arg0, %mul3A_238 : i32
      %add3A_240 = arith.constant 3000192 : i32
      %add3A_241 = arith.addi %add3A_240, %mul3A_239 : i32
      %mul3A_242 = arith.constant 65536 : i32
      %mul3A_243 = arith.muli %arg0, %mul3A_242 : i32
      %add3A_244 = arith.constant 4000256 : i32
      %add3A_245 = arith.addi %add3A_244, %mul3A_243 : i32
      %mul3A_246 = arith.constant 65536 : i32
      %mul3A_247 = arith.muli %arg0, %mul3A_246 : i32
      %add3A_248 = arith.constant 5000320 : i32
      %add3A_249 = arith.addi %add3A_248, %mul3A_247 : i32
      %mul3A_250 = arith.constant 65536 : i32
      %mul3A_251 = arith.muli %arg0, %mul3A_250 : i32
      %add3A_252 = arith.constant 6000384 : i32
      %add3A_253 = arith.addi %add3A_252, %mul3A_251 : i32
      %mul3A_254 = arith.constant 65536 : i32
      %mul3A_255 = arith.muli %arg0, %mul3A_254 : i32
      %add3A_256 = arith.constant 7000448 : i32
      %add3A_257 = arith.addi %add3A_256, %mul3A_255 : i32
      %mul3A_258 = arith.constant 65536 : i32
      %mul3A_259 = arith.muli %arg0, %mul3A_258 : i32
      %add3A_260 = arith.constant 8000512 : i32
      %add3A_261 = arith.addi %add3A_260, %mul3A_259 : i32
      %mul3A_262 = arith.constant 65536 : i32
      %mul3A_263 = arith.muli %arg0, %mul3A_262 : i32
      %add3A_264 = arith.constant 9000576 : i32
      %add3A_265 = arith.addi %add3A_264, %mul3A_263 : i32
      %mul3A_266 = arith.constant 65536 : i32
      %mul3A_267 = arith.muli %arg0, %mul3A_266 : i32
      %add3A_268 = arith.constant 10000640 : i32
      %add3A_269 = arith.addi %add3A_268, %mul3A_267 : i32
      %mul3A_270 = arith.constant 65536 : i32
      %mul3A_271 = arith.muli %arg0, %mul3A_270 : i32
      %add3A_272 = arith.constant 11000704 : i32
      %add3A_273 = arith.addi %add3A_272, %mul3A_271 : i32
      %mul3A_274 = arith.constant 65536 : i32
      %mul3A_275 = arith.muli %arg0, %mul3A_274 : i32
      %add3A_276 = arith.constant 12000768 : i32
      %add3A_277 = arith.addi %add3A_276, %mul3A_275 : i32
      %mul3A_278 = arith.constant 65536 : i32
      %mul3A_279 = arith.muli %arg0, %mul3A_278 : i32
      %add3A_280 = arith.constant 13000832 : i32
      %add3A_281 = arith.addi %add3A_280, %mul3A_279 : i32
      %mul3A_282 = arith.constant 65536 : i32
      %mul3A_283 = arith.muli %arg0, %mul3A_282 : i32
      %add3A_284 = arith.constant 14000896 : i32
      %add3A_285 = arith.addi %add3A_284, %mul3A_283 : i32
      %mul3A_286 = arith.constant 65536 : i32
      %mul3A_287 = arith.muli %arg0, %mul3A_286 : i32
      %add3A_288 = arith.constant 15000960 : i32
      %add3A_289 = arith.addi %add3A_288, %mul3A_287 : i32
      %dma_start3A_290 = arith.constant 0 : i32
      %dma_start3A_291 = tpu.memref_slice %arg6[%add3A_229] : memref<16001024xf32, #tpu.memory_space<any>> -> memref<17024xf32, #tpu.memory_space<any>>
      %dma_start3A_292 = arith.constant 0 : i32
      %dma_start3A_293 = tpu.memref_slice %arg2[%dma_start3A_290, %dma_start3A_292] : memref<16x65536xf32, #tpu.memory_space<vmem>> -> memref<1x17024xf32, #tpu.memory_space<vmem>>
      %dma_start3A_294 = tpu.memref_squeeze %dma_start3A_293 : memref<1x17024xf32, #tpu.memory_space<vmem>> -> memref<17024xf32, #tpu.memory_space<vmem>>
      tpu.enqueue_dma source(%dma_start3A_294 : memref<17024xf32, #tpu.memory_space<vmem>>) target(%dma_start3A_291 : memref<17024xf32, #tpu.memory_space<any>>) target_semaphore(%arg9 : memref<!tpu.dma_semaphore, #tpu.memory_space<semaphore_mem>>)
      %dma_start3A_295 = arith.constant 1 : i32
      %dma_start3A_296 = tpu.memref_slice %arg6[%add3A_233] : memref<16001024xf32, #tpu.memory_space<any>> -> memref<17024xf32, #tpu.memory_space<any>>
      %dma_start3A_297 = arith.constant 0 : i32
      %dma_start3A_298 = tpu.memref_slice %arg2[%dma_start3A_295, %dma_start3A_297] : memref<16x65536xf32, #tpu.memory_space<vmem>> -> memref<1x17024xf32, #tpu.memory_space<vmem>>
      %dma_start3A_299 = tpu.memref_squeeze %dma_start3A_298 : memref<1x17024xf32, #tpu.memory_space<vmem>> -> memref<17024xf32, #tpu.memory_space<vmem>>
      tpu.enqueue_dma source(%dma_start3A_299 : memref<17024xf32, #tpu.memory_space<vmem>>) target(%dma_start3A_296 : memref<17024xf32, #tpu.memory_space<any>>) target_semaphore(%arg9 : memref<!tpu.dma_semaphore, #tpu.memory_space<semaphore_mem>>)
      %dma_start3A_300 = arith.constant 2 : i32
      %dma_start3A_301 = tpu.memref_slice %arg6[%add3A_237] : memref<16001024xf32, #tpu.memory_space<any>> -> memref<17024xf32, #tpu.memory_space<any>>
      %dma_start3A_302 = arith.constant 0 : i32
      %dma_start3A_303 = tpu.memref_slice %arg2[%dma_start3A_300, %dma_start3A_302] : memref<16x65536xf32, #tpu.memory_space<vmem>> -> memref<1x17024xf32, #tpu.memory_space<vmem>>
      %dma_start3A_304 = tpu.memref_squeeze %dma_start3A_303 : memref<1x17024xf32, #tpu.memory_space<vmem>> -> memref<17024xf32, #tpu.memory_space<vmem>>
      tpu.enqueue_dma source(%dma_start3A_304 : memref<17024xf32, #tpu.memory_space<vmem>>) target(%dma_start3A_301 : memref<17024xf32, #tpu.memory_space<any>>) target_semaphore(%arg9 : memref<!tpu.dma_semaphore, #tpu.memory_space<semaphore_mem>>)
      %dma_start3A_305 = arith.constant 3 : i32
      %dma_start3A_306 = tpu.memref_slice %arg6[%add3A_241] : memref<16001024xf32, #tpu.memory_space<any>> -> memref<17024xf32, #tpu.memory_space<any>>
      %dma_start3A_307 = arith.constant 0 : i32
      %dma_start3A_308 = tpu.memref_slice %arg2[%dma_start3A_305, %dma_start3A_307] : memref<16x65536xf32, #tpu.memory_space<vmem>> -> memref<1x17024xf32, #tpu.memory_space<vmem>>
      %dma_start3A_309 = tpu.memref_squeeze %dma_start3A_308 : memref<1x17024xf32, #tpu.memory_space<vmem>> -> memref<17024xf32, #tpu.memory_space<vmem>>
      tpu.enqueue_dma source(%dma_start3A_309 : memref<17024xf32, #tpu.memory_space<vmem>>) target(%dma_start3A_306 : memref<17024xf32, #tpu.memory_space<any>>) target_semaphore(%arg9 : memref<!tpu.dma_semaphore, #tpu.memory_space<semaphore_mem>>)
      %dma_start3A_310 = arith.constant 4 : i32
      %dma_start3A_311 = tpu.memref_slice %arg6[%add3A_245] : memref<16001024xf32, #tpu.memory_space<any>> -> memref<17024xf32, #tpu.memory_space<any>>
      %dma_start3A_312 = arith.constant 0 : i32
      %dma_start3A_313 = tpu.memref_slice %arg2[%dma_start3A_310, %dma_start3A_312] : memref<16x65536xf32, #tpu.memory_space<vmem>> -> memref<1x17024xf32, #tpu.memory_space<vmem>>
      %dma_start3A_314 = tpu.memref_squeeze %dma_start3A_313 : memref<1x17024xf32, #tpu.memory_space<vmem>> -> memref<17024xf32, #tpu.memory_space<vmem>>
      tpu.enqueue_dma source(%dma_start3A_314 : memref<17024xf32, #tpu.memory_space<vmem>>) target(%dma_start3A_311 : memref<17024xf32, #tpu.memory_space<any>>) target_semaphore(%arg9 : memref<!tpu.dma_semaphore, #tpu.memory_space<semaphore_mem>>)
      %dma_start3A_315 = arith.constant 5 : i32
      %dma_start3A_316 = tpu.memref_slice %arg6[%add3A_249] : memref<16001024xf32, #tpu.memory_space<any>> -> memref<17024xf32, #tpu.memory_space<any>>
      %dma_start3A_317 = arith.constant 0 : i32
      %dma_start3A_318 = tpu.memref_slice %arg2[%dma_start3A_315, %dma_start3A_317] : memref<16x65536xf32, #tpu.memory_space<vmem>> -> memref<1x17024xf32, #tpu.memory_space<vmem>>
      %dma_start3A_319 = tpu.memref_squeeze %dma_start3A_318 : memref<1x17024xf32, #tpu.memory_space<vmem>> -> memref<17024xf32, #tpu.memory_space<vmem>>
      tpu.enqueue_dma source(%dma_start3A_319 : memref<17024xf32, #tpu.memory_space<vmem>>) target(%dma_start3A_316 : memref<17024xf32, #tpu.memory_space<any>>) target_semaphore(%arg9 : memref<!tpu.dma_semaphore, #tpu.memory_space<semaphore_mem>>)
      %dma_start3A_320 = arith.constant 6 : i32
      %dma_start3A_321 = tpu.memref_slice %arg6[%add3A_253] : memref<16001024xf32, #tpu.memory_space<any>> -> memref<17024xf32, #tpu.memory_space<any>>
      %dma_start3A_322 = arith.constant 0 : i32
      %dma_start3A_323 = tpu.memref_slice %arg2[%dma_start3A_320, %dma_start3A_322] : memref<16x65536xf32, #tpu.memory_space<vmem>> -> memref<1x17024xf32, #tpu.memory_space<vmem>>
      %dma_start3A_324 = tpu.memref_squeeze %dma_start3A_323 : memref<1x17024xf32, #tpu.memory_space<vmem>> -> memref<17024xf32, #tpu.memory_space<vmem>>
      tpu.enqueue_dma source(%dma_start3A_324 : memref<17024xf32, #tpu.memory_space<vmem>>) target(%dma_start3A_321 : memref<17024xf32, #tpu.memory_space<any>>) target_semaphore(%arg9 : memref<!tpu.dma_semaphore, #tpu.memory_space<semaphore_mem>>)
      %dma_start3A_325 = arith.constant 7 : i32
      %dma_start3A_326 = tpu.memref_slice %arg6[%add3A_257] : memref<16001024xf32, #tpu.memory_space<any>> -> memref<17024xf32, #tpu.memory_space<any>>
      %dma_start3A_327 = arith.constant 0 : i32
      %dma_start3A_328 = tpu.memref_slice %arg2[%dma_start3A_325, %dma_start3A_327] : memref<16x65536xf32, #tpu.memory_space<vmem>> -> memref<1x17024xf32, #tpu.memory_space<vmem>>
      %dma_start3A_329 = tpu.memref_squeeze %dma_start3A_328 : memref<1x17024xf32, #tpu.memory_space<vmem>> -> memref<17024xf32, #tpu.memory_space<vmem>>
      tpu.enqueue_dma source(%dma_start3A_329 : memref<17024xf32, #tpu.memory_space<vmem>>) target(%dma_start3A_326 : memref<17024xf32, #tpu.memory_space<any>>) target_semaphore(%arg9 : memref<!tpu.dma_semaphore, #tpu.memory_space<semaphore_mem>>)
      %dma_start3A_330 = arith.constant 8 : i32
      %dma_start3A_331 = tpu.memref_slice %arg6[%add3A_261] : memref<16001024xf32, #tpu.memory_space<any>> -> memref<17024xf32, #tpu.memory_space<any>>
      %dma_start3A_332 = arith.constant 0 : i32
      %dma_start3A_333 = tpu.memref_slice %arg2[%dma_start3A_330, %dma_start3A_332] : memref<16x65536xf32, #tpu.memory_space<vmem>> -> memref<1x17024xf32, #tpu.memory_space<vmem>>
      %dma_start3A_334 = tpu.memref_squeeze %dma_start3A_333 : memref<1x17024xf32, #tpu.memory_space<vmem>> -> memref<17024xf32, #tpu.memory_space<vmem>>
      tpu.enqueue_dma source(%dma_start3A_334 : memref<17024xf32, #tpu.memory_space<vmem>>) target(%dma_start3A_331 : memref<17024xf32, #tpu.memory_space<any>>) target_semaphore(%arg9 : memref<!tpu.dma_semaphore, #tpu.memory_space<semaphore_mem>>)
      %dma_start3A_335 = arith.constant 9 : i32
      %dma_start3A_336 = tpu.memref_slice %arg6[%add3A_265] : memref<16001024xf32, #tpu.memory_space<any>> -> memref<17024xf32, #tpu.memory_space<any>>
      %dma_start3A_337 = arith.constant 0 : i32
      %dma_start3A_338 = tpu.memref_slice %arg2[%dma_start3A_335, %dma_start3A_337] : memref<16x65536xf32, #tpu.memory_space<vmem>> -> memref<1x17024xf32, #tpu.memory_space<vmem>>
      %dma_start3A_339 = tpu.memref_squeeze %dma_start3A_338 : memref<1x17024xf32, #tpu.memory_space<vmem>> -> memref<17024xf32, #tpu.memory_space<vmem>>
      tpu.enqueue_dma source(%dma_start3A_339 : memref<17024xf32, #tpu.memory_space<vmem>>) target(%dma_start3A_336 : memref<17024xf32, #tpu.memory_space<any>>) target_semaphore(%arg9 : memref<!tpu.dma_semaphore, #tpu.memory_space<semaphore_mem>>)
      %dma_start3A_340 = arith.constant 10 : i32
      %dma_start3A_341 = tpu.memref_slice %arg6[%add3A_269] : memref<16001024xf32, #tpu.memory_space<any>> -> memref<17024xf32, #tpu.memory_space<any>>
      %dma_start3A_342 = arith.constant 0 : i32
      %dma_start3A_343 = tpu.memref_slice %arg2[%dma_start3A_340, %dma_start3A_342] : memref<16x65536xf32, #tpu.memory_space<vmem>> -> memref<1x17024xf32, #tpu.memory_space<vmem>>
      %dma_start3A_344 = tpu.memref_squeeze %dma_start3A_343 : memref<1x17024xf32, #tpu.memory_space<vmem>> -> memref<17024xf32, #tpu.memory_space<vmem>>
      tpu.enqueue_dma source(%dma_start3A_344 : memref<17024xf32, #tpu.memory_space<vmem>>) target(%dma_start3A_341 : memref<17024xf32, #tpu.memory_space<any>>) target_semaphore(%arg9 : memref<!tpu.dma_semaphore, #tpu.memory_space<semaphore_mem>>)
      %dma_start3A_345 = arith.constant 11 : i32
      %dma_start3A_346 = tpu.memref_slice %arg6[%add3A_273] : memref<16001024xf32, #tpu.memory_space<any>> -> memref<17024xf32, #tpu.memory_space<any>>
      %dma_start3A_347 = arith.constant 0 : i32
      %dma_start3A_348 = tpu.memref_slice %arg2[%dma_start3A_345, %dma_start3A_347] : memref<16x65536xf32, #tpu.memory_space<vmem>> -> memref<1x17024xf32, #tpu.memory_space<vmem>>
      %dma_start3A_349 = tpu.memref_squeeze %dma_start3A_348 : memref<1x17024xf32, #tpu.memory_space<vmem>> -> memref<17024xf32, #tpu.memory_space<vmem>>
      tpu.enqueue_dma source(%dma_start3A_349 : memref<17024xf32, #tpu.memory_space<vmem>>) target(%dma_start3A_346 : memref<17024xf32, #tpu.memory_space<any>>) target_semaphore(%arg9 : memref<!tpu.dma_semaphore, #tpu.memory_space<semaphore_mem>>)
      %dma_start3A_350 = arith.constant 12 : i32
      %dma_start3A_351 = tpu.memref_slice %arg6[%add3A_277] : memref<16001024xf32, #tpu.memory_space<any>> -> memref<17024xf32, #tpu.memory_space<any>>
      %dma_start3A_352 = arith.constant 0 : i32
      %dma_start3A_353 = tpu.memref_slice %arg2[%dma_start3A_350, %dma_start3A_352] : memref<16x65536xf32, #tpu.memory_space<vmem>> -> memref<1x17024xf32, #tpu.memory_space<vmem>>
      %dma_start3A_354 = tpu.memref_squeeze %dma_start3A_353 : memref<1x17024xf32, #tpu.memory_space<vmem>> -> memref<17024xf32, #tpu.memory_space<vmem>>
      tpu.enqueue_dma source(%dma_start3A_354 : memref<17024xf32, #tpu.memory_space<vmem>>) target(%dma_start3A_351 : memref<17024xf32, #tpu.memory_space<any>>) target_semaphore(%arg9 : memref<!tpu.dma_semaphore, #tpu.memory_space<semaphore_mem>>)
      %dma_start3A_355 = arith.constant 13 : i32
      %dma_start3A_356 = tpu.memref_slice %arg6[%add3A_281] : memref<16001024xf32, #tpu.memory_space<any>> -> memref<17024xf32, #tpu.memory_space<any>>
      %dma_start3A_357 = arith.constant 0 : i32
      %dma_start3A_358 = tpu.memref_slice %arg2[%dma_start3A_355, %dma_start3A_357] : memref<16x65536xf32, #tpu.memory_space<vmem>> -> memref<1x17024xf32, #tpu.memory_space<vmem>>
      %dma_start3A_359 = tpu.memref_squeeze %dma_start3A_358 : memref<1x17024xf32, #tpu.memory_space<vmem>> -> memref<17024xf32, #tpu.memory_space<vmem>>
      tpu.enqueue_dma source(%dma_start3A_359 : memref<17024xf32, #tpu.memory_space<vmem>>) target(%dma_start3A_356 : memref<17024xf32, #tpu.memory_space<any>>) target_semaphore(%arg9 : memref<!tpu.dma_semaphore, #tpu.memory_space<semaphore_mem>>)
      %dma_start3A_360 = arith.constant 14 : i32
      %dma_start3A_361 = tpu.memref_slice %arg6[%add3A_285] : memref<16001024xf32, #tpu.memory_space<any>> -> memref<17024xf32, #tpu.memory_space<any>>
      %dma_start3A_362 = arith.constant 0 : i32
      %dma_start3A_363 = tpu.memref_slice %arg2[%dma_start3A_360, %dma_start3A_362] : memref<16x65536xf32, #tpu.memory_space<vmem>> -> memref<1x17024xf32, #tpu.memory_space<vmem>>
      %dma_start3A_364 = tpu.memref_squeeze %dma_start3A_363 : memref<1x17024xf32, #tpu.memory_space<vmem>> -> memref<17024xf32, #tpu.memory_space<vmem>>
      tpu.enqueue_dma source(%dma_start3A_364 : memref<17024xf32, #tpu.memory_space<vmem>>) target(%dma_start3A_361 : memref<17024xf32, #tpu.memory_space<any>>) target_semaphore(%arg9 : memref<!tpu.dma_semaphore, #tpu.memory_space<semaphore_mem>>)
      %dma_start3A_365 = arith.constant 15 : i32
      %dma_start3A_366 = tpu.memref_slice %arg6[%add3A_289] : memref<16001024xf32, #tpu.memory_space<any>> -> memref<17024xf32, #tpu.memory_space<any>>
      %dma_start3A_367 = arith.constant 0 : i32
      %dma_start3A_368 = tpu.memref_slice %arg2[%dma_start3A_365, %dma_start3A_367] : memref<16x65536xf32, #tpu.memory_space<vmem>> -> memref<1x17024xf32, #tpu.memory_space<vmem>>
      %dma_start3A_369 = tpu.memref_squeeze %dma_start3A_368 : memref<1x17024xf32, #tpu.memory_space<vmem>> -> memref<17024xf32, #tpu.memory_space<vmem>>
      tpu.enqueue_dma source(%dma_start3A_369 : memref<17024xf32, #tpu.memory_space<vmem>>) target(%dma_start3A_366 : memref<17024xf32, #tpu.memory_space<any>>) target_semaphore(%arg9 : memref<!tpu.dma_semaphore, #tpu.memory_space<semaphore_mem>>)
      %dma_wait3A_370 = arith.constant 0 : i32
      %dma_wait3A_371 = tpu.memref_slice %arg6[%add3A_229] : memref<16001024xf32, #tpu.memory_space<any>> -> memref<17024xf32, #tpu.memory_space<any>>
      %dma_wait3A_372 = arith.constant 0 : i32
      %dma_wait3A_373 = tpu.memref_slice %arg2[%dma_wait3A_370, %dma_wait3A_372] : memref<16x65536xf32, #tpu.memory_space<vmem>> -> memref<1x17024xf32, #tpu.memory_space<vmem>>
      %dma_wait3A_374 = tpu.memref_squeeze %dma_wait3A_373 : memref<1x17024xf32, #tpu.memory_space<vmem>> -> memref<17024xf32, #tpu.memory_space<vmem>>
      tpu.wait_dma2 semaphore(%arg9 : memref<!tpu.dma_semaphore, #tpu.memory_space<semaphore_mem>>) src(%dma_wait3A_374 : memref<17024xf32, #tpu.memory_space<vmem>>) dst(%dma_wait3A_371 : memref<17024xf32, #tpu.memory_space<any>>)
      %dma_wait3A_375 = arith.constant 1 : i32
      %dma_wait3A_376 = tpu.memref_slice %arg6[%add3A_233] : memref<16001024xf32, #tpu.memory_space<any>> -> memref<17024xf32, #tpu.memory_space<any>>
      %dma_wait3A_377 = arith.constant 0 : i32
      %dma_wait3A_378 = tpu.memref_slice %arg2[%dma_wait3A_375, %dma_wait3A_377] : memref<16x65536xf32, #tpu.memory_space<vmem>> -> memref<1x17024xf32, #tpu.memory_space<vmem>>
      %dma_wait3A_379 = tpu.memref_squeeze %dma_wait3A_378 : memref<1x17024xf32, #tpu.memory_space<vmem>> -> memref<17024xf32, #tpu.memory_space<vmem>>
      tpu.wait_dma2 semaphore(%arg9 : memref<!tpu.dma_semaphore, #tpu.memory_space<semaphore_mem>>) src(%dma_wait3A_379 : memref<17024xf32, #tpu.memory_space<vmem>>) dst(%dma_wait3A_376 : memref<17024xf32, #tpu.memory_space<any>>)
      %dma_wait3A_380 = arith.constant 2 : i32
      %dma_wait3A_381 = tpu.memref_slice %arg6[%add3A_237] : memref<16001024xf32, #tpu.memory_space<any>> -> memref<17024xf32, #tpu.memory_space<any>>
      %dma_wait3A_382 = arith.constant 0 : i32
      %dma_wait3A_383 = tpu.memref_slice %arg2[%dma_wait3A_380, %dma_wait3A_382] : memref<16x65536xf32, #tpu.memory_space<vmem>> -> memref<1x17024xf32, #tpu.memory_space<vmem>>
      %dma_wait3A_384 = tpu.memref_squeeze %dma_wait3A_383 : memref<1x17024xf32, #tpu.memory_space<vmem>> -> memref<17024xf32, #tpu.memory_space<vmem>>
      tpu.wait_dma2 semaphore(%arg9 : memref<!tpu.dma_semaphore, #tpu.memory_space<semaphore_mem>>) src(%dma_wait3A_384 : memref<17024xf32, #tpu.memory_space<vmem>>) dst(%dma_wait3A_381 : memref<17024xf32, #tpu.memory_space<any>>)
      %dma_wait3A_385 = arith.constant 3 : i32
      %dma_wait3A_386 = tpu.memref_slice %arg6[%add3A_241] : memref<16001024xf32, #tpu.memory_space<any>> -> memref<17024xf32, #tpu.memory_space<any>>
      %dma_wait3A_387 = arith.constant 0 : i32
      %dma_wait3A_388 = tpu.memref_slice %arg2[%dma_wait3A_385, %dma_wait3A_387] : memref<16x65536xf32, #tpu.memory_space<vmem>> -> memref<1x17024xf32, #tpu.memory_space<vmem>>
      %dma_wait3A_389 = tpu.memref_squeeze %dma_wait3A_388 : memref<1x17024xf32, #tpu.memory_space<vmem>> -> memref<17024xf32, #tpu.memory_space<vmem>>
      tpu.wait_dma2 semaphore(%arg9 : memref<!tpu.dma_semaphore, #tpu.memory_space<semaphore_mem>>) src(%dma_wait3A_389 : memref<17024xf32, #tpu.memory_space<vmem>>) dst(%dma_wait3A_386 : memref<17024xf32, #tpu.memory_space<any>>)
      %dma_wait3A_390 = arith.constant 4 : i32
      %dma_wait3A_391 = tpu.memref_slice %arg6[%add3A_245] : memref<16001024xf32, #tpu.memory_space<any>> -> memref<17024xf32, #tpu.memory_space<any>>
      %dma_wait3A_392 = arith.constant 0 : i32
      %dma_wait3A_393 = tpu.memref_slice %arg2[%dma_wait3A_390, %dma_wait3A_392] : memref<16x65536xf32, #tpu.memory_space<vmem>> -> memref<1x17024xf32, #tpu.memory_space<vmem>>
      %dma_wait3A_394 = tpu.memref_squeeze %dma_wait3A_393 : memref<1x17024xf32, #tpu.memory_space<vmem>> -> memref<17024xf32, #tpu.memory_space<vmem>>
      tpu.wait_dma2 semaphore(%arg9 : memref<!tpu.dma_semaphore, #tpu.memory_space<semaphore_mem>>) src(%dma_wait3A_394 : memref<17024xf32, #tpu.memory_space<vmem>>) dst(%dma_wait3A_391 : memref<17024xf32, #tpu.memory_space<any>>)
      %dma_wait3A_395 = arith.constant 5 : i32
      %dma_wait3A_396 = tpu.memref_slice %arg6[%add3A_249] : memref<16001024xf32, #tpu.memory_space<any>> -> memref<17024xf32, #tpu.memory_space<any>>
      %dma_wait3A_397 = arith.constant 0 : i32
      %dma_wait3A_398 = tpu.memref_slice %arg2[%dma_wait3A_395, %dma_wait3A_397] : memref<16x65536xf32, #tpu.memory_space<vmem>> -> memref<1x17024xf32, #tpu.memory_space<vmem>>
      %dma_wait3A_399 = tpu.memref_squeeze %dma_wait3A_398 : memref<1x17024xf32, #tpu.memory_space<vmem>> -> memref<17024xf32, #tpu.memory_space<vmem>>
      tpu.wait_dma2 semaphore(%arg9 : memref<!tpu.dma_semaphore, #tpu.memory_space<semaphore_mem>>) src(%dma_wait3A_399 : memref<17024xf32, #tpu.memory_space<vmem>>) dst(%dma_wait3A_396 : memref<17024xf32, #tpu.memory_space<any>>)
      %dma_wait3A_400 = arith.constant 6 : i32
      %dma_wait3A_401 = tpu.memref_slice %arg6[%add3A_253] : memref<16001024xf32, #tpu.memory_space<any>> -> memref<17024xf32, #tpu.memory_space<any>>
      %dma_wait3A_402 = arith.constant 0 : i32
      %dma_wait3A_403 = tpu.memref_slice %arg2[%dma_wait3A_400, %dma_wait3A_402] : memref<16x65536xf32, #tpu.memory_space<vmem>> -> memref<1x17024xf32, #tpu.memory_space<vmem>>
      %dma_wait3A_404 = tpu.memref_squeeze %dma_wait3A_403 : memref<1x17024xf32, #tpu.memory_space<vmem>> -> memref<17024xf32, #tpu.memory_space<vmem>>
      tpu.wait_dma2 semaphore(%arg9 : memref<!tpu.dma_semaphore, #tpu.memory_space<semaphore_mem>>) src(%dma_wait3A_404 : memref<17024xf32, #tpu.memory_space<vmem>>) dst(%dma_wait3A_401 : memref<17024xf32, #tpu.memory_space<any>>)
      %dma_wait3A_405 = arith.constant 7 : i32
      %dma_wait3A_406 = tpu.memref_slice %arg6[%add3A_257] : memref<16001024xf32, #tpu.memory_space<any>> -> memref<17024xf32, #tpu.memory_space<any>>
      %dma_wait3A_407 = arith.constant 0 : i32
      %dma_wait3A_408 = tpu.memref_slice %arg2[%dma_wait3A_405, %dma_wait3A_407] : memref<16x65536xf32, #tpu.memory_space<vmem>> -> memref<1x17024xf32, #tpu.memory_space<vmem>>
      %dma_wait3A_409 = tpu.memref_squeeze %dma_wait3A_408 : memref<1x17024xf32, #tpu.memory_space<vmem>> -> memref<17024xf32, #tpu.memory_space<vmem>>
      tpu.wait_dma2 semaphore(%arg9 : memref<!tpu.dma_semaphore, #tpu.memory_space<semaphore_mem>>) src(%dma_wait3A_409 : memref<17024xf32, #tpu.memory_space<vmem>>) dst(%dma_wait3A_406 : memref<17024xf32, #tpu.memory_space<any>>)
      %dma_wait3A_410 = arith.constant 8 : i32
      %dma_wait3A_411 = tpu.memref_slice %arg6[%add3A_261] : memref<16001024xf32, #tpu.memory_space<any>> -> memref<17024xf32, #tpu.memory_space<any>>
      %dma_wait3A_412 = arith.constant 0 : i32
      %dma_wait3A_413 = tpu.memref_slice %arg2[%dma_wait3A_410, %dma_wait3A_412] : memref<16x65536xf32, #tpu.memory_space<vmem>> -> memref<1x17024xf32, #tpu.memory_space<vmem>>
      %dma_wait3A_414 = tpu.memref_squeeze %dma_wait3A_413 : memref<1x17024xf32, #tpu.memory_space<vmem>> -> memref<17024xf32, #tpu.memory_space<vmem>>
      tpu.wait_dma2 semaphore(%arg9 : memref<!tpu.dma_semaphore, #tpu.memory_space<semaphore_mem>>) src(%dma_wait3A_414 : memref<17024xf32, #tpu.memory_space<vmem>>) dst(%dma_wait3A_411 : memref<17024xf32, #tpu.memory_space<any>>)
      %dma_wait3A_415 = arith.constant 9 : i32
      %dma_wait3A_416 = tpu.memref_slice %arg6[%add3A_265] : memref<16001024xf32, #tpu.memory_space<any>> -> memref<17024xf32, #tpu.memory_space<any>>
      %dma_wait3A_417 = arith.constant 0 : i32
      %dma_wait3A_418 = tpu.memref_slice %arg2[%dma_wait3A_415, %dma_wait3A_417] : memref<16x65536xf32, #tpu.memory_space<vmem>> -> memref<1x17024xf32, #tpu.memory_space<vmem>>
      %dma_wait3A_419 = tpu.memref_squeeze %dma_wait3A_418 : memref<1x17024xf32, #tpu.memory_space<vmem>> -> memref<17024xf32, #tpu.memory_space<vmem>>
      tpu.wait_dma2 semaphore(%arg9 : memref<!tpu.dma_semaphore, #tpu.memory_space<semaphore_mem>>) src(%dma_wait3A_419 : memref<17024xf32, #tpu.memory_space<vmem>>) dst(%dma_wait3A_416 : memref<17024xf32, #tpu.memory_space<any>>)
      %dma_wait3A_420 = arith.constant 10 : i32
      %dma_wait3A_421 = tpu.memref_slice %arg6[%add3A_269] : memref<16001024xf32, #tpu.memory_space<any>> -> memref<17024xf32, #tpu.memory_space<any>>
      %dma_wait3A_422 = arith.constant 0 : i32
      %dma_wait3A_423 = tpu.memref_slice %arg2[%dma_wait3A_420, %dma_wait3A_422] : memref<16x65536xf32, #tpu.memory_space<vmem>> -> memref<1x17024xf32, #tpu.memory_space<vmem>>
      %dma_wait3A_424 = tpu.memref_squeeze %dma_wait3A_423 : memref<1x17024xf32, #tpu.memory_space<vmem>> -> memref<17024xf32, #tpu.memory_space<vmem>>
      tpu.wait_dma2 semaphore(%arg9 : memref<!tpu.dma_semaphore, #tpu.memory_space<semaphore_mem>>) src(%dma_wait3A_424 : memref<17024xf32, #tpu.memory_space<vmem>>) dst(%dma_wait3A_421 : memref<17024xf32, #tpu.memory_space<any>>)
      %dma_wait3A_425 = arith.constant 11 : i32
      %dma_wait3A_426 = tpu.memref_slice %arg6[%add3A_273] : memref<16001024xf32, #tpu.memory_space<any>> -> memref<17024xf32, #tpu.memory_space<any>>
      %dma_wait3A_427 = arith.constant 0 : i32
      %dma_wait3A_428 = tpu.memref_slice %arg2[%dma_wait3A_425, %dma_wait3A_427] : memref<16x65536xf32, #tpu.memory_space<vmem>> -> memref<1x17024xf32, #tpu.memory_space<vmem>>
      %dma_wait3A_429 = tpu.memref_squeeze %dma_wait3A_428 : memref<1x17024xf32, #tpu.memory_space<vmem>> -> memref<17024xf32, #tpu.memory_space<vmem>>
      tpu.wait_dma2 semaphore(%arg9 : memref<!tpu.dma_semaphore, #tpu.memory_space<semaphore_mem>>) src(%dma_wait3A_429 : memref<17024xf32, #tpu.memory_space<vmem>>) dst(%dma_wait3A_426 : memref<17024xf32, #tpu.memory_space<any>>)
      %dma_wait3A_430 = arith.constant 12 : i32
      %dma_wait3A_431 = tpu.memref_slice %arg6[%add3A_277] : memref<16001024xf32, #tpu.memory_space<any>> -> memref<17024xf32, #tpu.memory_space<any>>
      %dma_wait3A_432 = arith.constant 0 : i32
      %dma_wait3A_433 = tpu.memref_slice %arg2[%dma_wait3A_430, %dma_wait3A_432] : memref<16x65536xf32, #tpu.memory_space<vmem>> -> memref<1x17024xf32, #tpu.memory_space<vmem>>
      %dma_wait3A_434 = tpu.memref_squeeze %dma_wait3A_433 : memref<1x17024xf32, #tpu.memory_space<vmem>> -> memref<17024xf32, #tpu.memory_space<vmem>>
      tpu.wait_dma2 semaphore(%arg9 : memref<!tpu.dma_semaphore, #tpu.memory_space<semaphore_mem>>) src(%dma_wait3A_434 : memref<17024xf32, #tpu.memory_space<vmem>>) dst(%dma_wait3A_431 : memref<17024xf32, #tpu.memory_space<any>>)
      %dma_wait3A_435 = arith.constant 13 : i32
      %dma_wait3A_436 = tpu.memref_slice %arg6[%add3A_281] : memref<16001024xf32, #tpu.memory_space<any>> -> memref<17024xf32, #tpu.memory_space<any>>
      %dma_wait3A_437 = arith.constant 0 : i32
      %dma_wait3A_438 = tpu.memref_slice %arg2[%dma_wait3A_435, %dma_wait3A_437] : memref<16x65536xf32, #tpu.memory_space<vmem>> -> memref<1x17024xf32, #tpu.memory_space<vmem>>
      %dma_wait3A_439 = tpu.memref_squeeze %dma_wait3A_438 : memref<1x17024xf32, #tpu.memory_space<vmem>> -> memref<17024xf32, #tpu.memory_space<vmem>>
      tpu.wait_dma2 semaphore(%arg9 : memref<!tpu.dma_semaphore, #tpu.memory_space<semaphore_mem>>) src(%dma_wait3A_439 : memref<17024xf32, #tpu.memory_space<vmem>>) dst(%dma_wait3A_436 : memref<17024xf32, #tpu.memory_space<any>>)
      %dma_wait3A_440 = arith.constant 14 : i32
      %dma_wait3A_441 = tpu.memref_slice %arg6[%add3A_285] : memref<16001024xf32, #tpu.memory_space<any>> -> memref<17024xf32, #tpu.memory_space<any>>
      %dma_wait3A_442 = arith.constant 0 : i32
      %dma_wait3A_443 = tpu.memref_slice %arg2[%dma_wait3A_440, %dma_wait3A_442] : memref<16x65536xf32, #tpu.memory_space<vmem>> -> memref<1x17024xf32, #tpu.memory_space<vmem>>
      %dma_wait3A_444 = tpu.memref_squeeze %dma_wait3A_443 : memref<1x17024xf32, #tpu.memory_space<vmem>> -> memref<17024xf32, #tpu.memory_space<vmem>>
      tpu.wait_dma2 semaphore(%arg9 : memref<!tpu.dma_semaphore, #tpu.memory_space<semaphore_mem>>) src(%dma_wait3A_444 : memref<17024xf32, #tpu.memory_space<vmem>>) dst(%dma_wait3A_441 : memref<17024xf32, #tpu.memory_space<any>>)
      %dma_wait3A_445 = arith.constant 15 : i32
      %dma_wait3A_446 = tpu.memref_slice %arg6[%add3A_289] : memref<16001024xf32, #tpu.memory_space<any>> -> memref<17024xf32, #tpu.memory_space<any>>
      %dma_wait3A_447 = arith.constant 0 : i32
      %dma_wait3A_448 = tpu.memref_slice %arg2[%dma_wait3A_445, %dma_wait3A_447] : memref<16x65536xf32, #tpu.memory_space<vmem>> -> memref<1x17024xf32, #tpu.memory_space<vmem>>
      %dma_wait3A_449 = tpu.memref_squeeze %dma_wait3A_448 : memref<1x17024xf32, #tpu.memory_space<vmem>> -> memref<17024xf32, #tpu.memory_space<vmem>>
      tpu.wait_dma2 semaphore(%arg9 : memref<!tpu.dma_semaphore, #tpu.memory_space<semaphore_mem>>) src(%dma_wait3A_449 : memref<17024xf32, #tpu.memory_space<vmem>>) dst(%dma_wait3A_446 : memref<17024xf32, #tpu.memory_space<any>>)
      %mul3A_450 = arith.constant 65536 : i32
      %mul3A_451 = arith.muli %arg0, %mul3A_450 : i32
      %dma_start3A_452 = arith.constant 0 : i32
      %dma_start3A_453 = tpu.memref_slice %arg7[%mul3A_451] : memref<1000064xf32, #tpu.memory_space<any>> -> memref<17024xf32, #tpu.memory_space<any>>
      %dma_start3A_454 = arith.constant 0 : i32
      %dma_start3A_455 = tpu.memref_slice %arg3[%dma_start3A_452, %dma_start3A_454] : memref<1x65536xf32, #tpu.memory_space<vmem>> -> memref<1x17024xf32, #tpu.memory_space<vmem>>
      %dma_start3A_456 = tpu.memref_squeeze %dma_start3A_455 : memref<1x17024xf32, #tpu.memory_space<vmem>> -> memref<17024xf32, #tpu.memory_space<vmem>>
      tpu.enqueue_dma source(%dma_start3A_456 : memref<17024xf32, #tpu.memory_space<vmem>>) target(%dma_start3A_453 : memref<17024xf32, #tpu.memory_space<any>>) target_semaphore(%arg9 : memref<!tpu.dma_semaphore, #tpu.memory_space<semaphore_mem>>)
      %dma_wait3A_457 = arith.constant 0 : i32
      %dma_wait3A_458 = tpu.memref_slice %arg7[%mul3A_451] : memref<1000064xf32, #tpu.memory_space<any>> -> memref<17024xf32, #tpu.memory_space<any>>
      %dma_wait3A_459 = arith.constant 0 : i32
      %dma_wait3A_460 = tpu.memref_slice %arg3[%dma_wait3A_457, %dma_wait3A_459] : memref<1x65536xf32, #tpu.memory_space<vmem>> -> memref<1x17024xf32, #tpu.memory_space<vmem>>
      %dma_wait3A_461 = tpu.memref_squeeze %dma_wait3A_460 : memref<1x17024xf32, #tpu.memory_space<vmem>> -> memref<17024xf32, #tpu.memory_space<vmem>>
      tpu.wait_dma2 semaphore(%arg9 : memref<!tpu.dma_semaphore, #tpu.memory_space<semaphore_mem>>) src(%dma_wait3A_461 : memref<17024xf32, #tpu.memory_space<vmem>>) dst(%dma_wait3A_458 : memref<17024xf32, #tpu.memory_space<any>>)
      %mul3A_462 = arith.constant 65536 : i32
      %mul3A_463 = arith.muli %arg0, %mul3A_462 : i32
      %dma_start3A_464 = arith.constant 0 : i32
      %dma_start3A_465 = tpu.memref_slice %arg8[%mul3A_463] : memref<1000064xf32, #tpu.memory_space<any>> -> memref<17024xf32, #tpu.memory_space<any>>
      %dma_start3A_466 = arith.constant 0 : i32
      %dma_start3A_467 = tpu.memref_slice %arg4[%dma_start3A_464, %dma_start3A_466] : memref<1x65536xf32, #tpu.memory_space<vmem>> -> memref<1x17024xf32, #tpu.memory_space<vmem>>
      %dma_start3A_468 = tpu.memref_squeeze %dma_start3A_467 : memref<1x17024xf32, #tpu.memory_space<vmem>> -> memref<17024xf32, #tpu.memory_space<vmem>>
      tpu.enqueue_dma source(%dma_start3A_468 : memref<17024xf32, #tpu.memory_space<vmem>>) target(%dma_start3A_465 : memref<17024xf32, #tpu.memory_space<any>>) target_semaphore(%arg9 : memref<!tpu.dma_semaphore, #tpu.memory_space<semaphore_mem>>)
      %dma_wait3A_469 = arith.constant 0 : i32
      %dma_wait3A_470 = tpu.memref_slice %arg8[%mul3A_463] : memref<1000064xf32, #tpu.memory_space<any>> -> memref<17024xf32, #tpu.memory_space<any>>
      %dma_wait3A_471 = arith.constant 0 : i32
      %dma_wait3A_472 = tpu.memref_slice %arg4[%dma_wait3A_469, %dma_wait3A_471] : memref<1x65536xf32, #tpu.memory_space<vmem>> -> memref<1x17024xf32, #tpu.memory_space<vmem>>
      %dma_wait3A_473 = tpu.memref_squeeze %dma_wait3A_472 : memref<1x17024xf32, #tpu.memory_space<vmem>> -> memref<17024xf32, #tpu.memory_space<vmem>>
      tpu.wait_dma2 semaphore(%arg9 : memref<!tpu.dma_semaphore, #tpu.memory_space<semaphore_mem>>) src(%dma_wait3A_473 : memref<17024xf32, #tpu.memory_space<vmem>>) dst(%dma_wait3A_470 : memref<17024xf32, #tpu.memory_space<any>>)
    } else {
    }
    return
  }
  func.func @transform_0(%arg0: i32) -> (i32, i32) {
    %c0_i32 = arith.constant 0 : i32
    %c0_i32_0 = arith.constant 0 : i32
    return %c0_i32, %arg0 : i32, i32
  }
  func.func @transform_1(%arg0: i32) -> (i32, i32) {
    %c0_i32 = arith.constant 0 : i32
    %c0_i32_0 = arith.constant 0 : i32
    return %c0_i32, %arg0 : i32, i32
  }
  func.func @transform_2(%arg0: i32) -> (i32, i32) {
    %c0_i32 = arith.constant 0 : i32
    %c0_i32_0 = arith.constant 0 : i32
    return %c0_i32, %arg0 : i32, i32
  }
  func.func @transform_3(%arg0: i32) -> (i32, i32) {
    %c0_i32 = arith.constant 0 : i32
    %c0_i32_0 = arith.constant 0 : i32
    return %c0_i32, %arg0 : i32, i32
  }
}

module attributes {stable_mosaic.version = 14 : i64} {
  func.func @_tc_combine_body(%arg0: memref<4x128xf32, #tpu.memory_space<vmem>>, %arg1: memref<128x128xf32, #tpu.memory_space<vmem>>, %arg2: memref<128x128xf32, #tpu.memory_space<vmem>>, %arg3: memref<128x128xf32, #tpu.memory_space<vmem>>) attributes {dimension_semantics = [], scalar_prefetch = 0 : i64, scratch_operands = 0 : i64, tpu.core_type = #tpu.core_type<tc>} {
    %get3A = arith.constant 0 : index
    %get3A_0 = arith.constant 0 : index
    %get3A_1 = vector.load %arg0[%get3A, %get3A_0] : memref<4x128xf32, #tpu.memory_space<vmem>>, vector<4x128xf32>
    %reduce_sum3A = vector.shape_cast %get3A_1 : vector<4x128xf32> to vector<1x4x128xf32>
    %reduce_sum3A_2 = arith.constant dense<0.000000e+00> : vector<1xf32>
    %reduce_sum3A_3 = vector.multi_reduction <add>, %reduce_sum3A, %reduce_sum3A_2 [1, 2] : vector<1x4x128xf32> to vector<1xf32>
    %reduce_sum3A_4 = vector.shape_cast %reduce_sum3A_3 : vector<1xf32> to vector<1x1x1xf32>
    %reduce_sum3A_5 = vector.extract %reduce_sum3A_4[0, 0, 0] : f32 from vector<1x1x1xf32>
    %get3A_6 = arith.constant 0 : index
    %get3A_7 = arith.constant 0 : index
    %get3A_8 = vector.load %arg1[%get3A_6, %get3A_7] : memref<128x128xf32, #tpu.memory_space<vmem>>, vector<128x128xf32>
    %get3A_9 = arith.constant 0 : index
    %get3A_10 = arith.constant 0 : index
    %get3A_11 = vector.load %arg2[%get3A_9, %get3A_10] : memref<128x128xf32, #tpu.memory_space<vmem>>, vector<128x128xf32>
    %add3A = arith.addf %get3A_8, %get3A_11 : vector<128x128xf32>
    %add3A_12 = vector.broadcast %reduce_sum3A_5 : f32 to vector<128x128xf32>
    %add3A_13 = arith.addf %add3A, %add3A_12 : vector<128x128xf32>
    %logistic3A = arith.negf %add3A_13 : vector<128x128xf32>
    %logistic3A_14 = math.exp %logistic3A : vector<128x128xf32>
    %logistic3A_15 = arith.constant 1.000000e+00 : f32
    %logistic3A_16 = vector.broadcast %logistic3A_15 : f32 to vector<128x128xf32>
    %logistic3A_17 = arith.addf %logistic3A_16, %logistic3A_14 : vector<128x128xf32>
    %logistic3A_18 = arith.divf %logistic3A_16, %logistic3A_17 : vector<128x128xf32>
    %swap3A = arith.constant 0 : index
    %swap3A_19 = arith.constant 0 : index
    %swap3A_20 = vector.load %arg3[%swap3A, %swap3A_19] : memref<128x128xf32, #tpu.memory_space<vmem>>, vector<128x128xf32>
    tpu.vector_store %arg3[%swap3A, %swap3A_19], %logistic3A_18 {strides = array<i32>} : memref<128x128xf32, #tpu.memory_space<vmem>>, vector<128x128xf32>,
    return
  }
}

</mosaic_0001>

<sc_bundles>
// kernel: kernel.5.cloned.1.call-start
scs
__scs_entry_jumppad:
0x0: {  	(pc) =	sbr.rel $0x88, $3  }
0x1: {  	(tag) =	ssettag $0x0;
	lr =	simm.s32 $0x1  }
0x2: {  	[smem:$0x3F9C] =	sst lr;
	_ =	strace $0xD0000000  }
0x3: {  	_ = 	snop  }
0x4: {  	_ = 	snop  }
0x5: {  	_ = 	snop  }
0x6: {  	_ = 	snop  }
0x7: {  	_ = 	snop  }
__scs_overlays_trampoline_lowered:
0x8: {  	[smem:$0x3FAB] =	sst s0  }
0x9: {  	[smem:$0x3FAC] =	sst s1  }
0xa: {  	[smem:$0x3FAD] =	sst s2  }
0xb: {  	[smem:$0x3FAE] =	sst s3  }
0xc: {  	[smem:$0x3FAF] =	sst s4  }
0xd: {  	[smem:$0x3FB0] =	sst s5  }
0xe: {  	[smem:$0x3FB1] =	sst s6  }
0xf: {  	[smem:$0x3FB2] =	sst s7  }
0x10: {  	[smem:$0x3FB3] =	sst s8  }
0x11: {  	[smem:$0x3FB4] =	sst s9;
	s0 =	simm.s32 @!p0 $0x0  }
0x12: {  	s1 =	sld [smem:$0x3F9A];
	s0 =	simm.s32 @p0 $0x1  }
0x13: {  	[smem:$0x3FB5] =	sst s0;
	s0 =	simm.s32 @!p1 $0x0  }
0x14: {  	s2 =	sld [smem:$0x3F99];
	s0 =	simm.s32 @p1 $0x1  }
0x15: {  	[smem:$0x3FB6] =	sst s0;
	s0 =	simm.s32 @!p2 $0x0  }
0x16: {  	s3 =	sld [smem:$0x3FDB];
	s0 =	simm.s32 @p2 $0x1  }
0x17: {  	s4 =	simm.s32 $0x1BF5;
	[smem:$0x3FB8] =	sst s0  }
0x18: {  	s0 =	sld [smem:$0x3F9B];
	_ =	swait.ge [sflag:s4], $0x0  }
0x19: {  	s7 =	sld [smem:$0x3F9C]  }
0x1a: {  	s8 =	sadd.s32 $0xFFFFE003, lr  }
0x1b: {  	s9 =	sadd.s32 $0xFFFFFEF7, lr;
	s5 =	simm.s32 $0xFFFFFFFF;
	p2 =	slt.u32 s8, $0xFFFFF086  }
0x1c: {  	p1 =	slt.u32 s9, $0xF7A;
	s5 =	simm.s32 @!p2 $0x0  }
0x1d: {  	s5 =	simm.s32 @p1 $0x1;
	p0 =	seq.s32 s7, s2  }
0x1e: {  	s7 =	smul.u32 @!p0 $0xF7A, s2;
	p2 =	seq.s32 @!p0 s5, $0x0  }
0x1f: {  	s9 =	smul.u32 $0xF7A, s1;
	s8 =	simm.s32 @!p0 $0x1BF5;
	p2 =	por !p2, p0  }
0x20: {  	[sflag:s8] =	ssyncset.s32 @!p0 $0xFFFFF086;
	s6 =	sadd.s32 @!p0 s3, s7;
	s7 =	simm.s32 @!p0 $0x108  }
0x21: {  	s3 =	sadd.s32 s3, s9;
	s6 =	sadd.s32 @!p0 $0x88, s6;
	s7 =	simm.s32 @p2 $0x1082  }
0x22: {  	[simem:s7], [sflag:s8] =	dma.local @!p0 [hbm:s6], $0xF7A  }
0x23: {  	s9 =	sor.u32 $0xD0000000, s2;
	s6 =	simm.s32 $0x108;
	_ =	swait.ge @!p0 [sflag:s8], $0x0  }
0x24: {  	s3 =	sadd.s32 $0x88, s3;
	s6 =	simm.s32 @!p1 $0x1082;
	[sflag:s4] =	ssyncset.s32 $0xFFFFF086  }
0x25: {  	[simem:s6], [sflag:s4] =	dma.local [hbm:s3], $0xF7A  }
0x26: {  	[smem:$0x3F9C] =	sst s1;
	(tag) =	ssettag s2;
	_ =	strace s9  }
0x27: {  	s1 =	sld [smem:$0x3FAC]  }
0x28: {  	s2 =	sld [smem:$0x3FAD]  }
0x29: {  	s4 =	sld [smem:$0x3FAF]  }
0x2a: {  	p0 =	seq.s32 s5, $0x0;
	s5 =	sld [smem:$0x3FB0]  }
0x2b: {  	s6 =	sld [smem:$0x3FB1]  }
0x2c: {  	s7 =	sld [smem:$0x3FB2]  }
0x2d: {  	s3 =	simm.s32 $0x108;
	s8 =	sld [smem:$0x3FB3]  }
0x2e: {  	s3 =	simm.s32 @!p0 $0x1082;
	s9 =	sld [smem:$0x3FB4]  }
0x2f: {  	lr =	sadd.s32 s0, s3;
	s0 =	sld [smem:$0x3FAB]  }
0x30: {  	s3 =	sld [smem:$0x3FAE]  }
0x31: {  	[smem:$0x3FB7] =	sst s10  }
0x32: {  	s10 =	sld [smem:$0x3FB5];
	_ =	sdelay $0x3  }
0x33: {  	p0 =	seq.s32 s10, $0x1;
	s10 =	sld [smem:$0x3FB7];
	_ =	sdelay $0x3  }
0x34: {  	[smem:$0x3FB7] =	sst s10  }
0x35: {  	s10 =	sld [smem:$0x3FB6];
	_ =	sdelay $0x3  }
0x36: {  	p1 =	seq.s32 s10, $0x1;
	s10 =	sld [smem:$0x3FB7];
	_ =	sdelay $0x3  }
0x37: {  	[smem:$0x3FB7] =	sst s10  }
0x38: {  	s10 =	sld [smem:$0x3FB8]  }
0x39: {  	_ = 	snop;
	(pc) =	sbr.ind lr, $3  }
0x3a: {  	_ = 	snop  }
0x3b: {  	_ = 	snop  }
0x3c: {  	p2 =	seq.s32 s10, $0x1;
	s10 =	sld [smem:$0x3FB7]  }
0x3d: {  	_ =	shalt  }
0x3e: {  	_ =	shalt  }
0x3f: {  	_ =	shalt  }
0x40: {  	_ =	shalt  }
0x41: {  	_ =	shalt  }
0x42: {  	_ =	shalt  }
0x43: {  	_ =	shalt  }
0x44: {  	_ =	shalt  }
0x45: {  	_ =	shalt  }
0x46: {  	_ =	shalt  }
0x47: {  	_ =	shalt  }
0x48: {  	_ =	shalt  }
0x49: {  	_ =	shalt  }
0x4a: {  	_ =	shalt  }
0x4b: {  	_ =	shalt  }
0x4c: {  	_ =	shalt  }
0x4d: {  	_ =	shalt  }
0x4e: {  	_ =	shalt  }
0x4f: {  	_ =	shalt  }
0x50: {  	_ =	shalt  }
0x51: {  	_ =	shalt  }
0x52: {  	_ =	shalt  }
0x53: {  	_ =	shalt  }
0x54: {  	_ =	shalt  }
0x55: {  	_ =	shalt  }
0x56: {  	_ =	shalt  }
0x57: {  	_ =	shalt  }
0x58: {  	_ =	shalt  }
0x59: {  	_ =	shalt  }
0x5a: {  	_ =	shalt  }
0x5b: {  	_ =	shalt  }
0x5c: {  	_ =	shalt  }
0x5d: {  	_ =	shalt  }
0x5e: {  	_ =	shalt  }
0x5f: {  	_ =	shalt  }
0x60: {  	_ =	shalt  }
0x61: {  	_ =	shalt  }
0x62: {  	_ =	shalt  }
0x63: {  	_ =	shalt  }
0x64: {  	_ =	shalt  }
0x65: {  	_ =	shalt  }
0x66: {  	_ =	shalt  }
0x67: {  	_ =	shalt  }
0x68: {  	_ =	shalt  }
0x69: {  	_ =	shalt  }
0x6a: {  	_ =	shalt  }
0x6b: {  	_ =	shalt  }
0x6c: {  	_ =	shalt  }
0x6d: {  	_ =	shalt  }
0x6e: {  	_ =	shalt  }
0x6f: {  	_ =	shalt  }
0x70: {  	_ =	shalt  }
0x71: {  	_ =	shalt  }
0x72: {  	_ =	shalt  }
0x73: {  	_ =	shalt  }
0x74: {  	_ =	shalt  }
0x75: {  	_ =	shalt  }
0x76: {  	_ =	shalt  }
0x77: {  	_ =	shalt  }
0x78: {  	_ =	shalt  }
0x79: {  	_ =	shalt  }
0x7a: {  	_ =	shalt  }
0x7b: {  	_ =	shalt  }
0x7c: {  	_ =	shalt  }
0x7d: {  	_ =	shalt  }
0x7e: {  	_ =	shalt  }
0x7f: {  	_ =	shalt  }
0x80: {  	_ =	shalt  }
0x81: {  	_ =	shalt  }
0x82: {  	_ =	shalt  }
0x83: {  	_ =	shalt  }
0x84: {  	_ =	shalt  }
0x85: {  	_ =	shalt  }
0x86: {  	_ =	shalt  }
0x87: {  	_ =	shalt  }
.Lfunc_end0:
.L_simem_size_0:
called_computation_lowered:
.L_overlay_start_0:
0x88: {  	s2 =	sld [smem:$0x3FD9]  }
0x89: {  	s3 =	sld [smem:$0x3FFE];
	_ =	sdelay $0x1  }
0x8a: {  	s1 =	srdreg.scid  }
0x8b: {  	s0 =	sand.u32 $0x1, s1  }
0x8c: {  	s17 =	sshll.u32 s0, $0xA;
	s2 =	sadd.s32 s3, s2  }
0x8d: {  	s2 =	sadd.s32 s2, s17  }
0x8e: {  	[smem:$0x3FC3] =	sst s2  }
0x8f: {  	_ = 	snop  }
0x90: {  	s2 =	sld [smem:$0x3FD0];
	(tm) =	ssettm $0x1  }
0x91: {  	s18 =	sld [smem:$0x3FFB];
	_ =	sdelay $0x3  }
0x92: {  	_ =	strace s18  }
0x93: {  	s3 =	sld [smem:$0x3FFC];
	_ =	sdelay $0x3  }
0x94: {  	_ =	strace s3  }
0x95: {  	s3 =	sld [smem:$0x3FFD];
	_ =	sdelay $0x3  }
0x96: {  	_ =	strace s3  }
0x97: {  	_ =	strace $0x8FFFFFFF  }
0x98: {  	s19 =	sld [smem:$0x3FDB];
	_ =	sdelay $0x1  }
0x99: {  	s4 =	simm.s32 $_scs_section_size  }
0x9a: {  	s5 =	simm.s32 $_size__tile_overlayer_lowered;
	s6 =	simm.s32 $_tile_overlayer_lowered  }
0x9b: {  	s22 =	simm.s32 $0x1BFF;
	s21 =	sshll.u32 s6, $0x1;
	s3 =	sadd.s32 s4, s19  }
0x9c: {  	s7 =	simm.s32 $0x0;
	s20 =	sshll.u32 s5, $0x1;
	s5 =	sadd.s32 s21, s3  }
0x9d: {  	[timem:s7], [sflag:s22] =	dma.local [hbm:s5], s20  }
0x9e: {  	_ =	swait.ge [sflag:s22], s20  }
0x9f: {  	s4 =	ssub.s32 $0x0, s20;
	[sflag:s22] =	ssyncset.done $0x0  }
0xa0: {  	[sflag:s22] =	ssyncadd.s32 s4;
	_ =	sdelay $0x1  }
0xa1: {  	s23 =	simm.s32 $0x1B8B  }
0xa2: {  	_ =	swait.ge [sflag:s23], $0x1  }
0xa3: {  	[sflag:s23] =	ssyncset.done $0x0  }
0xa4: {  	s25 =	simm.s32 $0x1B8E;
	s24 =	sld [smem:$0x3FFE];
	[sflag:s23] =	ssyncadd.s32 $0xFFFFFFFF  }
0xa5: {  	s26 =	simm.s32 $execute0_lowered;
	[smem:$0x3FD2] =	sst s25  }
0xa6: {  	s5 =	sshll.u32 s26, $0x1;
	_ =	strace $0x80000046;
	[dreg:$0x1] =	wrdreg $0xFFFFFFFF  }
0xa7: {  	s28 =	simm.s32 $_size_execute0_lowered;
	s3 =	sadd.s32 s3, s5;
	[dreg:$0x0] =	wrdreg $0x0  }
0xa8: {  	s5 =	sshll.u32 s28, $0x1;
	[dreg:$0x2] =	wrdreg s3  }
0xa9: {  	[dreg:$0x3] =	wrdreg s5  }
0xaa: {  	[dreg:$0x4] =	wrdreg $0xC0  }
0xab: {  	_ =	task [dreg:s7], $0x5FFFF  }
0xac: {  	[dreg:$0x1] =	wrdreg $0xFFFFFFFF  }
0xad: {  	[dreg:$0x0] =	wrdreg $0x60  }
0xae: {  	[dreg:$0x2] =	wrdreg s24  }
0xaf: {  	[dreg:$0x3] =	wrdreg s2  }
0xb0: {  	[dreg:$0x4] =	wrdreg $0x9  }
0xb1: {  	_ =	task.clear_ibuf [dreg:s7], $0x5FFFF;
	_ =	strace $0x90000046  }
0xb2: {  	s29 =	simm.s32 $0x9;
	_ =	strace $0x80000048  }
0xb3: {  	_ =	swait.ge [sflag:s29], $0x1  }
0xb4: {  	[sflag:s29] =	ssyncadd.s32 $0xFFFFFFFF  }
0xb5: {  	_ =	strace $0x90000048  }
0xb6: {  	_ =	sfence  }
0xb7: {  	s30 =	sld [smem:$0x0];
	_ =	sdelay $0x2  }
0xb8: {  	s31 =	sshll.u32 s1, $0xD;
	s1 =	sshrl.u32 s1, $0x2  }
0xb9: {  	s3 =	sand.u32 $0x4000, s31;
	s1 =	sadd.s32 s1, s30  }
0xba: {  	s0 =	sor.u32 s3, s0;
	s1 =	sshll.u32 s1, $0x11  }
0xbb: {  	s0 =	sor.u32 s1, s0  }
0xbc: {  	s0 =	sadd.s32 $0x8F2B, s0  }
0xbd: {  	[sflag:s0] =	ssyncadd.remote.s32 $0x1  }
0xbe: {  	_ =	sfence.sel $0xFFFF  }
0xbf: {  	[dreg:$0x0] =	wrdreg $0xFFFFFFFF;
	(pc) =	sbr.abs _section_cstart, $3  }
0xc0: {  	[dreg:$0x1] =	wrdreg $0xFFFFFFFF  }
0xc1: {  	_ =	task.clear_ibuf [dreg:s7], $0x2FFFF;
	_ =	strace $0x9FFFFFFF  }
0xc2: {  	(tm) =	ssettm $0x7FFFFFFF  }
0xc3: {  	_ =	shalt  }
tec
execute0_lowered:
.L_overlay_start_1:
0x0: {  	(tag) =	ssettag $0x1  }
0x1: {  	s7 =	rddreg [dreg:$0x0]  }
0x2: {  	s2 =	rddreg [dreg:$0x1];
	s1 =	simm.s32 $0x0  }
0x3: {  	[smem:$0x7FF] =	sst s1;
	s0 =	sadd.s32 $0x2200, s7  }
0x4: {  	s24 =	sadd.s32 $0x1EA800, s7;
	_ =	strace $0x80000047;
	[dreg:$0x3] =	wrdreg s0  }
0x5: {  	s25 =	sadd.s32 $0x3D2E00, s7;
	[dreg:$0x4] =	wrdreg s24  }
0x6: {  	s3 =	sadd.s32 $0x3F1800, s7;
	[dreg:$0x5] =	wrdreg s25  }
0x7: {  	s5 =	sadd.s32 $0x209050, s7;
	[dreg:$0x6] =	wrdreg s3  }
0x8: {  	s6 =	sadd.s32 $0x3F2A0, s7;
	[dreg:$0x8] =	wrdreg s5  }
0x9: {  	s26 =	srdreg.scid;
	s8 =	sadd.s32 $0x2278A0, s7;
	[dreg:$0x9] =	wrdreg s6  }
0xa: {  	s4 =	stileid.u32;
	s9 =	sadd.s32 $0x5DAF0, s7;
	[dreg:$0xa] =	wrdreg s8  }
0xb: {  	s10 =	sadd.s32 $0x2460F0, s7;
	s11 =	sadd.s32 $0x264940, s7;
	[dreg:$0xb] =	wrdreg s9  }
0xc: {  	s12 =	sadd.s32 $0x7C340, s7;
	s13 =	sadd.s32 $0x9AB90, s7;
	[dreg:$0xc] =	wrdreg s10  }
0xd: {  	s14 =	sadd.s32 $0x283190, s7;
	s15 =	sadd.s32 $0xB93E0, s7;
	[dreg:$0xd] =	wrdreg s11  }
0xe: {  	s16 =	sadd.s32 $0x2A19E0, s7;
	s17 =	sadd.s32 $0xD7C30, s7;
	[dreg:$0xe] =	wrdreg s12  }
0xf: {  	s18 =	sadd.s32 $0x2C0230, s7;
	s19 =	sadd.s32 $0x2DEA80, s7;
	[dreg:$0xf] =	wrdreg s13  }
0x10: {  	s22 =	sadd.s32 $0x114CD0, s7;
	s23 =	sadd.s32 $0x2FD2D0, s7;
	[dreg:$0x10] =	wrdreg s14  }
0x11: {  	s28 =	sadd.s32 $0x33A370, s7;
	s29 =	sadd.s32 $0x1705C0, s7;
	[dreg:$0x11] =	wrdreg s15  }
0x12: {  	s30 =	sadd.s32 $0x358BC0, s7;
	s31 =	sadd.s32 $0x18EE10, s7;
	[dreg:$0x12] =	wrdreg s16  }
0x13: {  	s0 =	sand.u32 $0x1, s26;
	s3 =	sshll.u32 s4, $0x1;
	[dreg:$0x13] =	wrdreg s17  }
0x14: {  	s4 =	sadd.s32 $0x20A50, s7;
	[dreg:$0x14] =	wrdreg s18;
	s24 =	sadd.s32 $0x133520, s7  }
0x15: {  	[dreg:$0x15] =	wrdreg s19;
	s25 =	sadd.s32 $0x31BB20, s7;
	s26 =	sadd.s32 $0x151D70, s7  }
0x16: {  	s6 =	sadd.s32 $0x3B44B0, s7;
	s13 =	simm.s32 $0x2;
	s14 =	simm.s32 $0x200  }
0x17: {  	s15 =	simm.s32 $0x4400;
	s16 =	simm.s32 $0x4600;
	s17 =	simm.s32 $0x1  }
0x18: {  	s18 =	simm.s32 $0x0;
	s3 =	sor.u32 s0, s3;
	s0 =	ssub.s32 $0x2, s0  }
0x19: {  	[dreg:$0x7] =	wrdreg s4;
	s4 =	sadd.s32 $0x395C60, s7;
	s20 =	sshrl.u32 s0, $0x1  }
0x1a: {  	s21 =	sshll.u32 s3, $0x1;
	s5 =	sshll.u32 s3, $0x6;
	s12 =	ssub.s32 s0, s20  }
0x1b: {  	s8 =	sadd.s32 s21, s7;
	s0 =	sadd.s32 $0x377410, s7;
	s3 =	sadd.s32 s2, s5  }
0x1c: {  	s2 =	sadd.s32 $0x1AD660, s7;
	s11 =	sadd.s32 s5, s7;
	s5 =	sadd.s32 $0x1CBEB0, s7  }
0x1d: {  	s7 =	sadd.s32 $0xF6480, s7;
	s8 =	sadd.s32 $0x411200, s8;
	s9 =	sadd.s32 $0x1A00, s11  }
0x1e: {  	s10 =	sadd.s32 $0x410200, s11;
	s11 =	sadd.s32 $0x410A00, s11;
	s12 =	smax.u32 s12, $0x1  }
.LBB2_1:
0x1f: {  	[tilespmem:s1], [sflag:$0x2] =	stream.linear.gather [hbm4b:s9+s1], $0x200, $0x38;
	[tilespmem:$0x4810] =	vst v63  }
0x20: {  	_ =	swait.ge [sflag:s13], $0x200  }
0x21: {  	[sflag:s13] =	ssyncset.done $0x0  }
0x22: {  	[sflag:s13] =	ssyncadd.s32 $0xFFFFFE00  }
0x23: {  	[tilespmem:s14], [sflag:$0x2] =	stream.linear.gather [hbm4b:s3+s1], $0x200, $0x38;
	[tilespmem:$0x4810] =	vst v63  }
0x24: {  	_ =	swait.ge [sflag:s13], $0x200  }
0x25: {  	[sflag:s13] =	ssyncset.done $0x0  }
0x26: {  	s20 =	simm.s32 $0x400;
	s19 =	rddreg [dreg:$0x3];
	[sflag:s13] =	ssyncadd.s32 $0xFFFFFE00  }
0x27: {  	[tilespmem:s20], [sflag:$0x1] =	stream.indirect.gather [hbm4b:s19+s14], $0x1, s1, s14, $0xb8;
	[tilespmem:$0x4810] =	vst v63  }
0x28: {  	s21 =	simm.s32 $0x2400;
	s20 =	rddreg [dreg:$0x4]  }
0x29: {  	[tilespmem:s21], [sflag:$0x1] =	stream.indirect.gather [hbm4b:s20+s14], $0x1, s14, s14, $0xb8;
	[tilespmem:$0x4810] =	vst v63  }
0x2a: {  	s20 =	rddreg [dreg:$0x7];
	s21 =	simm.s32 $0x600  }
0x2b: {  	[tilespmem:s21], [sflag:$0x1] =	stream.indirect.gather [hbm4b:s20+s14], $0x1, s1, s14, $0xb8;
	[tilespmem:$0x4810] =	vst v63  }
0x2c: {  	s20 =	rddreg [dreg:$0x8];
	s21 =	simm.s32 $0x2600  }
0x2d: {  	[tilespmem:s21], [sflag:$0x1] =	stream.indirect.gather [hbm4b:s20+s14], $0x1, s14, s14, $0xb8;
	[tilespmem:$0x4810] =	vst v63  }
0x2e: {  	s20 =	rddreg [dreg:$0x9];
	s21 =	simm.s32 $0x800  }
0x2f: {  	[tilespmem:s21], [sflag:$0x1] =	stream.indirect.gather [hbm4b:s20+s14], $0x1, s1, s14, $0xb8;
	[tilespmem:$0x4810] =	vst v63  }
0x30: {  	s20 =	rddreg [dreg:$0xa];
	s21 =	simm.s32 $0x2800  }
0x31: {  	[tilespmem:s21], [sflag:$0x1] =	stream.indirect.gather [hbm4b:s20+s14], $0x1, s14, s14, $0xb8;
	[tilespmem:$0x4810] =	vst v63  }
0x32: {  	s20 =	rddreg [dreg:$0xb];
	s21 =	simm.s32 $0xA00  }
0x33: {  	[tilespmem:s21], [sflag:$0x1] =	stream.indirect.gather [hbm4b:s20+s14], $0x1, s1, s14, $0xb8;
	[tilespmem:$0x4810] =	vst v63  }
0x34: {  	s20 =	rddreg [dreg:$0xc];
	s21 =	simm.s32 $0x2A00  }
0x35: {  	[tilespmem:s21], [sflag:$0x1] =	stream.indirect.gather [hbm4b:s20+s14], $0x1, s14, s14, $0xb8;
	[tilespmem:$0x4810] =	vst v63  }
0x36: {  	s20 =	rddreg [dreg:$0xe];
	s21 =	simm.s32 $0xC00  }
0x37: {  	[tilespmem:s21], [sflag:$0x1] =	stream.indirect.gather [hbm4b:s20+s14], $0x1, s1, s14, $0xb8;
	[tilespmem:$0x4810] =	vst v63  }
0x38: {  	s20 =	rddreg [dreg:$0xd];
	s21 =	simm.s32 $0x2C00  }
0x39: {  	[tilespmem:s21], [sflag:$0x1] =	stream.indirect.gather [hbm4b:s20+s14], $0x1, s14, s14, $0xb8;
	[tilespmem:$0x4810] =	vst v63  }
0x3a: {  	s20 =	rddreg [dreg:$0xf];
	s21 =	simm.s32 $0xE00  }
0x3b: {  	[tilespmem:s21], [sflag:$0x1] =	stream.indirect.gather [hbm4b:s20+s14], $0x1, s1, s14, $0xb8;
	[tilespmem:$0x4810] =	vst v63  }
0x3c: {  	s20 =	rddreg [dreg:$0x10];
	s21 =	simm.s32 $0x2E00  }
0x3d: {  	[tilespmem:s21], [sflag:$0x1] =	stream.indirect.gather [hbm4b:s20+s14], $0x1, s14, s14, $0xb8;
	[tilespmem:$0x4810] =	vst v63  }
0x3e: {  	s20 =	rddreg [dreg:$0x11];
	s21 =	simm.s32 $0x1000  }
0x3f: {  	[tilespmem:s21], [sflag:$0x1] =	stream.indirect.gather [hbm4b:s20+s14], $0x1, s1, s14, $0xb8;
	[tilespmem:$0x4810] =	vst v63  }
0x40: {  	s20 =	rddreg [dreg:$0x12];
	s21 =	simm.s32 $0x3000  }
0x41: {  	[tilespmem:s21], [sflag:$0x1] =	stream.indirect.gather [hbm4b:s20+s14], $0x1, s14, s14, $0xb8;
	[tilespmem:$0x4810] =	vst v63  }
0x42: {  	s20 =	rddreg [dreg:$0x13];
	s21 =	simm.s32 $0x1200  }
0x43: {  	[tilespmem:s21], [sflag:$0x1] =	stream.indirect.gather [hbm4b:s20+s14], $0x1, s1, s14, $0xb8;
	[tilespmem:$0x4810] =	vst v63  }
0x44: {  	s20 =	rddreg [dreg:$0x14];
	s21 =	simm.s32 $0x3200  }
0x45: {  	[tilespmem:s21], [sflag:$0x1] =	stream.indirect.gather [hbm4b:s20+s14], $0x1, s14, s14, $0xb8;
	[tilespmem:$0x4810] =	vst v63  }
0x46: {  	s21 =	simm.s32 $0x1400  }
0x47: {  	[tilespmem:s21], [sflag:$0x1] =	stream.indirect.gather [hbm4b:s7+s14], $0x1, s1, s14, $0xb8;
	[tilespmem:$0x4810] =	vst v63  }
0x48: {  	s20 =	rddreg [dreg:$0x15];
	s21 =	simm.s32 $0x3400  }
0x49: {  	[tilespmem:s21], [sflag:$0x1] =	stream.indirect.gather [hbm4b:s20+s14], $0x1, s14, s14, $0xb8;
	[tilespmem:$0x4810] =	vst v63  }
0x4a: {  	s21 =	simm.s32 $0x1600  }
0x4b: {  	[tilespmem:s21], [sflag:$0x1] =	stream.indirect.gather [hbm4b:s22+s14], $0x1, s1, s14, $0xb8;
	[tilespmem:$0x4810] =	vst v63  }
0x4c: {  	s20 =	simm.s32 $0x3600  }
0x4d: {  	[tilespmem:s20], [sflag:$0x1] =	stream.indirect.gather [hbm4b:s23+s14], $0x1, s14, s14, $0xb8;
	[tilespmem:$0x4810] =	vst v63  }
0x4e: {  	s21 =	simm.s32 $0x1800  }
0x4f: {  	[tilespmem:s21], [sflag:$0x1] =	stream.indirect.gather [hbm4b:s24+s14], $0x1, s1, s14, $0xb8;
	[tilespmem:$0x4810] =	vst v63  }
0x50: {  	s20 =	simm.s32 $0x3800  }
0x51: {  	[tilespmem:s20], [sflag:$0x1] =	stream.indirect.gather [hbm4b:s25+s14], $0x1, s14, s14, $0xb8;
	[tilespmem:$0x4810] =	vst v63  }
0x52: {  	s21 =	simm.s32 $0x1A00  }
0x53: {  	[tilespmem:s21], [sflag:$0x1] =	stream.indirect.gather [hbm4b:s26+s14], $0x1, s1, s14, $0xb8;
	[tilespmem:$0x4810] =	vst v63  }
0x54: {  	s20 =	simm.s32 $0x3A00  }
0x55: {  	[tilespmem:s20], [sflag:$0x1] =	stream.indirect.gather [hbm4b:s28+s14], $0x1, s14, s14, $0xb8;
	[tilespmem:$0x4810] =	vst v63  }
0x56: {  	s21 =	simm.s32 $0x1C00  }
0x57: {  	[tilespmem:s21], [sflag:$0x1] =	stream.indirect.gather [hbm4b:s29+s14], $0x1, s1, s14, $0xb8;
	[tilespmem:$0x4810] =	vst v63  }
0x58: {  	s20 =	simm.s32 $0x3C00  }
0x59: {  	[tilespmem:s20], [sflag:$0x1] =	stream.indirect.gather [hbm4b:s30+s14], $0x1, s14, s14, $0xb8;
	[tilespmem:$0x4810] =	vst v63  }
0x5a: {  	s21 =	simm.s32 $0x1E00  }
0x5b: {  	[tilespmem:s21], [sflag:$0x1] =	stream.indirect.gather [hbm4b:s31+s14], $0x1, s1, s14, $0xb8;
	[tilespmem:$0x4810] =	vst v63  }
0x5c: {  	s20 =	simm.s32 $0x3E00  }
0x5d: {  	[tilespmem:s20], [sflag:$0x1] =	stream.indirect.gather [hbm4b:s0+s14], $0x1, s14, s14, $0xb8;
	[tilespmem:$0x4810] =	vst v63  }
0x5e: {  	s21 =	simm.s32 $0x2000  }
0x5f: {  	[tilespmem:s21], [sflag:$0x1] =	stream.indirect.gather [hbm4b:s2+s14], $0x1, s1, s14, $0xb8;
	[tilespmem:$0x4810] =	vst v63  }
0x60: {  	s20 =	simm.s32 $0x4000  }
0x61: {  	[tilespmem:s20], [sflag:$0x1] =	stream.indirect.gather [hbm4b:s4+s14], $0x1, s14, s14, $0xb8;
	[tilespmem:$0x4810] =	vst v63  }
0x62: {  	s21 =	simm.s32 $0x2200  }
0x63: {  	[tilespmem:s21], [sflag:$0x1] =	stream.indirect.gather [hbm4b:s5+s14], $0x1, s1, s14, $0xb8;
	[tilespmem:$0x4810] =	vst v63  }
0x64: {  	s20 =	simm.s32 $0x4200  }
0x65: {  	[tilespmem:s20], [sflag:$0x1] =	stream.indirect.gather [hbm4b:s6+s14], $0x1, s14, s14, $0xb8;
	[tilespmem:$0x4810] =	vst v63  }
0x66: {  	s21 =	rddreg [dreg:$0x5]  }
0x67: {  	[tilespmem:s15], [sflag:$0x1] =	stream.indirect.gather [hbm4b:s21+s14], $0x1, s1, s14, $0xb8;
	[tilespmem:$0x4810] =	vst v63  }
0x68: {  	s20 =	rddreg [dreg:$0x6]  }
0x69: {  	[tilespmem:s16], [sflag:$0x1] =	stream.indirect.gather [hbm4b:s20+s14], $0x1, s14, s14, $0xb8;
	[tilespmem:$0x4810] =	vst v63  }
0x6a: {  	_ =	swait.ge [sflag:s17], $0x200  }
0x6b: {  	[sflag:s17] =	ssyncset.done $0x0  }
0x6c: {  	[sflag:s17] =	ssyncadd.s32 $0xFFFFFE00  }
0x6d: {  	_ =	swait.ge [sflag:s17], $0x200  }
0x6e: {  	[sflag:s17] =	ssyncset.done $0x0  }
0x6f: {  	[sflag:s17] =	ssyncadd.s32 $0xFFFFFE00  }
0x70: {  	_ =	swait.ge [sflag:s17], $0x200  }
0x71: {  	[sflag:s17] =	ssyncset.done $0x0  }
0x72: {  	[sflag:s17] =	ssyncadd.s32 $0xFFFFFE00  }
0x73: {  	_ =	swait.ge [sflag:s17], $0x200  }
0x74: {  	[sflag:s17] =	ssyncset.done $0x0  }
0x75: {  	[sflag:s17] =	ssyncadd.s32 $0xFFFFFE00  }
0x76: {  	_ =	swait.ge [sflag:s17], $0x200  }
0x77: {  	[sflag:s17] =	ssyncset.done $0x0  }
0x78: {  	[sflag:s17] =	ssyncadd.s32 $0xFFFFFE00  }
0x79: {  	_ =	swait.ge [sflag:s17], $0x200  }
0x7a: {  	[sflag:s17] =	ssyncset.done $0x0  }
0x7b: {  	[sflag:s17] =	ssyncadd.s32 $0xFFFFFE00  }
0x7c: {  	_ =	swait.ge [sflag:s17], $0x200  }
0x7d: {  	[sflag:s17] =	ssyncset.done $0x0  }
0x7e: {  	[sflag:s17] =	ssyncadd.s32 $0xFFFFFE00  }
0x7f: {  	_ =	swait.ge [sflag:s17], $0x200  }
0x80: {  	[sflag:s17] =	ssyncset.done $0x0  }
0x81: {  	[sflag:s17] =	ssyncadd.s32 $0xFFFFFE00  }
0x82: {  	_ =	swait.ge [sflag:s17], $0x200  }
0x83: {  	[sflag:s17] =	ssyncset.done $0x0  }
0x84: {  	[sflag:s17] =	ssyncadd.s32 $0xFFFFFE00  }
0x85: {  	_ =	swait.ge [sflag:s17], $0x200  }
0x86: {  	[sflag:s17] =	ssyncset.done $0x0  }
0x87: {  	[sflag:s17] =	ssyncadd.s32 $0xFFFFFE00  }
0x88: {  	_ =	swait.ge [sflag:s17], $0x200  }
0x89: {  	[sflag:s17] =	ssyncset.done $0x0  }
0x8a: {  	[sflag:s17] =	ssyncadd.s32 $0xFFFFFE00  }
0x8b: {  	_ =	swait.ge [sflag:s17], $0x200  }
0x8c: {  	[sflag:s17] =	ssyncset.done $0x0  }
0x8d: {  	[sflag:s17] =	ssyncadd.s32 $0xFFFFFE00  }
0x8e: {  	_ =	swait.ge [sflag:s17], $0x200  }
0x8f: {  	[sflag:s17] =	ssyncset.done $0x0  }
0x90: {  	[sflag:s17] =	ssyncadd.s32 $0xFFFFFE00  }
0x91: {  	_ =	swait.ge [sflag:s17], $0x200  }
0x92: {  	[sflag:s17] =	ssyncset.done $0x0  }
0x93: {  	[sflag:s17] =	ssyncadd.s32 $0xFFFFFE00  }
0x94: {  	_ =	swait.ge [sflag:s17], $0x200  }
0x95: {  	[sflag:s17] =	ssyncset.done $0x0  }
0x96: {  	[sflag:s17] =	ssyncadd.s32 $0xFFFFFE00  }
0x97: {  	_ =	swait.ge [sflag:s17], $0x200  }
0x98: {  	[sflag:s17] =	ssyncset.done $0x0  }
0x99: {  	[sflag:s17] =	ssyncadd.s32 $0xFFFFFE00  }
0x9a: {  	_ =	swait.ge [sflag:s17], $0x200  }
0x9b: {  	[sflag:s17] =	ssyncset.done $0x0  }
0x9c: {  	[sflag:s17] =	ssyncadd.s32 $0xFFFFFE00  }
0x9d: {  	_ =	swait.ge [sflag:s17], $0x200  }
0x9e: {  	[sflag:s17] =	ssyncset.done $0x0  }
0x9f: {  	[sflag:s17] =	ssyncadd.s32 $0xFFFFFE00  }
0xa0: {  	_ =	swait.ge [sflag:s17], $0x200  }
0xa1: {  	[sflag:s17] =	ssyncset.done $0x0  }
0xa2: {  	[sflag:s17] =	ssyncadd.s32 $0xFFFFFE00  }
0xa3: {  	_ =	swait.ge [sflag:s17], $0x200  }
0xa4: {  	[sflag:s17] =	ssyncset.done $0x0  }
0xa5: {  	[sflag:s17] =	ssyncadd.s32 $0xFFFFFE00  }
0xa6: {  	_ =	swait.ge [sflag:s17], $0x200  }
0xa7: {  	[sflag:s17] =	ssyncset.done $0x0  }
0xa8: {  	[sflag:s17] =	ssyncadd.s32 $0xFFFFFE00  }
0xa9: {  	_ =	swait.ge [sflag:s17], $0x200  }
0xaa: {  	[sflag:s17] =	ssyncset.done $0x0  }
0xab: {  	[sflag:s17] =	ssyncadd.s32 $0xFFFFFE00  }
0xac: {  	_ =	swait.ge [sflag:s17], $0x200  }
0xad: {  	[sflag:s17] =	ssyncset.done $0x0  }
0xae: {  	[sflag:s17] =	ssyncadd.s32 $0xFFFFFE00  }
0xaf: {  	_ =	swait.ge [sflag:s17], $0x200  }
0xb0: {  	[sflag:s17] =	ssyncset.done $0x0  }
0xb1: {  	[sflag:s17] =	ssyncadd.s32 $0xFFFFFE00  }
0xb2: {  	_ =	swait.ge [sflag:s17], $0x200  }
0xb3: {  	[sflag:s17] =	ssyncset.done $0x0  }
0xb4: {  	[sflag:s17] =	ssyncadd.s32 $0xFFFFFE00  }
0xb5: {  	_ =	swait.ge [sflag:s17], $0x200  }
0xb6: {  	[sflag:s17] =	ssyncset.done $0x0  }
0xb7: {  	[sflag:s17] =	ssyncadd.s32 $0xFFFFFE00  }
0xb8: {  	_ =	swait.ge [sflag:s17], $0x200  }
0xb9: {  	[sflag:s17] =	ssyncset.done $0x0  }
0xba: {  	[sflag:s17] =	ssyncadd.s32 $0xFFFFFE00  }
0xbb: {  	_ =	swait.ge [sflag:s17], $0x200  }
0xbc: {  	[sflag:s17] =	ssyncset.done $0x0  }
0xbd: {  	[sflag:s17] =	ssyncadd.s32 $0xFFFFFE00  }
0xbe: {  	_ =	swait.ge [sflag:s17], $0x200  }
0xbf: {  	[sflag:s17] =	ssyncset.done $0x0  }
0xc0: {  	[sflag:s17] =	ssyncadd.s32 $0xFFFFFE00  }
0xc1: {  	_ =	swait.ge [sflag:s17], $0x200  }
0xc2: {  	[sflag:s17] =	ssyncset.done $0x0  }
0xc3: {  	[sflag:s17] =	ssyncadd.s32 $0xFFFFFE00  }
0xc4: {  	_ =	swait.ge [sflag:s17], $0x200  }
0xc5: {  	[sflag:s17] =	ssyncset.done $0x0  }
0xc6: {  	[sflag:s17] =	ssyncadd.s32 $0xFFFFFE00  }
0xc7: {  	_ =	swait.ge [sflag:s17], $0x200  }
0xc8: {  	[sflag:s17] =	ssyncset.done $0x0  }
0xc9: {  	[sflag:s17] =	ssyncadd.s32 $0xFFFFFE00  }
0xca: {  	_ =	swait.ge [sflag:s17], $0x200  }
0xcb: {  	[sflag:s17] =	ssyncset.done $0x0  }
0xcc: {  	[sflag:s17] =	ssyncadd.s32 $0xFFFFFE00  }
0xcd: {  	_ =	swait.ge [sflag:s17], $0x200  }
0xce: {  	[sflag:s17] =	ssyncset.done $0x0  }
0xcf: {  	s21 =	simm.s32 $0x440;
	[sflag:s17] =	ssyncadd.s32 $0xFFFFFE00  }
0xd0: {  	s19 =	simm.s32 $0x2440;
	v0 =	vld [tilespmem:s21+$0xFFFFFFC0]  }
0xd1: {  	v1 =	vld [tilespmem:s19+$0xFFFFFFC0]  }
0xd2: {  	v2 =	vld [tilespmem:s21+$0xFFFFFFD0]  }
0xd3: {  	v3 =	vld [tilespmem:s19+$0xFFFFFFD0]  }
0xd4: {  	v4 =	vld [tilespmem:s21+$0xFFFFFFE0]  }
0xd5: {  	v5 =	vld [tilespmem:s19+$0xFFFFFFE0]  }
0xd6: {  	v6 =	vld [tilespmem:s21+$0xFFFFFFF0];
	v0 =	vmul.f32 v1, v0  }
0xd7: {  	v7 =	vld [tilespmem:s19+$0xFFFFFFF0];
	v1 =	vimm.f32 $0.0e+00  }
0xd8: {  	v8 =	vld [tilespmem:s21+$0x0];
	v2 =	vmul.f32 v3, v2;
	v0 =	vadd.f32 v0, v1  }
0xd9: {  	v9 =	vld [tilespmem:s19+$0x0]  }
0xda: {  	v3 =	vmul.f32 v5, v4;
	v4 =	vld [tilespmem:s19+$0x10];
	v2 =	vadd.f32 v2, v0  }
0xdb: {  	v1 =	vld [tilespmem:s21+$0x10]  }
0xdc: {  	v6 =	vmul.f32 v7, v6;
	v0 =	vld [tilespmem:s21+$0x20];
	v5 =	vadd.f32 v3, v2  }
0xdd: {  	v3 =	vld [tilespmem:s19+$0x20]  }
0xde: {  	v7 =	vmul.f32 v9, v8;
	v2 =	vld [tilespmem:s21+$0x30];
	v6 =	vadd.f32 v6, v5  }
0xdf: {  	s20 =	simm.s32 $0x0;
	s21 =	simm.s32 $0x4C0;
	v5 =	vld [tilespmem:s19+$0x30]  }
.LBB2_2:
0xe0: {  	v8 =	vld [tilespmem:s21+$0xFFFFFFC0];
	v6 =	vadd.f32 v7, v6;
	v1 =	vmul.f32 v4, v1;
	s19 =	sadd.s32 $0x80, s19  }
0xe1: {  	s20 =	sadd.s32 $0x8, s20;
	v4 =	vld [tilespmem:s19+$0xFFFFFFC0]  }
0xe2: {  	p0 =	slt.u32 s20, $0x1F8;
	v7 =	vld [tilespmem:s21+$0xFFFFFFD0];
	v1 =	vadd.f32 v1, v6;
	v0 =	vmul.f32 v3, v0  }
0xe3: {  	v3 =	vld [tilespmem:s19+$0xFFFFFFD0]  }
0xe4: {  	v6 =	vld [tilespmem:s21+$0xFFFFFFE0];
	v0 =	vadd.f32 v0, v1;
	v1 =	vmul.f32 v5, v2  }
0xe5: {  	v2 =	vld [tilespmem:s19+$0xFFFFFFE0]  }
0xe6: {  	v4 =	vmul.f32 v4, v8;
	v5 =	vld [tilespmem:s21+$0xFFFFFFF0];
	v0 =	vadd.f32 v1, v0  }
0xe7: {  	v8 =	vld [tilespmem:s19+$0xFFFFFFF0]  }
0xe8: {  	v0 =	vadd.f32 v4, v0;
	v1 =	vmul.f32 v3, v7;
	v7 =	vld [tilespmem:s21+$0x0]  }
0xe9: {  	v9 =	vld [tilespmem:s19+$0x0]  }
0xea: {  	v0 =	vadd.f32 v1, v0;
	v2 =	vmul.f32 v2, v6;
	v1 =	vld [tilespmem:s21+$0x10]  }
.Ltmp0:
0xeb: {  	v4 =	vld [tilespmem:s19+$0x10];
	(pc) =	sbr.rel @p0 .LBB2_2-.Ltmp0, $4  }
0xec: {  	v2 =	vadd.f32 v2, v0;
	v5 =	vmul.f32 v8, v5;
	v0 =	vld [tilespmem:s21+$0x20]  }
0xed: {  	v3 =	vld [tilespmem:s19+$0x20]  }
0xee: {  	v6 =	vadd.f32 v5, v2;
	v7 =	vmul.f32 v9, v7;
	v2 =	vld [tilespmem:s21+$0x30]  }
0xef: {  	s21 =	sadd.s32 $0x80, s21;
	v5 =	vld [tilespmem:s19+$0x30]  }
0xf0: {  	v6 =	vadd.f32 v7, v6;
	v1 =	vmul.f32 v4, v1;
	_ =	sdelay $0x1  }
0xf1: {  	v1 =	vadd.f32 v1, v6;
	v0 =	vmul.f32 v3, v0;
	_ =	sdelay $0x1  }
0xf2: {  	v0 =	vadd.f32 v0, v1;
	v63 =	vmul.f32 v5, v2;
	_ =	sdelay $0x1  }
0xf3: {  	v0 =	vadd.f32 v63, v0;
	_ =	sdelay $0x1  }
0xf4: {  	s19 =	simm.s32 $0x4800;
	[tilespmem:$0x4800] =	vst v0  }
0xf5: {  	[hbm4b:s8+s1] =	stream.linear.scatter [tilespmem:s19], [sflag:$0x2], $0x10, $0x38;
	[tilespmem:$0x4810] =	vst v63  }
0xf6: {  	_ =	swait.ge [sflag:s13], $0x10  }
0xf7: {  	[sflag:s13] =	ssyncset.done $0x0  }
0xf8: {  	[sflag:s13] =	ssyncadd.s32 $0xFFFFFFF0  }
0xf9: {  	[hbm4b:s10+s1] =	stream.linear.scatter [tilespmem:s15], [sflag:$0x2], $0x200, $0x38;
	[tilespmem:$0x4810] =	vst v63  }
0xfa: {  	s18 =	sadd.s32 $0x1, s18;
	_ =	swait.ge [sflag:s13], $0x200  }
0xfb: {  	p0 =	sne.s32 s18, s12;
	[sflag:s13] =	ssyncset.done $0x0  }
.Ltmp1:
0xfc: {  	[sflag:s13] =	ssyncadd.s32 $0xFFFFFE00;
	(pc) =	sbr.rel @p0 .LBB2_1-.Ltmp1, $4  }
0xfd: {  	[hbm4b:s11+s1] =	stream.linear.scatter [tilespmem:s16], [sflag:$0x2], $0x200, $0x38;
	[tilespmem:$0x4810] =	vst v63  }
0xfe: {  	_ =	swait.ge [sflag:s13], $0x200  }
0xff: {  	[sflag:s13] =	ssyncset.done $0x0  }
0x100: {  	[sflag:s13] =	ssyncadd.s32 $0xFFFFFE00  }
0x101: {  	_ =	sfence.sel $0x180000  }
0x102: {  	[bflag:$0x0] =	sbarrier.arrive $0xFFFF  }
0x103: {  	_ =	strace $0x90000047  }
0x104: {  	s0 =	stileid.u32;
	[bflag:$0x2] =	sbarrier.arrive $0xFFFF  }
0x105: {  	p0 =	sne.s32 s0, $0x0;
	s0 =	rddreg [dreg:$0x2]  }
0x106: {  	s0 =	sadd.s32 @!p0 $0x100000, s0  }
0x107: {  	[sflag:s0] =	ssyncadd.tile.s32 @!p0 $0x1;
	_ =	shalt  }
.Lfunc_end2:
_tile_overlayer_lowered:
.L_overlay_start_2:
0x108: {  	(tag) =	ssettag $0x2  }
0x109: {  	s0 =	rddreg [dreg:$0x0];
	s2 =	stileid.u32  }
0x10a: {  	s1 =	rddreg [dreg:$0x1];
	p0 =	sne.s32 s2, $0x0  }
0x10b: {  	s3 =	rddreg [dreg:$0x2];
	[bflag:$0x3] =	sbarrier.arrive $0xFFFF;
	s2 =	simm.s32 @!p0 $0x1C02  }
0x10c: {  	[timem:s3], [sflag:s2] =	dma.local @!p0 [hbm:s0], s1  }
0x10d: {  	s0 =	simm.s32 @!p0 $0x2  }
0x10e: {  	_ =	swait.ge @!p0 [sflag:s0], s1  }
0x10f: {  	s1 =	ssub.s32 @!p0 $0x0, s1;
	[sflag:s0] =	ssyncset.done @!p0 $0x0  }
0x110: {  	[sflag:s0] =	ssyncadd.s32 @!p0 s1  }
0x111: {  	[bflag:$0x3] =	sbarrier.arrive $0xFFFF  }
0x112: {  	_ =	shalt  }

</sc_bundles>
